<compile_context>
chip_gen: v7x
topology: tpu7x:2x2x1
jax: 0.10.2.dev20260603
libtpu: 0.0.44.dev20260713+nightly
codegen_flags: <defaults>
</compile_context>

<pallas_src>
import jax
import jax.numpy as jnp
from jax import lax
from jax.experimental import pallas as pl
from jax.experimental.pallas import tpu as pltpu
from jax.experimental.pallas import tpu_sc as plsc

N_NODES = 10000
N_HEDGES = 20000
NNZ = 320000
D = 128
Q = 32
NC = 2
NS = 16
CH = 80
RPT = NNZ // NS // CH
ERT = N_HEDGES // NS
VRT = N_NODES // NS

_MESH = dict(core_axis_name="c", subcore_axis_name="s", num_cores=NC,
             num_subcores=NS)
_PARAMS = pltpu.CompilerParams(use_tc_tiling_on_sc=False)


NB1 = 12
NB2 = 8


def _pipelined_pass(table, idx_g, idx_s, rows, acc, semg, sems, nbuf,
                    hook=None):
    for p in range(nbuf - 1):
        pltpu.async_copy(table.at[idx_g.at[p]], rows.at[p], semg.at[p])

    def body(j, carry):
        nxt = j + nbuf - 1

        @pl.when(nxt < RPT)
        def _():
            @pl.when(j >= 1)
            def _():
                pltpu.make_async_copy(
                    rows.at[nxt % nbuf], acc.at[idx_s.at[j - 1]],
                    sems.at[nxt % nbuf]).wait()

            pltpu.async_copy(table.at[idx_g.at[nxt]], rows.at[nxt % nbuf],
                             semg.at[nxt % nbuf])

        pltpu.make_async_copy(table.at[idx_g.at[j]], rows.at[j % nbuf],
                              semg.at[j % nbuf]).wait()
        pltpu.async_copy(rows.at[j % nbuf], acc.at[idx_s.at[j]],
                         sems.at[j % nbuf], add=True)
        if hook is not None:
            hook(j)
        return carry

    lax.fori_loop(0, RPT, body, 0)
    for p in range(nbuf):
        pltpu.make_async_copy(rows.at[p], acc.at[idx_s.at[RPT - 1]],
                              sems.at[p]).wait()


def _phase1_body(xs, vv, ee, zq, z16, ones_h, xe_out, deg_out,
                 vidx, eidx, rows, ones_v, xe_sh, deg_sh, semg, sems, semd):
    c = lax.axis_index("c")
    s = lax.axis_index("s")
    pltpu.sync_copy(ones_h, ones_v)
    pltpu.sync_copy(vv.at[s], vidx)
    pltpu.sync_copy(ee.at[s], eidx)
    pltpu.sync_copy(z16, deg_sh.at[pl.ds(s * VRT, VRT)])
    r0 = s * ERT
    half = RPT // 2
    for k in range(2):
        g = 2 * c + k
        pltpu.sync_copy(zq, xe_sh.at[pl.ds(r0, VRT)])
        pltpu.sync_copy(zq, xe_sh.at[pl.ds(r0 + VRT, VRT)])
        plsc.subcore_barrier()

        def deg_hook(j):
            if k == 0:
                @pl.when(jnp.logical_and(j >= c * half, j < (c + 1) * half))
                def _():
                    pltpu.async_copy(ones_v, deg_sh.at[vidx.at[j]], semd,
                                     add=True)

        _pipelined_pass(xs.at[g], vidx, eidx, rows, xe_sh, semg, sems,
                        NB1, hook=deg_hook)
        if k == 0:
            def drain(j, carry):
                pltpu.make_async_copy(ones_v, deg_sh.at[vidx.at[0]],
                                      semd).wait()
                return carry

            lax.fori_loop(0, half, drain, 0)
        plsc.subcore_barrier()
        pltpu.sync_copy(xe_sh.at[pl.ds(r0, ERT)],
                        xe_out.at[c, s, :, pl.ds(k * Q, Q)])
    pltpu.sync_copy(deg_sh.at[pl.ds(s * VRT, VRT)], deg_out.at[c].at[s])


def _phase2_body(xe2, vv, ee, zh, xv_out,
                 vidx, eidx, rows, xv_sh, semg, sems):
    c = lax.axis_index("c")
    s = lax.axis_index("s")
    pltpu.sync_copy(vv.at[s], vidx)
    pltpu.sync_copy(ee.at[s], eidx)
    r0 = s * VRT
    pltpu.sync_copy(zh, xv_sh.at[pl.ds(r0, VRT)])
    plsc.subcore_barrier()
    _pipelined_pass(xe2.at[c], eidx, vidx, rows, xv_sh, semg, sems, NB2)
    plsc.subcore_barrier()
    pltpu.sync_copy(xv_sh.at[pl.ds(r0, VRT)], xv_out.at[c].at[s])


def _sc_phase1(xsplit, v2d, e2d, zq, z16, ones16):
    return pl.kernel(
        _phase1_body,
        out_type=(jax.ShapeDtypeStruct((NC, NS, ERT, 2 * Q), jnp.float32),
                  jax.ShapeDtypeStruct((NC, NS, VRT, 16), jnp.float32)),
        mesh=plsc.VectorSubcoreMesh(**_MESH),
        compiler_params=_PARAMS,
        scratch_types=[
            pltpu.VMEM((RPT, CH), jnp.int32),
            pltpu.VMEM((RPT, CH), jnp.int32),
            pltpu.VMEM((NB1, CH, Q), jnp.float32),
            pltpu.VMEM((CH, 16), jnp.float32),
            pltpu.VMEM_SHARED((N_HEDGES, Q), jnp.float32),
            pltpu.VMEM_SHARED((N_NODES, 16), jnp.float32),
            pltpu.SemaphoreType.DMA((NB1,)),
            pltpu.SemaphoreType.DMA((NB1,)),
            pltpu.SemaphoreType.DMA,
        ],
    )(xsplit, v2d, e2d, zq, z16, ones16)


def _sc_phase2(xe2, v2d, e2d, zh):
    return pl.kernel(
        _phase2_body,
        out_type=jax.ShapeDtypeStruct((NC, NS, VRT, 2 * Q), jnp.float32),
        mesh=plsc.VectorSubcoreMesh(**_MESH),
        compiler_params=_PARAMS,
        scratch_types=[
            pltpu.VMEM((RPT, CH), jnp.int32),
            pltpu.VMEM((RPT, CH), jnp.int32),
            pltpu.VMEM((NB2, CH, 2 * Q), jnp.float32),
            pltpu.VMEM_SHARED((N_NODES, 2 * Q), jnp.float32),
            pltpu.SemaphoreType.DMA((NB2,)),
            pltpu.SemaphoreType.DMA((NB2,)),
        ],
    )(xe2, v2d, e2d, zh)


def _dense_body(xr, dr, v0r, v1r, wbr, war, wcr, bbr, bar, bcr,
                co, hlo, hro):
    deg = dr[0, :, 0:1] + dr[1, :, 0:1]
    a1 = xr[...] * deg
    a2 = jnp.concatenate([v0r[...], v1r[...]], axis=1)
    wb = wbr[...]
    wa = war[...]
    wc = wcr[...]
    f32 = jnp.float32
    c_ = (jnp.dot(a1, wb[:D], preferred_element_type=f32)
          + jnp.dot(a2, wb[D:], preferred_element_type=f32) + bbr[...])
    aa1 = jnp.abs(a1)
    aa2 = jnp.abs(a2)
    sl = (jnp.dot(aa1, wa[:D], preferred_element_type=f32)
          + jnp.dot(aa2, wa[D:], preferred_element_type=f32) + bar[...])
    sr = (jnp.dot(aa1, wc[:D], preferred_element_type=f32)
          + jnp.dot(aa2, wc[D:], preferred_element_type=f32) + bcr[...])
    co[...] = c_
    hlo[...] = c_ - sl
    hro[...] = c_ + sr


def _dense(X, dd, xv2, w_b, w_a, w_c, b_b, b_a, b_c):
    B = 1000
    grid = (N_NODES // B,)
    row_blk = pl.BlockSpec((B, D), lambda i: (i, 0))
    h_blk = pl.BlockSpec((B, 2 * Q), lambda i: (i, 0))
    w_blk = pl.BlockSpec((2 * D, D), lambda i: (0, 0))
    b_blk = pl.BlockSpec((1, D), lambda i: (0, 0))
    out_sd = jax.ShapeDtypeStruct((N_NODES, D), jnp.float32)
    return pl.pallas_call(
        _dense_body,
        grid=grid,
        in_specs=[
            row_blk,
            pl.BlockSpec((NC, B, 16), lambda i: (0, i, 0)),
            h_blk, h_blk,
            w_blk, w_blk, w_blk,
            b_blk, b_blk, b_blk,
        ],
        out_specs=(row_blk, row_blk, row_blk),
        out_shape=(out_sd, out_sd, out_sd),
    )(X, dd, xv2[0], xv2[1], w_b, w_a, w_c, b_b, b_a, b_c)


def kernel(X, vertex, edges, X0, w_b, w_a, w_c, b_b, b_a, b_c):
    del X0
    v = vertex.astype(jnp.int32)
    e = edges.astype(jnp.int32)
    xsplit = jnp.stack([X[:, g * Q:(g + 1) * Q] for g in range(4)])
    v2d = v.reshape(NS, RPT, CH)
    e2d = e.reshape(NS, RPT, CH)
    zq = jnp.zeros((VRT, Q), jnp.float32)
    z16 = jnp.zeros((VRT, 16), jnp.float32)
    zh = jnp.zeros((VRT, 2 * Q), jnp.float32)
    ones16 = jnp.ones((CH, 16), jnp.float32)
    xe, dd = _sc_phase1(xsplit, v2d, e2d, zq, z16, ones16)
    xe2 = xe.reshape(NC, N_HEDGES, 2 * Q)
    xv = _sc_phase2(xe2, v2d, e2d, zh)
    xv2 = xv.reshape(NC, N_NODES, 2 * Q)
    dd = dd.reshape(NC, N_NODES, 16)
    return _dense(X, dd, xv2, w_b, w_a, w_c, b_b, b_a, b_c)

# --- scband reference (transcript-rebuilt; emitter-appended) ---
"""Pipeline reference for scband-crisp-to-fuzzy-conv-82231443849328 (READ-ONLY COPY).

The authoritative reference and input builder live on the scoring server;
editing this copy changes nothing except your own understanding.
"""

import jax, jax.numpy as jnp
import numpy as np

N_NODES = 10000
N_HEDGES = 20000
NNZ = 320000
D = 128

def setup_inputs(seed: int = 0):
    key = jax.random.key(seed)
    ks = jax.random.split(key, 10)
    X = jax.random.normal(ks[0], (N_NODES, D), dtype=jnp.float32)
    vertex = jax.random.randint(ks[1], (NNZ,), 0, N_NODES)
    edges = jax.random.randint(ks[2], (NNZ,), 0, N_HEDGES)
    X0 = jax.random.normal(ks[3], (N_NODES, D), dtype=jnp.float32)
    w_b = jax.random.uniform(ks[4], (2 * D, D), minval=0.02, maxval=0.05, dtype=jnp.float32)
    w_a = jax.random.uniform(ks[5], (2 * D, D), minval=0.02, maxval=0.05, dtype=jnp.float32)
    w_c = jax.random.uniform(ks[6], (2 * D, D), minval=0.02, maxval=0.05, dtype=jnp.float32)
    b_b = jax.random.uniform(ks[7], (1, D), minval=0.02, maxval=0.05, dtype=jnp.float32)
    b_a = jax.random.uniform(ks[8], (1, D), minval=0.02, maxval=0.05, dtype=jnp.float32)
    b_c = jax.random.uniform(ks[9], (1, D), minval=0.02, maxval=0.05, dtype=jnp.float32)
    return {"X": X, "vertex": vertex, "edges": edges, "X0": X0,
            "w_b": w_b, "w_a": w_a, "w_c": w_c, "b_b": b_b, "b_a": b_a, "b_c": b_c}


def reference(X, vertex, edges, X0, w_b, w_a, w_c, b_b, b_a, b_c):
    N = X.shape[-2]
    # node -> incidence gather
    Xve = X[vertex]
    # scatter-add over hyperedges (aggr='add')
    Xe = jax.ops.segment_sum(Xve, edges, num_segments=N_HEDGES)
    # hyperedge -> incidence gather
    Xev = Xe[edges]
    Xev = jnp.concatenate([X[vertex], Xev], axis=-1)
    # scatter-add back to nodes (dim_size=N)
    Xv = jax.ops.segment_sum(Xev, vertex, num_segments=N)
    # normalization is Identity (InputNorm=False)
    Xn = Xv
    center = jnp.matmul(Xn, w_b) + b_b
    scope_l = jnp.matmul(jnp.abs(Xn), w_a) + b_a
    scope_r = jnp.matmul(jnp.abs(Xn), w_c) + b_c
    HL = center - scope_l
    HR = center + scope_r
    return (center, HL, HR)

if __name__ == "__main__":
    import jax
    _d = setup_inputs()
    print(jax.jit(kernel)(*tuple(_d.values())))

</pallas_src>

<mosaic_0001>
#map = affine_map<(d0, d1) -> (0, 0, 0)>
#map1 = affine_map<(d0, d1) -> (0, 0)>
#map2 = affine_map<(d0, d1) -> (0, 0, 0, 0)>
module attributes {stable_mosaic.version = 14 : i64} {
  func.func @_phase2_body(%arg0: i32, %arg1: i32, %arg2: memref<2x20000x64xf32, #tpu.memory_space<hbm>>, %arg3: memref<16x250x80xi32, #tpu.memory_space<hbm>>, %arg4: memref<16x250x80xi32, #tpu.memory_space<hbm>>, %arg5: memref<625x64xf32, #tpu.memory_space<hbm>>, %arg6: memref<2x16x625x64xf32, #tpu.memory_space<hbm>>, %arg7: memref<250x80xi32, #tpu.memory_space<vmem>>, %arg8: memref<250x80xi32, #tpu.memory_space<vmem>>, %arg9: memref<8x80x64xf32, #tpu.memory_space<vmem>>, %arg10: memref<10000x64xf32, #tpu.memory_space<vmem_shared>>, %arg11: memref<8x!tpu.dma_semaphore, #tpu.memory_space<semaphore_mem>>, %arg12: memref<8x!tpu.dma_semaphore, #tpu.memory_space<semaphore_mem>>) attributes {dimension_semantics = [#tpu.dimension_semantics<core_parallel>, #tpu.dimension_semantics<subcore_parallel>], iteration_bounds = array<i64: 2, 16>, scalar_prefetch = 0 : i64, scratch_operands = 6 : i64, tpu.core_type = #tpu.core_type<sc_vector_subcore>, window_params = [{transform_indices = #map}, {transform_indices = #map}, {transform_indices = #map}, {transform_indices = #map1}, {transform_indices = #map2}]} {
    "tpu.region"() ({
      %run_scoped3A = tpu.sem_alloc : memref<!tpu.dma_semaphore, #tpu.memory_space<semaphore_mem>>
      %dma_start3A_258 = arith.constant 0 : i32
      %dma_start3A_259 = arith.constant 0 : i32
      %dma_start3A_260 = tpu.memref_slice %arg3[%arg1, %dma_start3A_258, %dma_start3A_259] : memref<16x250x80xi32, #tpu.memory_space<hbm>> -> memref<1x250x80xi32, #tpu.memory_space<hbm>>
      %dma_start3A_261 = tpu.memref_squeeze %dma_start3A_260 : memref<1x250x80xi32, #tpu.memory_space<hbm>> -> memref<250x80xi32, #tpu.memory_space<hbm>>
      %dma_start3A_262 = arith.constant 0 : i32
      %dma_start3A_263 = arith.constant 0 : i32
      %dma_start3A_264 = tpu.memref_slice %arg3[%arg1, %dma_start3A_262, %dma_start3A_263] : memref<16x250x80xi32, #tpu.memory_space<hbm>> -> memref<1x250x80xi32, #tpu.memory_space<hbm>>
      %dma_start3A_265 = tpu.memref_squeeze %dma_start3A_264 : memref<1x250x80xi32, #tpu.memory_space<hbm>> -> memref<250x80xi32, #tpu.memory_space<hbm>>
      tpu.enqueue_dma source(%dma_start3A_265 : memref<250x80xi32, #tpu.memory_space<hbm>>) target(%arg7 : memref<250x80xi32, #tpu.memory_space<vmem>>) target_semaphore(%run_scoped3A : memref<!tpu.dma_semaphore, #tpu.memory_space<semaphore_mem>>)
      %dma_wait3A_266 = arith.constant 0 : i32
      %dma_wait3A_267 = arith.constant 0 : i32
      %dma_wait3A_268 = tpu.memref_slice %arg3[%arg1, %dma_wait3A_266, %dma_wait3A_267] : memref<16x250x80xi32, #tpu.memory_space<hbm>> -> memref<1x250x80xi32, #tpu.memory_space<hbm>>
      %dma_wait3A_269 = tpu.memref_squeeze %dma_wait3A_268 : memref<1x250x80xi32, #tpu.memory_space<hbm>> -> memref<250x80xi32, #tpu.memory_space<hbm>>
      %dma_wait3A_270 = arith.constant 0 : i32
      %dma_wait3A_271 = arith.constant 0 : i32
      %dma_wait3A_272 = tpu.memref_slice %arg3[%arg1, %dma_wait3A_270, %dma_wait3A_271] : memref<16x250x80xi32, #tpu.memory_space<hbm>> -> memref<1x250x80xi32, #tpu.memory_space<hbm>>
      %dma_wait3A_273 = tpu.memref_squeeze %dma_wait3A_272 : memref<1x250x80xi32, #tpu.memory_space<hbm>> -> memref<250x80xi32, #tpu.memory_space<hbm>>
      tpu.wait_dma2 semaphore(%run_scoped3A : memref<!tpu.dma_semaphore, #tpu.memory_space<semaphore_mem>>) src(%dma_wait3A_273 : memref<250x80xi32, #tpu.memory_space<hbm>>) dst(%arg7 : memref<250x80xi32, #tpu.memory_space<vmem>>)
      tpu.yield
    }) : () -> ()
    "tpu.region"() ({
      %run_scoped3A = tpu.sem_alloc : memref<!tpu.dma_semaphore, #tpu.memory_space<semaphore_mem>>
      %dma_start3A_258 = arith.constant 0 : i32
      %dma_start3A_259 = arith.constant 0 : i32
      %dma_start3A_260 = tpu.memref_slice %arg4[%arg1, %dma_start3A_258, %dma_start3A_259] : memref<16x250x80xi32, #tpu.memory_space<hbm>> -> memref<1x250x80xi32, #tpu.memory_space<hbm>>
      %dma_start3A_261 = tpu.memref_squeeze %dma_start3A_260 : memref<1x250x80xi32, #tpu.memory_space<hbm>> -> memref<250x80xi32, #tpu.memory_space<hbm>>
      %dma_start3A_262 = arith.constant 0 : i32
      %dma_start3A_263 = arith.constant 0 : i32
      %dma_start3A_264 = tpu.memref_slice %arg4[%arg1, %dma_start3A_262, %dma_start3A_263] : memref<16x250x80xi32, #tpu.memory_space<hbm>> -> memref<1x250x80xi32, #tpu.memory_space<hbm>>
      %dma_start3A_265 = tpu.memref_squeeze %dma_start3A_264 : memref<1x250x80xi32, #tpu.memory_space<hbm>> -> memref<250x80xi32, #tpu.memory_space<hbm>>
      tpu.enqueue_dma source(%dma_start3A_265 : memref<250x80xi32, #tpu.memory_space<hbm>>) target(%arg8 : memref<250x80xi32, #tpu.memory_space<vmem>>) target_semaphore(%run_scoped3A : memref<!tpu.dma_semaphore, #tpu.memory_space<semaphore_mem>>)
      %dma_wait3A_266 = arith.constant 0 : i32
      %dma_wait3A_267 = arith.constant 0 : i32
      %dma_wait3A_268 = tpu.memref_slice %arg4[%arg1, %dma_wait3A_266, %dma_wait3A_267] : memref<16x250x80xi32, #tpu.memory_space<hbm>> -> memref<1x250x80xi32, #tpu.memory_space<hbm>>
      %dma_wait3A_269 = tpu.memref_squeeze %dma_wait3A_268 : memref<1x250x80xi32, #tpu.memory_space<hbm>> -> memref<250x80xi32, #tpu.memory_space<hbm>>
      %dma_wait3A_270 = arith.constant 0 : i32
      %dma_wait3A_271 = arith.constant 0 : i32
      %dma_wait3A_272 = tpu.memref_slice %arg4[%arg1, %dma_wait3A_270, %dma_wait3A_271] : memref<16x250x80xi32, #tpu.memory_space<hbm>> -> memref<1x250x80xi32, #tpu.memory_space<hbm>>
      %dma_wait3A_273 = tpu.memref_squeeze %dma_wait3A_272 : memref<1x250x80xi32, #tpu.memory_space<hbm>> -> memref<250x80xi32, #tpu.memory_space<hbm>>
      tpu.wait_dma2 semaphore(%run_scoped3A : memref<!tpu.dma_semaphore, #tpu.memory_space<semaphore_mem>>) src(%dma_wait3A_273 : memref<250x80xi32, #tpu.memory_space<hbm>>) dst(%arg8 : memref<250x80xi32, #tpu.memory_space<vmem>>)
      tpu.yield
    }) : () -> ()
    %mul3A = arith.constant 625 : i32
    %mul3A_0 = arith.muli %arg1, %mul3A : i32
    "tpu.region"() ({
      %run_scoped3A = tpu.sem_alloc : memref<!tpu.dma_semaphore, #tpu.memory_space<semaphore_mem>>
      %dma_start3A_258 = arith.constant 0 : i32
      %dma_start3A_259 = tpu.memref_slice %arg10[%mul3A_0, %dma_start3A_258] : memref<10000x64xf32, #tpu.memory_space<vmem_shared>> -> memref<625x64xf32, #tpu.memory_space<vmem_shared>>
      tpu.enqueue_dma source(%arg5 : memref<625x64xf32, #tpu.memory_space<hbm>>) target(%dma_start3A_259 : memref<625x64xf32, #tpu.memory_space<vmem_shared>>) target_semaphore(%run_scoped3A : memref<!tpu.dma_semaphore, #tpu.memory_space<semaphore_mem>>)
      %dma_wait3A_260 = arith.constant 0 : i32
      %dma_wait3A_261 = tpu.memref_slice %arg10[%mul3A_0, %dma_wait3A_260] : memref<10000x64xf32, #tpu.memory_space<vmem_shared>> -> memref<625x64xf32, #tpu.memory_space<vmem_shared>>
      tpu.wait_dma2 semaphore(%run_scoped3A : memref<!tpu.dma_semaphore, #tpu.memory_space<semaphore_mem>>) src(%arg5 : memref<625x64xf32, #tpu.memory_space<hbm>>) dst(%dma_wait3A_261 : memref<625x64xf32, #tpu.memory_space<vmem_shared>>)
      tpu.yield
    }) : () -> ()
    %barrier3A = arith.constant 0 : index
    tpu.barrier barrier_id(%barrier3A)
    %dma_start3A = arith.constant 0 : i32
    %dma_start3A_1 = arith.constant 0 : i32
    %dma_start3A_2 = arith.constant 0 : i32
    %dma_start3A_3 = arith.constant 0 : i32
    %dma_start3A_4 = arith.constant 0 : i32
    %dma_start3A_5 = tpu.memref_slice %arg9[%dma_start3A_1, %dma_start3A_3, %dma_start3A_4] : memref<8x80x64xf32, #tpu.memory_space<vmem>> -> memref<1x80x64xf32, #tpu.memory_space<vmem>>
    %dma_start3A_6 = tpu.memref_squeeze %dma_start3A_5 : memref<1x80x64xf32, #tpu.memory_space<vmem>> -> memref<80x64xf32, #tpu.memory_space<vmem>>
    %dma_start3A_7 = arith.constant 0 : i32
    %dma_start3A_8 = tpu.memref_slice %arg8[%dma_start3A, %dma_start3A_7] : memref<250x80xi32, #tpu.memory_space<vmem>> -> memref<1x80xi32, #tpu.memory_space<vmem>>
    %dma_start3A_9 = tpu.memref_squeeze %dma_start3A_8 : memref<1x80xi32, #tpu.memory_space<vmem>> -> memref<80xi32, #tpu.memory_space<vmem>>
    %dma_start3A_10 = arith.constant 0 : i32
    %dma_start3A_11 = arith.constant 0 : i32
    %dma_start3A_12 = tpu.memref_slice %arg2[%arg0, %dma_start3A_10, %dma_start3A_11] : memref<2x20000x64xf32, #tpu.memory_space<hbm>> -> memref<1x20000x64xf32, #tpu.memory_space<hbm>>
    %dma_start3A_13 = tpu.memref_squeeze %dma_start3A_12 : memref<1x20000x64xf32, #tpu.memory_space<hbm>> -> memref<20000x64xf32, #tpu.memory_space<hbm>>
    %dma_start3A_14 = arith.constant 0 : i32
    %dma_start3A_15 = arith.constant 0 : i32
    %dma_start3A_16 = tpu.memref_slice %dma_start3A_13[%dma_start3A_14, %dma_start3A_15] : memref<20000x64xf32, #tpu.memory_space<hbm>> -> memref<20000x64xf32, #tpu.memory_space<hbm>>
    %dma_start3A_17 = tpu.memref_slice %arg11[%dma_start3A_2] : memref<8x!tpu.dma_semaphore, #tpu.memory_space<semaphore_mem>> -> memref<1x!tpu.dma_semaphore, #tpu.memory_space<semaphore_mem>>
    %dma_start3A_18 = tpu.memref_squeeze %dma_start3A_17 : memref<1x!tpu.dma_semaphore, #tpu.memory_space<semaphore_mem>> -> memref<!tpu.dma_semaphore, #tpu.memory_space<semaphore_mem>>
    tpu.enqueue_indirect_dma source(%dma_start3A_16 : memref<20000x64xf32, #tpu.memory_space<hbm>>) target(%dma_start3A_6 : memref<80x64xf32, #tpu.memory_space<vmem>>) offsets(%dma_start3A_9 : memref<80xi32, #tpu.memory_space<vmem>>) semaphore(%dma_start3A_18 : memref<!tpu.dma_semaphore, #tpu.memory_space<semaphore_mem>>)
    %dma_start3A_19 = arith.constant 1 : i32
    %dma_start3A_20 = arith.constant 1 : i32
    %dma_start3A_21 = arith.constant 1 : i32
    %dma_start3A_22 = arith.constant 0 : i32
    %dma_start3A_23 = arith.constant 0 : i32
    %dma_start3A_24 = tpu.memref_slice %arg9[%dma_start3A_20, %dma_start3A_22, %dma_start3A_23] : memref<8x80x64xf32, #tpu.memory_space<vmem>> -> memref<1x80x64xf32, #tpu.memory_space<vmem>>
    %dma_start3A_25 = tpu.memref_squeeze %dma_start3A_24 : memref<1x80x64xf32, #tpu.memory_space<vmem>> -> memref<80x64xf32, #tpu.memory_space<vmem>>
    %dma_start3A_26 = arith.constant 0 : i32
    %dma_start3A_27 = tpu.memref_slice %arg8[%dma_start3A_19, %dma_start3A_26] : memref<250x80xi32, #tpu.memory_space<vmem>> -> memref<1x80xi32, #tpu.memory_space<vmem>>
    %dma_start3A_28 = tpu.memref_squeeze %dma_start3A_27 : memref<1x80xi32, #tpu.memory_space<vmem>> -> memref<80xi32, #tpu.memory_space<vmem>>
    %dma_start3A_29 = arith.constant 0 : i32
    %dma_start3A_30 = arith.constant 0 : i32
    %dma_start3A_31 = tpu.memref_slice %arg2[%arg0, %dma_start3A_29, %dma_start3A_30] : memref<2x20000x64xf32, #tpu.memory_space<hbm>> -> memref<1x20000x64xf32, #tpu.memory_space<hbm>>
    %dma_start3A_32 = tpu.memref_squeeze %dma_start3A_31 : memref<1x20000x64xf32, #tpu.memory_space<hbm>> -> memref<20000x64xf32, #tpu.memory_space<hbm>>
    %dma_start3A_33 = arith.constant 0 : i32
    %dma_start3A_34 = arith.constant 0 : i32
    %dma_start3A_35 = tpu.memref_slice %dma_start3A_32[%dma_start3A_33, %dma_start3A_34] : memref<20000x64xf32, #tpu.memory_space<hbm>> -> memref<20000x64xf32, #tpu.memory_space<hbm>>
    %dma_start3A_36 = tpu.memref_slice %arg11[%dma_start3A_21] : memref<8x!tpu.dma_semaphore, #tpu.memory_space<semaphore_mem>> -> memref<1x!tpu.dma_semaphore, #tpu.memory_space<semaphore_mem>>
    %dma_start3A_37 = tpu.memref_squeeze %dma_start3A_36 : memref<1x!tpu.dma_semaphore, #tpu.memory_space<semaphore_mem>> -> memref<!tpu.dma_semaphore, #tpu.memory_space<semaphore_mem>>
    tpu.enqueue_indirect_dma source(%dma_start3A_35 : memref<20000x64xf32, #tpu.memory_space<hbm>>) target(%dma_start3A_25 : memref<80x64xf32, #tpu.memory_space<vmem>>) offsets(%dma_start3A_28 : memref<80xi32, #tpu.memory_space<vmem>>) semaphore(%dma_start3A_37 : memref<!tpu.dma_semaphore, #tpu.memory_space<semaphore_mem>>)
    %dma_start3A_38 = arith.constant 2 : i32
    %dma_start3A_39 = arith.constant 2 : i32
    %dma_start3A_40 = arith.constant 2 : i32
    %dma_start3A_41 = arith.constant 0 : i32
    %dma_start3A_42 = arith.constant 0 : i32
    %dma_start3A_43 = tpu.memref_slice %arg9[%dma_start3A_39, %dma_start3A_41, %dma_start3A_42] : memref<8x80x64xf32, #tpu.memory_space<vmem>> -> memref<1x80x64xf32, #tpu.memory_space<vmem>>
    %dma_start3A_44 = tpu.memref_squeeze %dma_start3A_43 : memref<1x80x64xf32, #tpu.memory_space<vmem>> -> memref<80x64xf32, #tpu.memory_space<vmem>>
    %dma_start3A_45 = arith.constant 0 : i32
    %dma_start3A_46 = tpu.memref_slice %arg8[%dma_start3A_38, %dma_start3A_45] : memref<250x80xi32, #tpu.memory_space<vmem>> -> memref<1x80xi32, #tpu.memory_space<vmem>>
    %dma_start3A_47 = tpu.memref_squeeze %dma_start3A_46 : memref<1x80xi32, #tpu.memory_space<vmem>> -> memref<80xi32, #tpu.memory_space<vmem>>
    %dma_start3A_48 = arith.constant 0 : i32
    %dma_start3A_49 = arith.constant 0 : i32
    %dma_start3A_50 = tpu.memref_slice %arg2[%arg0, %dma_start3A_48, %dma_start3A_49] : memref<2x20000x64xf32, #tpu.memory_space<hbm>> -> memref<1x20000x64xf32, #tpu.memory_space<hbm>>
    %dma_start3A_51 = tpu.memref_squeeze %dma_start3A_50 : memref<1x20000x64xf32, #tpu.memory_space<hbm>> -> memref<20000x64xf32, #tpu.memory_space<hbm>>
    %dma_start3A_52 = arith.constant 0 : i32
    %dma_start3A_53 = arith.constant 0 : i32
    %dma_start3A_54 = tpu.memref_slice %dma_start3A_51[%dma_start3A_52, %dma_start3A_53] : memref<20000x64xf32, #tpu.memory_space<hbm>> -> memref<20000x64xf32, #tpu.memory_space<hbm>>
    %dma_start3A_55 = tpu.memref_slice %arg11[%dma_start3A_40] : memref<8x!tpu.dma_semaphore, #tpu.memory_space<semaphore_mem>> -> memref<1x!tpu.dma_semaphore, #tpu.memory_space<semaphore_mem>>
    %dma_start3A_56 = tpu.memref_squeeze %dma_start3A_55 : memref<1x!tpu.dma_semaphore, #tpu.memory_space<semaphore_mem>> -> memref<!tpu.dma_semaphore, #tpu.memory_space<semaphore_mem>>
    tpu.enqueue_indirect_dma source(%dma_start3A_54 : memref<20000x64xf32, #tpu.memory_space<hbm>>) target(%dma_start3A_44 : memref<80x64xf32, #tpu.memory_space<vmem>>) offsets(%dma_start3A_47 : memref<80xi32, #tpu.memory_space<vmem>>) semaphore(%dma_start3A_56 : memref<!tpu.dma_semaphore, #tpu.memory_space<semaphore_mem>>)
    %dma_start3A_57 = arith.constant 3 : i32
    %dma_start3A_58 = arith.constant 3 : i32
    %dma_start3A_59 = arith.constant 3 : i32
    %dma_start3A_60 = arith.constant 0 : i32
    %dma_start3A_61 = arith.constant 0 : i32
    %dma_start3A_62 = tpu.memref_slice %arg9[%dma_start3A_58, %dma_start3A_60, %dma_start3A_61] : memref<8x80x64xf32, #tpu.memory_space<vmem>> -> memref<1x80x64xf32, #tpu.memory_space<vmem>>
    %dma_start3A_63 = tpu.memref_squeeze %dma_start3A_62 : memref<1x80x64xf32, #tpu.memory_space<vmem>> -> memref<80x64xf32, #tpu.memory_space<vmem>>
    %dma_start3A_64 = arith.constant 0 : i32
    %dma_start3A_65 = tpu.memref_slice %arg8[%dma_start3A_57, %dma_start3A_64] : memref<250x80xi32, #tpu.memory_space<vmem>> -> memref<1x80xi32, #tpu.memory_space<vmem>>
    %dma_start3A_66 = tpu.memref_squeeze %dma_start3A_65 : memref<1x80xi32, #tpu.memory_space<vmem>> -> memref<80xi32, #tpu.memory_space<vmem>>
    %dma_start3A_67 = arith.constant 0 : i32
    %dma_start3A_68 = arith.constant 0 : i32
    %dma_start3A_69 = tpu.memref_slice %arg2[%arg0, %dma_start3A_67, %dma_start3A_68] : memref<2x20000x64xf32, #tpu.memory_space<hbm>> -> memref<1x20000x64xf32, #tpu.memory_space<hbm>>
    %dma_start3A_70 = tpu.memref_squeeze %dma_start3A_69 : memref<1x20000x64xf32, #tpu.memory_space<hbm>> -> memref<20000x64xf32, #tpu.memory_space<hbm>>
    %dma_start3A_71 = arith.constant 0 : i32
    %dma_start3A_72 = arith.constant 0 : i32
    %dma_start3A_73 = tpu.memref_slice %dma_start3A_70[%dma_start3A_71, %dma_start3A_72] : memref<20000x64xf32, #tpu.memory_space<hbm>> -> memref<20000x64xf32, #tpu.memory_space<hbm>>
    %dma_start3A_74 = tpu.memref_slice %arg11[%dma_start3A_59] : memref<8x!tpu.dma_semaphore, #tpu.memory_space<semaphore_mem>> -> memref<1x!tpu.dma_semaphore, #tpu.memory_space<semaphore_mem>>
    %dma_start3A_75 = tpu.memref_squeeze %dma_start3A_74 : memref<1x!tpu.dma_semaphore, #tpu.memory_space<semaphore_mem>> -> memref<!tpu.dma_semaphore, #tpu.memory_space<semaphore_mem>>
    tpu.enqueue_indirect_dma source(%dma_start3A_73 : memref<20000x64xf32, #tpu.memory_space<hbm>>) target(%dma_start3A_63 : memref<80x64xf32, #tpu.memory_space<vmem>>) offsets(%dma_start3A_66 : memref<80xi32, #tpu.memory_space<vmem>>) semaphore(%dma_start3A_75 : memref<!tpu.dma_semaphore, #tpu.memory_space<semaphore_mem>>)
    %dma_start3A_76 = arith.constant 4 : i32
    %dma_start3A_77 = arith.constant 4 : i32
    %dma_start3A_78 = arith.constant 4 : i32
    %dma_start3A_79 = arith.constant 0 : i32
    %dma_start3A_80 = arith.constant 0 : i32
    %dma_start3A_81 = tpu.memref_slice %arg9[%dma_start3A_77, %dma_start3A_79, %dma_start3A_80] : memref<8x80x64xf32, #tpu.memory_space<vmem>> -> memref<1x80x64xf32, #tpu.memory_space<vmem>>
    %dma_start3A_82 = tpu.memref_squeeze %dma_start3A_81 : memref<1x80x64xf32, #tpu.memory_space<vmem>> -> memref<80x64xf32, #tpu.memory_space<vmem>>
    %dma_start3A_83 = arith.constant 0 : i32
    %dma_start3A_84 = tpu.memref_slice %arg8[%dma_start3A_76, %dma_start3A_83] : memref<250x80xi32, #tpu.memory_space<vmem>> -> memref<1x80xi32, #tpu.memory_space<vmem>>
    %dma_start3A_85 = tpu.memref_squeeze %dma_start3A_84 : memref<1x80xi32, #tpu.memory_space<vmem>> -> memref<80xi32, #tpu.memory_space<vmem>>
    %dma_start3A_86 = arith.constant 0 : i32
    %dma_start3A_87 = arith.constant 0 : i32
    %dma_start3A_88 = tpu.memref_slice %arg2[%arg0, %dma_start3A_86, %dma_start3A_87] : memref<2x20000x64xf32, #tpu.memory_space<hbm>> -> memref<1x20000x64xf32, #tpu.memory_space<hbm>>
    %dma_start3A_89 = tpu.memref_squeeze %dma_start3A_88 : memref<1x20000x64xf32, #tpu.memory_space<hbm>> -> memref<20000x64xf32, #tpu.memory_space<hbm>>
    %dma_start3A_90 = arith.constant 0 : i32
    %dma_start3A_91 = arith.constant 0 : i32
    %dma_start3A_92 = tpu.memref_slice %dma_start3A_89[%dma_start3A_90, %dma_start3A_91] : memref<20000x64xf32, #tpu.memory_space<hbm>> -> memref<20000x64xf32, #tpu.memory_space<hbm>>
    %dma_start3A_93 = tpu.memref_slice %arg11[%dma_start3A_78] : memref<8x!tpu.dma_semaphore, #tpu.memory_space<semaphore_mem>> -> memref<1x!tpu.dma_semaphore, #tpu.memory_space<semaphore_mem>>
    %dma_start3A_94 = tpu.memref_squeeze %dma_start3A_93 : memref<1x!tpu.dma_semaphore, #tpu.memory_space<semaphore_mem>> -> memref<!tpu.dma_semaphore, #tpu.memory_space<semaphore_mem>>
    tpu.enqueue_indirect_dma source(%dma_start3A_92 : memref<20000x64xf32, #tpu.memory_space<hbm>>) target(%dma_start3A_82 : memref<80x64xf32, #tpu.memory_space<vmem>>) offsets(%dma_start3A_85 : memref<80xi32, #tpu.memory_space<vmem>>) semaphore(%dma_start3A_94 : memref<!tpu.dma_semaphore, #tpu.memory_space<semaphore_mem>>)
    %dma_start3A_95 = arith.constant 5 : i32
    %dma_start3A_96 = arith.constant 5 : i32
    %dma_start3A_97 = arith.constant 5 : i32
    %dma_start3A_98 = arith.constant 0 : i32
    %dma_start3A_99 = arith.constant 0 : i32
    %dma_start3A_100 = tpu.memref_slice %arg9[%dma_start3A_96, %dma_start3A_98, %dma_start3A_99] : memref<8x80x64xf32, #tpu.memory_space<vmem>> -> memref<1x80x64xf32, #tpu.memory_space<vmem>>
    %dma_start3A_101 = tpu.memref_squeeze %dma_start3A_100 : memref<1x80x64xf32, #tpu.memory_space<vmem>> -> memref<80x64xf32, #tpu.memory_space<vmem>>
    %dma_start3A_102 = arith.constant 0 : i32
    %dma_start3A_103 = tpu.memref_slice %arg8[%dma_start3A_95, %dma_start3A_102] : memref<250x80xi32, #tpu.memory_space<vmem>> -> memref<1x80xi32, #tpu.memory_space<vmem>>
    %dma_start3A_104 = tpu.memref_squeeze %dma_start3A_103 : memref<1x80xi32, #tpu.memory_space<vmem>> -> memref<80xi32, #tpu.memory_space<vmem>>
    %dma_start3A_105 = arith.constant 0 : i32
    %dma_start3A_106 = arith.constant 0 : i32
    %dma_start3A_107 = tpu.memref_slice %arg2[%arg0, %dma_start3A_105, %dma_start3A_106] : memref<2x20000x64xf32, #tpu.memory_space<hbm>> -> memref<1x20000x64xf32, #tpu.memory_space<hbm>>
    %dma_start3A_108 = tpu.memref_squeeze %dma_start3A_107 : memref<1x20000x64xf32, #tpu.memory_space<hbm>> -> memref<20000x64xf32, #tpu.memory_space<hbm>>
    %dma_start3A_109 = arith.constant 0 : i32
    %dma_start3A_110 = arith.constant 0 : i32
    %dma_start3A_111 = tpu.memref_slice %dma_start3A_108[%dma_start3A_109, %dma_start3A_110] : memref<20000x64xf32, #tpu.memory_space<hbm>> -> memref<20000x64xf32, #tpu.memory_space<hbm>>
    %dma_start3A_112 = tpu.memref_slice %arg11[%dma_start3A_97] : memref<8x!tpu.dma_semaphore, #tpu.memory_space<semaphore_mem>> -> memref<1x!tpu.dma_semaphore, #tpu.memory_space<semaphore_mem>>
    %dma_start3A_113 = tpu.memref_squeeze %dma_start3A_112 : memref<1x!tpu.dma_semaphore, #tpu.memory_space<semaphore_mem>> -> memref<!tpu.dma_semaphore, #tpu.memory_space<semaphore_mem>>
    tpu.enqueue_indirect_dma source(%dma_start3A_111 : memref<20000x64xf32, #tpu.memory_space<hbm>>) target(%dma_start3A_101 : memref<80x64xf32, #tpu.memory_space<vmem>>) offsets(%dma_start3A_104 : memref<80xi32, #tpu.memory_space<vmem>>) semaphore(%dma_start3A_113 : memref<!tpu.dma_semaphore, #tpu.memory_space<semaphore_mem>>)
    %dma_start3A_114 = arith.constant 6 : i32
    %dma_start3A_115 = arith.constant 6 : i32
    %dma_start3A_116 = arith.constant 6 : i32
    %dma_start3A_117 = arith.constant 0 : i32
    %dma_start3A_118 = arith.constant 0 : i32
    %dma_start3A_119 = tpu.memref_slice %arg9[%dma_start3A_115, %dma_start3A_117, %dma_start3A_118] : memref<8x80x64xf32, #tpu.memory_space<vmem>> -> memref<1x80x64xf32, #tpu.memory_space<vmem>>
    %dma_start3A_120 = tpu.memref_squeeze %dma_start3A_119 : memref<1x80x64xf32, #tpu.memory_space<vmem>> -> memref<80x64xf32, #tpu.memory_space<vmem>>
    %dma_start3A_121 = arith.constant 0 : i32
    %dma_start3A_122 = tpu.memref_slice %arg8[%dma_start3A_114, %dma_start3A_121] : memref<250x80xi32, #tpu.memory_space<vmem>> -> memref<1x80xi32, #tpu.memory_space<vmem>>
    %dma_start3A_123 = tpu.memref_squeeze %dma_start3A_122 : memref<1x80xi32, #tpu.memory_space<vmem>> -> memref<80xi32, #tpu.memory_space<vmem>>
    %dma_start3A_124 = arith.constant 0 : i32
    %dma_start3A_125 = arith.constant 0 : i32
    %dma_start3A_126 = tpu.memref_slice %arg2[%arg0, %dma_start3A_124, %dma_start3A_125] : memref<2x20000x64xf32, #tpu.memory_space<hbm>> -> memref<1x20000x64xf32, #tpu.memory_space<hbm>>
    %dma_start3A_127 = tpu.memref_squeeze %dma_start3A_126 : memref<1x20000x64xf32, #tpu.memory_space<hbm>> -> memref<20000x64xf32, #tpu.memory_space<hbm>>
    %dma_start3A_128 = arith.constant 0 : i32
    %dma_start3A_129 = arith.constant 0 : i32
    %dma_start3A_130 = tpu.memref_slice %dma_start3A_127[%dma_start3A_128, %dma_start3A_129] : memref<20000x64xf32, #tpu.memory_space<hbm>> -> memref<20000x64xf32, #tpu.memory_space<hbm>>
    %dma_start3A_131 = tpu.memref_slice %arg11[%dma_start3A_116] : memref<8x!tpu.dma_semaphore, #tpu.memory_space<semaphore_mem>> -> memref<1x!tpu.dma_semaphore, #tpu.memory_space<semaphore_mem>>
    %dma_start3A_132 = tpu.memref_squeeze %dma_start3A_131 : memref<1x!tpu.dma_semaphore, #tpu.memory_space<semaphore_mem>> -> memref<!tpu.dma_semaphore, #tpu.memory_space<semaphore_mem>>
    tpu.enqueue_indirect_dma source(%dma_start3A_130 : memref<20000x64xf32, #tpu.memory_space<hbm>>) target(%dma_start3A_120 : memref<80x64xf32, #tpu.memory_space<vmem>>) offsets(%dma_start3A_123 : memref<80xi32, #tpu.memory_space<vmem>>) semaphore(%dma_start3A_132 : memref<!tpu.dma_semaphore, #tpu.memory_space<semaphore_mem>>)
    %scan3A = arith.constant 0 : i32
    %scan3A_133 = arith.constant 0 : i32
    %scan3A_134 = arith.constant 250 : i32
    %scan3A_135 = arith.addi %scan3A_133, %scan3A_134 : i32
    %scan3A_136 = arith.constant 1 : i32
    scf.for %scan3A_258 = %scan3A_133 to %scan3A_135 step %scan3A_136  : i32 {
      %add3A = arith.constant 8 : i32
      %add3A_259 = arith.addi %scan3A_258, %add3A : i32
      %sub3A = arith.constant 1 : i32
      %sub3A_260 = arith.subi %add3A_259, %sub3A : i32
      %lt3A = arith.constant 250 : i32
      %lt3A_261 = arith.cmpi slt, %sub3A_260, %lt3A : i32
      %convert_element_type3A = arith.extui %lt3A_261 : i1 to i32
      %cond3A = arith.constant 0 : i32
      %cond3A_262 = arith.cmpi ne, %convert_element_type3A, %cond3A : i32
      scf.if %cond3A_262 {
        %ge3A = arith.constant 1 : i32
        %ge3A_349 = arith.cmpi sge, %scan3A_258, %ge3A : i32
        %convert_element_type3A_350 = arith.extui %ge3A_349 : i1 to i32
        %cond3A_351 = arith.constant 0 : i32
        %cond3A_352 = arith.cmpi ne, %convert_element_type3A_350, %cond3A_351 : i32
        scf.if %cond3A_352 {
          %jit3A_401 = arith.constant 8 : i32
          %eq3A_402 = arith.constant 0 : i32
          %eq3A_403 = arith.cmpi eq, %jit3A_401, %eq3A_402 : i32
          %jit3A_404 = arith.constant 1 : i32
          %select_n3A_405 = arith.select %eq3A_403, %jit3A_404, %jit3A_401 : i32
          %rem3A_406 = arith.remsi %sub3A_260, %select_n3A_405 : i32
          %ne3A_407 = arith.constant 0 : i32
          %ne3A_408 = arith.cmpi ne, %rem3A_406, %ne3A_407 : i32
          %lt3A_409 = arith.constant 0 : i32
          %lt3A_410 = arith.cmpi slt, %rem3A_406, %lt3A_409 : i32
          %lt3A_411 = arith.constant 0 : i32
          %lt3A_412 = arith.cmpi slt, %select_n3A_405, %lt3A_411 : i32
          %ne3A_413 = arith.xori %lt3A_410, %lt3A_412 : i1
          %and3A_414 = arith.andi %ne3A_413, %ne3A_408 : i1
          %add3A_415 = arith.addi %rem3A_406, %select_n3A_405 : i32
          %select_n3A_416 = arith.select %and3A_414, %add3A_415, %rem3A_406 : i32
          %sub3A_417 = arith.constant 1 : i32
          %sub3A_418 = arith.subi %scan3A_258, %sub3A_417 : i32
          %jit3A_419 = arith.constant 8 : i32
          %eq3A_420 = arith.constant 0 : i32
          %eq3A_421 = arith.cmpi eq, %jit3A_419, %eq3A_420 : i32
          %jit3A_422 = arith.constant 1 : i32
          %select_n3A_423 = arith.select %eq3A_421, %jit3A_422, %jit3A_419 : i32
          %rem3A_424 = arith.remsi %sub3A_260, %select_n3A_423 : i32
          %ne3A_425 = arith.constant 0 : i32
          %ne3A_426 = arith.cmpi ne, %rem3A_424, %ne3A_425 : i32
          %lt3A_427 = arith.constant 0 : i32
          %lt3A_428 = arith.cmpi slt, %rem3A_424, %lt3A_427 : i32
          %lt3A_429 = arith.constant 0 : i32
          %lt3A_430 = arith.cmpi slt, %select_n3A_423, %lt3A_429 : i32
          %ne3A_431 = arith.xori %lt3A_428, %lt3A_430 : i1
          %and3A_432 = arith.andi %ne3A_431, %ne3A_426 : i1
          %add3A_433 = arith.addi %rem3A_424, %select_n3A_423 : i32
          %select_n3A_434 = arith.select %and3A_432, %add3A_433, %rem3A_424 : i32
          %dma_wait3A_435 = arith.constant 0 : i32
          %dma_wait3A_436 = arith.constant 0 : i32
          %dma_wait3A_437 = tpu.memref_slice %arg9[%select_n3A_416, %dma_wait3A_435, %dma_wait3A_436] : memref<8x80x64xf32, #tpu.memory_space<vmem>> -> memref<1x80x64xf32, #tpu.memory_space<vmem>>
          %dma_wait3A_438 = tpu.memref_squeeze %dma_wait3A_437 : memref<1x80x64xf32, #tpu.memory_space<vmem>> -> memref<80x64xf32, #tpu.memory_space<vmem>>
          %dma_wait3A_439 = arith.constant 0 : i32
          %dma_wait3A_440 = tpu.memref_slice %arg7[%sub3A_418, %dma_wait3A_439] : memref<250x80xi32, #tpu.memory_space<vmem>> -> memref<1x80xi32, #tpu.memory_space<vmem>>
          %dma_wait3A_441 = tpu.memref_squeeze %dma_wait3A_440 : memref<1x80xi32, #tpu.memory_space<vmem>> -> memref<80xi32, #tpu.memory_space<vmem>>
          %dma_wait3A_442 = arith.constant 0 : i32
          %dma_wait3A_443 = arith.constant 0 : i32
          %dma_wait3A_444 = tpu.memref_slice %arg10[%dma_wait3A_442, %dma_wait3A_443] : memref<10000x64xf32, #tpu.memory_space<vmem_shared>> -> memref<10000x64xf32, #tpu.memory_space<vmem_shared>>
          %dma_wait3A_445 = tpu.memref_slice %arg12[%select_n3A_434] : memref<8x!tpu.dma_semaphore, #tpu.memory_space<semaphore_mem>> -> memref<1x!tpu.dma_semaphore, #tpu.memory_space<semaphore_mem>>
          %dma_wait3A_446 = tpu.memref_squeeze %dma_wait3A_445 : memref<1x!tpu.dma_semaphore, #tpu.memory_space<semaphore_mem>> -> memref<!tpu.dma_semaphore, #tpu.memory_space<semaphore_mem>>
          tpu.wait_indirect_dma semaphore(%dma_wait3A_446 : memref<!tpu.dma_semaphore, #tpu.memory_space<semaphore_mem>>) src(%dma_wait3A_438 : memref<80x64xf32, #tpu.memory_space<vmem>>) dst(%dma_wait3A_444 : memref<10000x64xf32, #tpu.memory_space<vmem_shared>>)
        } else {
        }
        %jit3A_353 = arith.constant 8 : i32
        %eq3A_354 = arith.constant 0 : i32
        %eq3A_355 = arith.cmpi eq, %jit3A_353, %eq3A_354 : i32
        %jit3A_356 = arith.constant 1 : i32
        %select_n3A_357 = arith.select %eq3A_355, %jit3A_356, %jit3A_353 : i32
        %rem3A_358 = arith.remsi %sub3A_260, %select_n3A_357 : i32
        %ne3A_359 = arith.constant 0 : i32
        %ne3A_360 = arith.cmpi ne, %rem3A_358, %ne3A_359 : i32
        %lt3A_361 = arith.constant 0 : i32
        %lt3A_362 = arith.cmpi slt, %rem3A_358, %lt3A_361 : i32
        %lt3A_363 = arith.constant 0 : i32
        %lt3A_364 = arith.cmpi slt, %select_n3A_357, %lt3A_363 : i32
        %ne3A_365 = arith.xori %lt3A_362, %lt3A_364 : i1
        %and3A_366 = arith.andi %ne3A_365, %ne3A_360 : i1
        %add3A_367 = arith.addi %rem3A_358, %select_n3A_357 : i32
        %select_n3A_368 = arith.select %and3A_366, %add3A_367, %rem3A_358 : i32
        %jit3A_369 = arith.constant 8 : i32
        %eq3A_370 = arith.constant 0 : i32
        %eq3A_371 = arith.cmpi eq, %jit3A_369, %eq3A_370 : i32
        %jit3A_372 = arith.constant 1 : i32
        %select_n3A_373 = arith.select %eq3A_371, %jit3A_372, %jit3A_369 : i32
        %rem3A_374 = arith.remsi %sub3A_260, %select_n3A_373 : i32
        %ne3A_375 = arith.constant 0 : i32
        %ne3A_376 = arith.cmpi ne, %rem3A_374, %ne3A_375 : i32
        %lt3A_377 = arith.constant 0 : i32
        %lt3A_378 = arith.cmpi slt, %rem3A_374, %lt3A_377 : i32
        %lt3A_379 = arith.constant 0 : i32
        %lt3A_380 = arith.cmpi slt, %select_n3A_373, %lt3A_379 : i32
        %ne3A_381 = arith.xori %lt3A_378, %lt3A_380 : i1
        %and3A_382 = arith.andi %ne3A_381, %ne3A_376 : i1
        %add3A_383 = arith.addi %rem3A_374, %select_n3A_373 : i32
        %select_n3A_384 = arith.select %and3A_382, %add3A_383, %rem3A_374 : i32
        %dma_start3A_385 = arith.constant 0 : i32
        %dma_start3A_386 = arith.constant 0 : i32
        %dma_start3A_387 = tpu.memref_slice %arg9[%select_n3A_368, %dma_start3A_385, %dma_start3A_386] : memref<8x80x64xf32, #tpu.memory_space<vmem>> -> memref<1x80x64xf32, #tpu.memory_space<vmem>>
        %dma_start3A_388 = tpu.memref_squeeze %dma_start3A_387 : memref<1x80x64xf32, #tpu.memory_space<vmem>> -> memref<80x64xf32, #tpu.memory_space<vmem>>
        %dma_start3A_389 = arith.constant 0 : i32
        %dma_start3A_390 = tpu.memref_slice %arg8[%sub3A_260, %dma_start3A_389] : memref<250x80xi32, #tpu.memory_space<vmem>> -> memref<1x80xi32, #tpu.memory_space<vmem>>
        %dma_start3A_391 = tpu.memref_squeeze %dma_start3A_390 : memref<1x80xi32, #tpu.memory_space<vmem>> -> memref<80xi32, #tpu.memory_space<vmem>>
        %dma_start3A_392 = arith.constant 0 : i32
        %dma_start3A_393 = arith.constant 0 : i32
        %dma_start3A_394 = tpu.memref_slice %arg2[%arg0, %dma_start3A_392, %dma_start3A_393] : memref<2x20000x64xf32, #tpu.memory_space<hbm>> -> memref<1x20000x64xf32, #tpu.memory_space<hbm>>
        %dma_start3A_395 = tpu.memref_squeeze %dma_start3A_394 : memref<1x20000x64xf32, #tpu.memory_space<hbm>> -> memref<20000x64xf32, #tpu.memory_space<hbm>>
        %dma_start3A_396 = arith.constant 0 : i32
        %dma_start3A_397 = arith.constant 0 : i32
        %dma_start3A_398 = tpu.memref_slice %dma_start3A_395[%dma_start3A_396, %dma_start3A_397] : memref<20000x64xf32, #tpu.memory_space<hbm>> -> memref<20000x64xf32, #tpu.memory_space<hbm>>
        %dma_start3A_399 = tpu.memref_slice %arg11[%select_n3A_384] : memref<8x!tpu.dma_semaphore, #tpu.memory_space<semaphore_mem>> -> memref<1x!tpu.dma_semaphore, #tpu.memory_space<semaphore_mem>>
        %dma_start3A_400 = tpu.memref_squeeze %dma_start3A_399 : memref<1x!tpu.dma_semaphore, #tpu.memory_space<semaphore_mem>> -> memref<!tpu.dma_semaphore, #tpu.memory_space<semaphore_mem>>
        tpu.enqueue_indirect_dma source(%dma_start3A_398 : memref<20000x64xf32, #tpu.memory_space<hbm>>) target(%dma_start3A_388 : memref<80x64xf32, #tpu.memory_space<vmem>>) offsets(%dma_start3A_391 : memref<80xi32, #tpu.memory_space<vmem>>) semaphore(%dma_start3A_400 : memref<!tpu.dma_semaphore, #tpu.memory_space<semaphore_mem>>)
      } else {
      }
      %jit3A = arith.constant 8 : i32
      %eq3A = arith.constant 0 : i32
      %eq3A_263 = arith.cmpi eq, %jit3A, %eq3A : i32
      %jit3A_264 = arith.constant 1 : i32
      %select_n3A = arith.select %eq3A_263, %jit3A_264, %jit3A : i32
      %rem3A = arith.remsi %scan3A_258, %select_n3A : i32
      %ne3A = arith.constant 0 : i32
      %ne3A_265 = arith.cmpi ne, %rem3A, %ne3A : i32
      %lt3A_266 = arith.constant 0 : i32
      %lt3A_267 = arith.cmpi slt, %rem3A, %lt3A_266 : i32
      %lt3A_268 = arith.constant 0 : i32
      %lt3A_269 = arith.cmpi slt, %select_n3A, %lt3A_268 : i32
      %ne3A_270 = arith.xori %lt3A_267, %lt3A_269 : i1
      %and3A = arith.andi %ne3A_270, %ne3A_265 : i1
      %add3A_271 = arith.addi %rem3A, %select_n3A : i32
      %select_n3A_272 = arith.select %and3A, %add3A_271, %rem3A : i32
      %jit3A_273 = arith.constant 8 : i32
      %eq3A_274 = arith.constant 0 : i32
      %eq3A_275 = arith.cmpi eq, %jit3A_273, %eq3A_274 : i32
      %jit3A_276 = arith.constant 1 : i32
      %select_n3A_277 = arith.select %eq3A_275, %jit3A_276, %jit3A_273 : i32
      %rem3A_278 = arith.remsi %scan3A_258, %select_n3A_277 : i32
      %ne3A_279 = arith.constant 0 : i32
      %ne3A_280 = arith.cmpi ne, %rem3A_278, %ne3A_279 : i32
      %lt3A_281 = arith.constant 0 : i32
      %lt3A_282 = arith.cmpi slt, %rem3A_278, %lt3A_281 : i32
      %lt3A_283 = arith.constant 0 : i32
      %lt3A_284 = arith.cmpi slt, %select_n3A_277, %lt3A_283 : i32
      %ne3A_285 = arith.xori %lt3A_282, %lt3A_284 : i1
      %and3A_286 = arith.andi %ne3A_285, %ne3A_280 : i1
      %add3A_287 = arith.addi %rem3A_278, %select_n3A_277 : i32
      %select_n3A_288 = arith.select %and3A_286, %add3A_287, %rem3A_278 : i32
      %dma_wait3A_289 = arith.constant 0 : i32
      %dma_wait3A_290 = arith.constant 0 : i32
      %dma_wait3A_291 = tpu.memref_slice %arg9[%select_n3A_272, %dma_wait3A_289, %dma_wait3A_290] : memref<8x80x64xf32, #tpu.memory_space<vmem>> -> memref<1x80x64xf32, #tpu.memory_space<vmem>>
      %dma_wait3A_292 = tpu.memref_squeeze %dma_wait3A_291 : memref<1x80x64xf32, #tpu.memory_space<vmem>> -> memref<80x64xf32, #tpu.memory_space<vmem>>
      %dma_wait3A_293 = arith.constant 0 : i32
      %dma_wait3A_294 = tpu.memref_slice %arg8[%scan3A_258, %dma_wait3A_293] : memref<250x80xi32, #tpu.memory_space<vmem>> -> memref<1x80xi32, #tpu.memory_space<vmem>>
      %dma_wait3A_295 = tpu.memref_squeeze %dma_wait3A_294 : memref<1x80xi32, #tpu.memory_space<vmem>> -> memref<80xi32, #tpu.memory_space<vmem>>
      %dma_wait3A_296 = arith.constant 0 : i32
      %dma_wait3A_297 = arith.constant 0 : i32
      %dma_wait3A_298 = tpu.memref_slice %arg2[%arg0, %dma_wait3A_296, %dma_wait3A_297] : memref<2x20000x64xf32, #tpu.memory_space<hbm>> -> memref<1x20000x64xf32, #tpu.memory_space<hbm>>
      %dma_wait3A_299 = tpu.memref_squeeze %dma_wait3A_298 : memref<1x20000x64xf32, #tpu.memory_space<hbm>> -> memref<20000x64xf32, #tpu.memory_space<hbm>>
      %dma_wait3A_300 = arith.constant 0 : i32
      %dma_wait3A_301 = arith.constant 0 : i32
      %dma_wait3A_302 = tpu.memref_slice %dma_wait3A_299[%dma_wait3A_300, %dma_wait3A_301] : memref<20000x64xf32, #tpu.memory_space<hbm>> -> memref<20000x64xf32, #tpu.memory_space<hbm>>
      %dma_wait3A_303 = tpu.memref_slice %arg11[%select_n3A_288] : memref<8x!tpu.dma_semaphore, #tpu.memory_space<semaphore_mem>> -> memref<1x!tpu.dma_semaphore, #tpu.memory_space<semaphore_mem>>
      %dma_wait3A_304 = tpu.memref_squeeze %dma_wait3A_303 : memref<1x!tpu.dma_semaphore, #tpu.memory_space<semaphore_mem>> -> memref<!tpu.dma_semaphore, #tpu.memory_space<semaphore_mem>>
      tpu.wait_indirect_dma semaphore(%dma_wait3A_304 : memref<!tpu.dma_semaphore, #tpu.memory_space<semaphore_mem>>) src(%dma_wait3A_302 : memref<20000x64xf32, #tpu.memory_space<hbm>>) dst(%dma_wait3A_292 : memref<80x64xf32, #tpu.memory_space<vmem>>)
      %jit3A_305 = arith.constant 8 : i32
      %eq3A_306 = arith.constant 0 : i32
      %eq3A_307 = arith.cmpi eq, %jit3A_305, %eq3A_306 : i32
      %jit3A_308 = arith.constant 1 : i32
      %select_n3A_309 = arith.select %eq3A_307, %jit3A_308, %jit3A_305 : i32
      %rem3A_310 = arith.remsi %scan3A_258, %select_n3A_309 : i32
      %ne3A_311 = arith.constant 0 : i32
      %ne3A_312 = arith.cmpi ne, %rem3A_310, %ne3A_311 : i32
      %lt3A_313 = arith.constant 0 : i32
      %lt3A_314 = arith.cmpi slt, %rem3A_310, %lt3A_313 : i32
      %lt3A_315 = arith.constant 0 : i32
      %lt3A_316 = arith.cmpi slt, %select_n3A_309, %lt3A_315 : i32
      %ne3A_317 = arith.xori %lt3A_314, %lt3A_316 : i1
      %and3A_318 = arith.andi %ne3A_317, %ne3A_312 : i1
      %add3A_319 = arith.addi %rem3A_310, %select_n3A_309 : i32
      %select_n3A_320 = arith.select %and3A_318, %add3A_319, %rem3A_310 : i32
      %jit3A_321 = arith.constant 8 : i32
      %eq3A_322 = arith.constant 0 : i32
      %eq3A_323 = arith.cmpi eq, %jit3A_321, %eq3A_322 : i32
      %jit3A_324 = arith.constant 1 : i32
      %select_n3A_325 = arith.select %eq3A_323, %jit3A_324, %jit3A_321 : i32
      %rem3A_326 = arith.remsi %scan3A_258, %select_n3A_325 : i32
      %ne3A_327 = arith.constant 0 : i32
      %ne3A_328 = arith.cmpi ne, %rem3A_326, %ne3A_327 : i32
      %lt3A_329 = arith.constant 0 : i32
      %lt3A_330 = arith.cmpi slt, %rem3A_326, %lt3A_329 : i32
      %lt3A_331 = arith.constant 0 : i32
      %lt3A_332 = arith.cmpi slt, %select_n3A_325, %lt3A_331 : i32
      %ne3A_333 = arith.xori %lt3A_330, %lt3A_332 : i1
      %and3A_334 = arith.andi %ne3A_333, %ne3A_328 : i1
      %add3A_335 = arith.addi %rem3A_326, %select_n3A_325 : i32
      %select_n3A_336 = arith.select %and3A_334, %add3A_335, %rem3A_326 : i32
      %dma_start3A_337 = arith.constant 0 : i32
      %dma_start3A_338 = arith.constant 0 : i32
      %dma_start3A_339 = tpu.memref_slice %arg9[%select_n3A_320, %dma_start3A_337, %dma_start3A_338] : memref<8x80x64xf32, #tpu.memory_space<vmem>> -> memref<1x80x64xf32, #tpu.memory_space<vmem>>
      %dma_start3A_340 = tpu.memref_squeeze %dma_start3A_339 : memref<1x80x64xf32, #tpu.memory_space<vmem>> -> memref<80x64xf32, #tpu.memory_space<vmem>>
      %dma_start3A_341 = arith.constant 0 : i32
      %dma_start3A_342 = tpu.memref_slice %arg7[%scan3A_258, %dma_start3A_341] : memref<250x80xi32, #tpu.memory_space<vmem>> -> memref<1x80xi32, #tpu.memory_space<vmem>>
      %dma_start3A_343 = tpu.memref_squeeze %dma_start3A_342 : memref<1x80xi32, #tpu.memory_space<vmem>> -> memref<80xi32, #tpu.memory_space<vmem>>
      %dma_start3A_344 = arith.constant 0 : i32
      %dma_start3A_345 = arith.constant 0 : i32
      %dma_start3A_346 = tpu.memref_slice %arg10[%dma_start3A_344, %dma_start3A_345] : memref<10000x64xf32, #tpu.memory_space<vmem_shared>> -> memref<10000x64xf32, #tpu.memory_space<vmem_shared>>
      %dma_start3A_347 = tpu.memref_slice %arg12[%select_n3A_336] : memref<8x!tpu.dma_semaphore, #tpu.memory_space<semaphore_mem>> -> memref<1x!tpu.dma_semaphore, #tpu.memory_space<semaphore_mem>>
      %dma_start3A_348 = tpu.memref_squeeze %dma_start3A_347 : memref<1x!tpu.dma_semaphore, #tpu.memory_space<semaphore_mem>> -> memref<!tpu.dma_semaphore, #tpu.memory_space<semaphore_mem>>
      tpu.enqueue_indirect_dma source(%dma_start3A_340 : memref<80x64xf32, #tpu.memory_space<vmem>>) target(%dma_start3A_346 : memref<10000x64xf32, #tpu.memory_space<vmem_shared>>) offsets(%dma_start3A_343 : memref<80xi32, #tpu.memory_space<vmem>>) semaphore(%dma_start3A_348 : memref<!tpu.dma_semaphore, #tpu.memory_space<semaphore_mem>>) {add = true}
    }
    %scan3A_137 = arith.constant 250 : i32
    %dma_wait3A = arith.constant 0 : i32
    %dma_wait3A_138 = arith.constant 249 : i32
    %dma_wait3A_139 = arith.constant 0 : i32
    %dma_wait3A_140 = arith.constant 0 : i32
    %dma_wait3A_141 = arith.constant 0 : i32
    %dma_wait3A_142 = tpu.memref_slice %arg9[%dma_wait3A, %dma_wait3A_140, %dma_wait3A_141] : memref<8x80x64xf32, #tpu.memory_space<vmem>> -> memref<1x80x64xf32, #tpu.memory_space<vmem>>
    %dma_wait3A_143 = tpu.memref_squeeze %dma_wait3A_142 : memref<1x80x64xf32, #tpu.memory_space<vmem>> -> memref<80x64xf32, #tpu.memory_space<vmem>>
    %dma_wait3A_144 = arith.constant 0 : i32
    %dma_wait3A_145 = tpu.memref_slice %arg7[%dma_wait3A_138, %dma_wait3A_144] : memref<250x80xi32, #tpu.memory_space<vmem>> -> memref<1x80xi32, #tpu.memory_space<vmem>>
    %dma_wait3A_146 = tpu.memref_squeeze %dma_wait3A_145 : memref<1x80xi32, #tpu.memory_space<vmem>> -> memref<80xi32, #tpu.memory_space<vmem>>
    %dma_wait3A_147 = arith.constant 0 : i32
    %dma_wait3A_148 = arith.constant 0 : i32
    %dma_wait3A_149 = tpu.memref_slice %arg10[%dma_wait3A_147, %dma_wait3A_148] : memref<10000x64xf32, #tpu.memory_space<vmem_shared>> -> memref<10000x64xf32, #tpu.memory_space<vmem_shared>>
    %dma_wait3A_150 = tpu.memref_slice %arg12[%dma_wait3A_139] : memref<8x!tpu.dma_semaphore, #tpu.memory_space<semaphore_mem>> -> memref<1x!tpu.dma_semaphore, #tpu.memory_space<semaphore_mem>>
    %dma_wait3A_151 = tpu.memref_squeeze %dma_wait3A_150 : memref<1x!tpu.dma_semaphore, #tpu.memory_space<semaphore_mem>> -> memref<!tpu.dma_semaphore, #tpu.memory_space<semaphore_mem>>
    tpu.wait_indirect_dma semaphore(%dma_wait3A_151 : memref<!tpu.dma_semaphore, #tpu.memory_space<semaphore_mem>>) src(%dma_wait3A_143 : memref<80x64xf32, #tpu.memory_space<vmem>>) dst(%dma_wait3A_149 : memref<10000x64xf32, #tpu.memory_space<vmem_shared>>)
    %dma_wait3A_152 = arith.constant 1 : i32
    %dma_wait3A_153 = arith.constant 249 : i32
    %dma_wait3A_154 = arith.constant 1 : i32
    %dma_wait3A_155 = arith.constant 0 : i32
    %dma_wait3A_156 = arith.constant 0 : i32
    %dma_wait3A_157 = tpu.memref_slice %arg9[%dma_wait3A_152, %dma_wait3A_155, %dma_wait3A_156] : memref<8x80x64xf32, #tpu.memory_space<vmem>> -> memref<1x80x64xf32, #tpu.memory_space<vmem>>
    %dma_wait3A_158 = tpu.memref_squeeze %dma_wait3A_157 : memref<1x80x64xf32, #tpu.memory_space<vmem>> -> memref<80x64xf32, #tpu.memory_space<vmem>>
    %dma_wait3A_159 = arith.constant 0 : i32
    %dma_wait3A_160 = tpu.memref_slice %arg7[%dma_wait3A_153, %dma_wait3A_159] : memref<250x80xi32, #tpu.memory_space<vmem>> -> memref<1x80xi32, #tpu.memory_space<vmem>>
    %dma_wait3A_161 = tpu.memref_squeeze %dma_wait3A_160 : memref<1x80xi32, #tpu.memory_space<vmem>> -> memref<80xi32, #tpu.memory_space<vmem>>
    %dma_wait3A_162 = arith.constant 0 : i32
    %dma_wait3A_163 = arith.constant 0 : i32
    %dma_wait3A_164 = tpu.memref_slice %arg10[%dma_wait3A_162, %dma_wait3A_163] : memref<10000x64xf32, #tpu.memory_space<vmem_shared>> -> memref<10000x64xf32, #tpu.memory_space<vmem_shared>>
    %dma_wait3A_165 = tpu.memref_slice %arg12[%dma_wait3A_154] : memref<8x!tpu.dma_semaphore, #tpu.memory_space<semaphore_mem>> -> memref<1x!tpu.dma_semaphore, #tpu.memory_space<semaphore_mem>>
    %dma_wait3A_166 = tpu.memref_squeeze %dma_wait3A_165 : memref<1x!tpu.dma_semaphore, #tpu.memory_space<semaphore_mem>> -> memref<!tpu.dma_semaphore, #tpu.memory_space<semaphore_mem>>
    tpu.wait_indirect_dma semaphore(%dma_wait3A_166 : memref<!tpu.dma_semaphore, #tpu.memory_space<semaphore_mem>>) src(%dma_wait3A_158 : memref<80x64xf32, #tpu.memory_space<vmem>>) dst(%dma_wait3A_164 : memref<10000x64xf32, #tpu.memory_space<vmem_shared>>)
    %dma_wait3A_167 = arith.constant 2 : i32
    %dma_wait3A_168 = arith.constant 249 : i32
    %dma_wait3A_169 = arith.constant 2 : i32
    %dma_wait3A_170 = arith.constant 0 : i32
    %dma_wait3A_171 = arith.constant 0 : i32
    %dma_wait3A_172 = tpu.memref_slice %arg9[%dma_wait3A_167, %dma_wait3A_170, %dma_wait3A_171] : memref<8x80x64xf32, #tpu.memory_space<vmem>> -> memref<1x80x64xf32, #tpu.memory_space<vmem>>
    %dma_wait3A_173 = tpu.memref_squeeze %dma_wait3A_172 : memref<1x80x64xf32, #tpu.memory_space<vmem>> -> memref<80x64xf32, #tpu.memory_space<vmem>>
    %dma_wait3A_174 = arith.constant 0 : i32
    %dma_wait3A_175 = tpu.memref_slice %arg7[%dma_wait3A_168, %dma_wait3A_174] : memref<250x80xi32, #tpu.memory_space<vmem>> -> memref<1x80xi32, #tpu.memory_space<vmem>>
    %dma_wait3A_176 = tpu.memref_squeeze %dma_wait3A_175 : memref<1x80xi32, #tpu.memory_space<vmem>> -> memref<80xi32, #tpu.memory_space<vmem>>
    %dma_wait3A_177 = arith.constant 0 : i32
    %dma_wait3A_178 = arith.constant 0 : i32
    %dma_wait3A_179 = tpu.memref_slice %arg10[%dma_wait3A_177, %dma_wait3A_178] : memref<10000x64xf32, #tpu.memory_space<vmem_shared>> -> memref<10000x64xf32, #tpu.memory_space<vmem_shared>>
    %dma_wait3A_180 = tpu.memref_slice %arg12[%dma_wait3A_169] : memref<8x!tpu.dma_semaphore, #tpu.memory_space<semaphore_mem>> -> memref<1x!tpu.dma_semaphore, #tpu.memory_space<semaphore_mem>>
    %dma_wait3A_181 = tpu.memref_squeeze %dma_wait3A_180 : memref<1x!tpu.dma_semaphore, #tpu.memory_space<semaphore_mem>> -> memref<!tpu.dma_semaphore, #tpu.memory_space<semaphore_mem>>
    tpu.wait_indirect_dma semaphore(%dma_wait3A_181 : memref<!tpu.dma_semaphore, #tpu.memory_space<semaphore_mem>>) src(%dma_wait3A_173 : memref<80x64xf32, #tpu.memory_space<vmem>>) dst(%dma_wait3A_179 : memref<10000x64xf32, #tpu.memory_space<vmem_shared>>)
    %dma_wait3A_182 = arith.constant 3 : i32
    %dma_wait3A_183 = arith.constant 249 : i32
    %dma_wait3A_184 = arith.constant 3 : i32
    %dma_wait3A_185 = arith.constant 0 : i32
    %dma_wait3A_186 = arith.constant 0 : i32
    %dma_wait3A_187 = tpu.memref_slice %arg9[%dma_wait3A_182, %dma_wait3A_185, %dma_wait3A_186] : memref<8x80x64xf32, #tpu.memory_space<vmem>> -> memref<1x80x64xf32, #tpu.memory_space<vmem>>
    %dma_wait3A_188 = tpu.memref_squeeze %dma_wait3A_187 : memref<1x80x64xf32, #tpu.memory_space<vmem>> -> memref<80x64xf32, #tpu.memory_space<vmem>>
    %dma_wait3A_189 = arith.constant 0 : i32
    %dma_wait3A_190 = tpu.memref_slice %arg7[%dma_wait3A_183, %dma_wait3A_189] : memref<250x80xi32, #tpu.memory_space<vmem>> -> memref<1x80xi32, #tpu.memory_space<vmem>>
    %dma_wait3A_191 = tpu.memref_squeeze %dma_wait3A_190 : memref<1x80xi32, #tpu.memory_space<vmem>> -> memref<80xi32, #tpu.memory_space<vmem>>
    %dma_wait3A_192 = arith.constant 0 : i32
    %dma_wait3A_193 = arith.constant 0 : i32
    %dma_wait3A_194 = tpu.memref_slice %arg10[%dma_wait3A_192, %dma_wait3A_193] : memref<10000x64xf32, #tpu.memory_space<vmem_shared>> -> memref<10000x64xf32, #tpu.memory_space<vmem_shared>>
    %dma_wait3A_195 = tpu.memref_slice %arg12[%dma_wait3A_184] : memref<8x!tpu.dma_semaphore, #tpu.memory_space<semaphore_mem>> -> memref<1x!tpu.dma_semaphore, #tpu.memory_space<semaphore_mem>>
    %dma_wait3A_196 = tpu.memref_squeeze %dma_wait3A_195 : memref<1x!tpu.dma_semaphore, #tpu.memory_space<semaphore_mem>> -> memref<!tpu.dma_semaphore, #tpu.memory_space<semaphore_mem>>
    tpu.wait_indirect_dma semaphore(%dma_wait3A_196 : memref<!tpu.dma_semaphore, #tpu.memory_space<semaphore_mem>>) src(%dma_wait3A_188 : memref<80x64xf32, #tpu.memory_space<vmem>>) dst(%dma_wait3A_194 : memref<10000x64xf32, #tpu.memory_space<vmem_shared>>)
    %dma_wait3A_197 = arith.constant 4 : i32
    %dma_wait3A_198 = arith.constant 249 : i32
    %dma_wait3A_199 = arith.constant 4 : i32
    %dma_wait3A_200 = arith.constant 0 : i32
    %dma_wait3A_201 = arith.constant 0 : i32
    %dma_wait3A_202 = tpu.memref_slice %arg9[%dma_wait3A_197, %dma_wait3A_200, %dma_wait3A_201] : memref<8x80x64xf32, #tpu.memory_space<vmem>> -> memref<1x80x64xf32, #tpu.memory_space<vmem>>
    %dma_wait3A_203 = tpu.memref_squeeze %dma_wait3A_202 : memref<1x80x64xf32, #tpu.memory_space<vmem>> -> memref<80x64xf32, #tpu.memory_space<vmem>>
    %dma_wait3A_204 = arith.constant 0 : i32
    %dma_wait3A_205 = tpu.memref_slice %arg7[%dma_wait3A_198, %dma_wait3A_204] : memref<250x80xi32, #tpu.memory_space<vmem>> -> memref<1x80xi32, #tpu.memory_space<vmem>>
    %dma_wait3A_206 = tpu.memref_squeeze %dma_wait3A_205 : memref<1x80xi32, #tpu.memory_space<vmem>> -> memref<80xi32, #tpu.memory_space<vmem>>
    %dma_wait3A_207 = arith.constant 0 : i32
    %dma_wait3A_208 = arith.constant 0 : i32
    %dma_wait3A_209 = tpu.memref_slice %arg10[%dma_wait3A_207, %dma_wait3A_208] : memref<10000x64xf32, #tpu.memory_space<vmem_shared>> -> memref<10000x64xf32, #tpu.memory_space<vmem_shared>>
    %dma_wait3A_210 = tpu.memref_slice %arg12[%dma_wait3A_199] : memref<8x!tpu.dma_semaphore, #tpu.memory_space<semaphore_mem>> -> memref<1x!tpu.dma_semaphore, #tpu.memory_space<semaphore_mem>>
    %dma_wait3A_211 = tpu.memref_squeeze %dma_wait3A_210 : memref<1x!tpu.dma_semaphore, #tpu.memory_space<semaphore_mem>> -> memref<!tpu.dma_semaphore, #tpu.memory_space<semaphore_mem>>
    tpu.wait_indirect_dma semaphore(%dma_wait3A_211 : memref<!tpu.dma_semaphore, #tpu.memory_space<semaphore_mem>>) src(%dma_wait3A_203 : memref<80x64xf32, #tpu.memory_space<vmem>>) dst(%dma_wait3A_209 : memref<10000x64xf32, #tpu.memory_space<vmem_shared>>)
    %dma_wait3A_212 = arith.constant 5 : i32
    %dma_wait3A_213 = arith.constant 249 : i32
    %dma_wait3A_214 = arith.constant 5 : i32
    %dma_wait3A_215 = arith.constant 0 : i32
    %dma_wait3A_216 = arith.constant 0 : i32
    %dma_wait3A_217 = tpu.memref_slice %arg9[%dma_wait3A_212, %dma_wait3A_215, %dma_wait3A_216] : memref<8x80x64xf32, #tpu.memory_space<vmem>> -> memref<1x80x64xf32, #tpu.memory_space<vmem>>
    %dma_wait3A_218 = tpu.memref_squeeze %dma_wait3A_217 : memref<1x80x64xf32, #tpu.memory_space<vmem>> -> memref<80x64xf32, #tpu.memory_space<vmem>>
    %dma_wait3A_219 = arith.constant 0 : i32
    %dma_wait3A_220 = tpu.memref_slice %arg7[%dma_wait3A_213, %dma_wait3A_219] : memref<250x80xi32, #tpu.memory_space<vmem>> -> memref<1x80xi32, #tpu.memory_space<vmem>>
    %dma_wait3A_221 = tpu.memref_squeeze %dma_wait3A_220 : memref<1x80xi32, #tpu.memory_space<vmem>> -> memref<80xi32, #tpu.memory_space<vmem>>
    %dma_wait3A_222 = arith.constant 0 : i32
    %dma_wait3A_223 = arith.constant 0 : i32
    %dma_wait3A_224 = tpu.memref_slice %arg10[%dma_wait3A_222, %dma_wait3A_223] : memref<10000x64xf32, #tpu.memory_space<vmem_shared>> -> memref<10000x64xf32, #tpu.memory_space<vmem_shared>>
    %dma_wait3A_225 = tpu.memref_slice %arg12[%dma_wait3A_214] : memref<8x!tpu.dma_semaphore, #tpu.memory_space<semaphore_mem>> -> memref<1x!tpu.dma_semaphore, #tpu.memory_space<semaphore_mem>>
    %dma_wait3A_226 = tpu.memref_squeeze %dma_wait3A_225 : memref<1x!tpu.dma_semaphore, #tpu.memory_space<semaphore_mem>> -> memref<!tpu.dma_semaphore, #tpu.memory_space<semaphore_mem>>
    tpu.wait_indirect_dma semaphore(%dma_wait3A_226 : memref<!tpu.dma_semaphore, #tpu.memory_space<semaphore_mem>>) src(%dma_wait3A_218 : memref<80x64xf32, #tpu.memory_space<vmem>>) dst(%dma_wait3A_224 : memref<10000x64xf32, #tpu.memory_space<vmem_shared>>)
    %dma_wait3A_227 = arith.constant 6 : i32
    %dma_wait3A_228 = arith.constant 249 : i32
    %dma_wait3A_229 = arith.constant 6 : i32
    %dma_wait3A_230 = arith.constant 0 : i32
    %dma_wait3A_231 = arith.constant 0 : i32
    %dma_wait3A_232 = tpu.memref_slice %arg9[%dma_wait3A_227, %dma_wait3A_230, %dma_wait3A_231] : memref<8x80x64xf32, #tpu.memory_space<vmem>> -> memref<1x80x64xf32, #tpu.memory_space<vmem>>
    %dma_wait3A_233 = tpu.memref_squeeze %dma_wait3A_232 : memref<1x80x64xf32, #tpu.memory_space<vmem>> -> memref<80x64xf32, #tpu.memory_space<vmem>>
    %dma_wait3A_234 = arith.constant 0 : i32
    %dma_wait3A_235 = tpu.memref_slice %arg7[%dma_wait3A_228, %dma_wait3A_234] : memref<250x80xi32, #tpu.memory_space<vmem>> -> memref<1x80xi32, #tpu.memory_space<vmem>>
    %dma_wait3A_236 = tpu.memref_squeeze %dma_wait3A_235 : memref<1x80xi32, #tpu.memory_space<vmem>> -> memref<80xi32, #tpu.memory_space<vmem>>
    %dma_wait3A_237 = arith.constant 0 : i32
    %dma_wait3A_238 = arith.constant 0 : i32
    %dma_wait3A_239 = tpu.memref_slice %arg10[%dma_wait3A_237, %dma_wait3A_238] : memref<10000x64xf32, #tpu.memory_space<vmem_shared>> -> memref<10000x64xf32, #tpu.memory_space<vmem_shared>>
    %dma_wait3A_240 = tpu.memref_slice %arg12[%dma_wait3A_229] : memref<8x!tpu.dma_semaphore, #tpu.memory_space<semaphore_mem>> -> memref<1x!tpu.dma_semaphore, #tpu.memory_space<semaphore_mem>>
    %dma_wait3A_241 = tpu.memref_squeeze %dma_wait3A_240 : memref<1x!tpu.dma_semaphore, #tpu.memory_space<semaphore_mem>> -> memref<!tpu.dma_semaphore, #tpu.memory_space<semaphore_mem>>
    tpu.wait_indirect_dma semaphore(%dma_wait3A_241 : memref<!tpu.dma_semaphore, #tpu.memory_space<semaphore_mem>>) src(%dma_wait3A_233 : memref<80x64xf32, #tpu.memory_space<vmem>>) dst(%dma_wait3A_239 : memref<10000x64xf32, #tpu.memory_space<vmem_shared>>)
    %dma_wait3A_242 = arith.constant 7 : i32
    %dma_wait3A_243 = arith.constant 249 : i32
    %dma_wait3A_244 = arith.constant 7 : i32
    %dma_wait3A_245 = arith.constant 0 : i32
    %dma_wait3A_246 = arith.constant 0 : i32
    %dma_wait3A_247 = tpu.memref_slice %arg9[%dma_wait3A_242, %dma_wait3A_245, %dma_wait3A_246] : memref<8x80x64xf32, #tpu.memory_space<vmem>> -> memref<1x80x64xf32, #tpu.memory_space<vmem>>
    %dma_wait3A_248 = tpu.memref_squeeze %dma_wait3A_247 : memref<1x80x64xf32, #tpu.memory_space<vmem>> -> memref<80x64xf32, #tpu.memory_space<vmem>>
    %dma_wait3A_249 = arith.constant 0 : i32
    %dma_wait3A_250 = tpu.memref_slice %arg7[%dma_wait3A_243, %dma_wait3A_249] : memref<250x80xi32, #tpu.memory_space<vmem>> -> memref<1x80xi32, #tpu.memory_space<vmem>>
    %dma_wait3A_251 = tpu.memref_squeeze %dma_wait3A_250 : memref<1x80xi32, #tpu.memory_space<vmem>> -> memref<80xi32, #tpu.memory_space<vmem>>
    %dma_wait3A_252 = arith.constant 0 : i32
    %dma_wait3A_253 = arith.constant 0 : i32
    %dma_wait3A_254 = tpu.memref_slice %arg10[%dma_wait3A_252, %dma_wait3A_253] : memref<10000x64xf32, #tpu.memory_space<vmem_shared>> -> memref<10000x64xf32, #tpu.memory_space<vmem_shared>>
    %dma_wait3A_255 = tpu.memref_slice %arg12[%dma_wait3A_244] : memref<8x!tpu.dma_semaphore, #tpu.memory_space<semaphore_mem>> -> memref<1x!tpu.dma_semaphore, #tpu.memory_space<semaphore_mem>>
    %dma_wait3A_256 = tpu.memref_squeeze %dma_wait3A_255 : memref<1x!tpu.dma_semaphore, #tpu.memory_space<semaphore_mem>> -> memref<!tpu.dma_semaphore, #tpu.memory_space<semaphore_mem>>
    tpu.wait_indirect_dma semaphore(%dma_wait3A_256 : memref<!tpu.dma_semaphore, #tpu.memory_space<semaphore_mem>>) src(%dma_wait3A_248 : memref<80x64xf32, #tpu.memory_space<vmem>>) dst(%dma_wait3A_254 : memref<10000x64xf32, #tpu.memory_space<vmem_shared>>)
    %barrier3A_257 = arith.constant 0 : index
    tpu.barrier barrier_id(%barrier3A_257)
    "tpu.region"() ({
      %run_scoped3A = tpu.sem_alloc : memref<!tpu.dma_semaphore, #tpu.memory_space<semaphore_mem>>
      %dma_start3A_258 = arith.constant 0 : i32
      %dma_start3A_259 = arith.constant 0 : i32
      %dma_start3A_260 = arith.constant 0 : i32
      %dma_start3A_261 = tpu.memref_slice %arg6[%arg0, %dma_start3A_258, %dma_start3A_259, %dma_start3A_260] : memref<2x16x625x64xf32, #tpu.memory_space<hbm>> -> memref<1x16x625x64xf32, #tpu.memory_space<hbm>>
      %dma_start3A_262 = tpu.memref_squeeze %dma_start3A_261 : memref<1x16x625x64xf32, #tpu.memory_space<hbm>> -> memref<16x625x64xf32, #tpu.memory_space<hbm>>
      %dma_start3A_263 = arith.constant 0 : i32
      %dma_start3A_264 = arith.constant 0 : i32
      %dma_start3A_265 = tpu.memref_slice %dma_start3A_262[%arg1, %dma_start3A_263, %dma_start3A_264] : memref<16x625x64xf32, #tpu.memory_space<hbm>> -> memref<1x625x64xf32, #tpu.memory_space<hbm>>
      %dma_start3A_266 = tpu.memref_squeeze %dma_start3A_265 : memref<1x625x64xf32, #tpu.memory_space<hbm>> -> memref<625x64xf32, #tpu.memory_space<hbm>>
      %dma_start3A_267 = arith.constant 0 : i32
      %dma_start3A_268 = tpu.memref_slice %arg10[%mul3A_0, %dma_start3A_267] : memref<10000x64xf32, #tpu.memory_space<vmem_shared>> -> memref<625x64xf32, #tpu.memory_space<vmem_shared>>
      tpu.enqueue_dma source(%dma_start3A_268 : memref<625x64xf32, #tpu.memory_space<vmem_shared>>) target(%dma_start3A_266 : memref<625x64xf32, #tpu.memory_space<hbm>>) target_semaphore(%run_scoped3A : memref<!tpu.dma_semaphore, #tpu.memory_space<semaphore_mem>>)
      %dma_wait3A_269 = arith.constant 0 : i32
      %dma_wait3A_270 = arith.constant 0 : i32
      %dma_wait3A_271 = arith.constant 0 : i32
      %dma_wait3A_272 = tpu.memref_slice %arg6[%arg0, %dma_wait3A_269, %dma_wait3A_270, %dma_wait3A_271] : memref<2x16x625x64xf32, #tpu.memory_space<hbm>> -> memref<1x16x625x64xf32, #tpu.memory_space<hbm>>
      %dma_wait3A_273 = tpu.memref_squeeze %dma_wait3A_272 : memref<1x16x625x64xf32, #tpu.memory_space<hbm>> -> memref<16x625x64xf32, #tpu.memory_space<hbm>>
      %dma_wait3A_274 = arith.constant 0 : i32
      %dma_wait3A_275 = arith.constant 0 : i32
      %dma_wait3A_276 = tpu.memref_slice %dma_wait3A_273[%arg1, %dma_wait3A_274, %dma_wait3A_275] : memref<16x625x64xf32, #tpu.memory_space<hbm>> -> memref<1x625x64xf32, #tpu.memory_space<hbm>>
      %dma_wait3A_277 = tpu.memref_squeeze %dma_wait3A_276 : memref<1x625x64xf32, #tpu.memory_space<hbm>> -> memref<625x64xf32, #tpu.memory_space<hbm>>
      %dma_wait3A_278 = arith.constant 0 : i32
      %dma_wait3A_279 = tpu.memref_slice %arg10[%mul3A_0, %dma_wait3A_278] : memref<10000x64xf32, #tpu.memory_space<vmem_shared>> -> memref<625x64xf32, #tpu.memory_space<vmem_shared>>
      tpu.wait_dma2 semaphore(%run_scoped3A : memref<!tpu.dma_semaphore, #tpu.memory_space<semaphore_mem>>) src(%dma_wait3A_279 : memref<625x64xf32, #tpu.memory_space<vmem_shared>>) dst(%dma_wait3A_277 : memref<625x64xf32, #tpu.memory_space<hbm>>)
      tpu.yield
    }) : () -> ()
    return
  }
}

#map = affine_map<(d0, d1) -> (0, 0, 0)>
#map1 = affine_map<(d0, d1) -> (0, 0)>
#map2 = affine_map<(d0, d1) -> (0, 0, 0, 0)>
module attributes {stable_mosaic.version = 14 : i64} {
  func.func @_phase1_body(%arg0: i32, %arg1: i32, %arg2: memref<4x10000x32xf32, #tpu.memory_space<hbm>>, %arg3: memref<16x250x80xi32, #tpu.memory_space<hbm>>, %arg4: memref<16x250x80xi32, #tpu.memory_space<hbm>>, %arg5: memref<625x32xf32, #tpu.memory_space<hbm>>, %arg6: memref<625x16xf32, #tpu.memory_space<hbm>>, %arg7: memref<80x16xf32, #tpu.memory_space<hbm>>, %arg8: memref<2x16x1250x64xf32, #tpu.memory_space<hbm>>, %arg9: memref<2x16x625x16xf32, #tpu.memory_space<hbm>>, %arg10: memref<250x80xi32, #tpu.memory_space<vmem>>, %arg11: memref<250x80xi32, #tpu.memory_space<vmem>>, %arg12: memref<12x80x32xf32, #tpu.memory_space<vmem>>, %arg13: memref<80x16xf32, #tpu.memory_space<vmem>>, %arg14: memref<20000x32xf32, #tpu.memory_space<vmem_shared>>, %arg15: memref<10000x16xf32, #tpu.memory_space<vmem_shared>>, %arg16: memref<12x!tpu.dma_semaphore, #tpu.memory_space<semaphore_mem>>, %arg17: memref<12x!tpu.dma_semaphore, #tpu.memory_space<semaphore_mem>>, %arg18: memref<!tpu.dma_semaphore, #tpu.memory_space<semaphore_mem>>) attributes {dimension_semantics = [#tpu.dimension_semantics<core_parallel>, #tpu.dimension_semantics<subcore_parallel>], iteration_bounds = array<i64: 2, 16>, scalar_prefetch = 0 : i64, scratch_operands = 9 : i64, tpu.core_type = #tpu.core_type<sc_vector_subcore>, window_params = [{transform_indices = #map}, {transform_indices = #map}, {transform_indices = #map}, {transform_indices = #map1}, {transform_indices = #map1}, {transform_indices = #map1}, {transform_indices = #map2}, {transform_indices = #map2}]} {
    "tpu.region"() ({
      %run_scoped3A = tpu.sem_alloc : memref<!tpu.dma_semaphore, #tpu.memory_space<semaphore_mem>>
      tpu.enqueue_dma source(%arg7 : memref<80x16xf32, #tpu.memory_space<hbm>>) target(%arg13 : memref<80x16xf32, #tpu.memory_space<vmem>>) target_semaphore(%run_scoped3A : memref<!tpu.dma_semaphore, #tpu.memory_space<semaphore_mem>>)
      tpu.wait_dma2 semaphore(%run_scoped3A : memref<!tpu.dma_semaphore, #tpu.memory_space<semaphore_mem>>) src(%arg7 : memref<80x16xf32, #tpu.memory_space<hbm>>) dst(%arg13 : memref<80x16xf32, #tpu.memory_space<vmem>>)
      tpu.yield
    }) : () -> ()
    "tpu.region"() ({
      %run_scoped3A = tpu.sem_alloc : memref<!tpu.dma_semaphore, #tpu.memory_space<semaphore_mem>>
      %dma_start3A_812 = arith.constant 0 : i32
      %dma_start3A_813 = arith.constant 0 : i32
      %dma_start3A_814 = tpu.memref_slice %arg3[%arg1, %dma_start3A_812, %dma_start3A_813] : memref<16x250x80xi32, #tpu.memory_space<hbm>> -> memref<1x250x80xi32, #tpu.memory_space<hbm>>
      %dma_start3A_815 = tpu.memref_squeeze %dma_start3A_814 : memref<1x250x80xi32, #tpu.memory_space<hbm>> -> memref<250x80xi32, #tpu.memory_space<hbm>>
      %dma_start3A_816 = arith.constant 0 : i32
      %dma_start3A_817 = arith.constant 0 : i32
      %dma_start3A_818 = tpu.memref_slice %arg3[%arg1, %dma_start3A_816, %dma_start3A_817] : memref<16x250x80xi32, #tpu.memory_space<hbm>> -> memref<1x250x80xi32, #tpu.memory_space<hbm>>
      %dma_start3A_819 = tpu.memref_squeeze %dma_start3A_818 : memref<1x250x80xi32, #tpu.memory_space<hbm>> -> memref<250x80xi32, #tpu.memory_space<hbm>>
      tpu.enqueue_dma source(%dma_start3A_819 : memref<250x80xi32, #tpu.memory_space<hbm>>) target(%arg10 : memref<250x80xi32, #tpu.memory_space<vmem>>) target_semaphore(%run_scoped3A : memref<!tpu.dma_semaphore, #tpu.memory_space<semaphore_mem>>)
      %dma_wait3A_820 = arith.constant 0 : i32
      %dma_wait3A_821 = arith.constant 0 : i32
      %dma_wait3A_822 = tpu.memref_slice %arg3[%arg1, %dma_wait3A_820, %dma_wait3A_821] : memref<16x250x80xi32, #tpu.memory_space<hbm>> -> memref<1x250x80xi32, #tpu.memory_space<hbm>>
      %dma_wait3A_823 = tpu.memref_squeeze %dma_wait3A_822 : memref<1x250x80xi32, #tpu.memory_space<hbm>> -> memref<250x80xi32, #tpu.memory_space<hbm>>
      %dma_wait3A_824 = arith.constant 0 : i32
      %dma_wait3A_825 = arith.constant 0 : i32
      %dma_wait3A_826 = tpu.memref_slice %arg3[%arg1, %dma_wait3A_824, %dma_wait3A_825] : memref<16x250x80xi32, #tpu.memory_space<hbm>> -> memref<1x250x80xi32, #tpu.memory_space<hbm>>
      %dma_wait3A_827 = tpu.memref_squeeze %dma_wait3A_826 : memref<1x250x80xi32, #tpu.memory_space<hbm>> -> memref<250x80xi32, #tpu.memory_space<hbm>>
      tpu.wait_dma2 semaphore(%run_scoped3A : memref<!tpu.dma_semaphore, #tpu.memory_space<semaphore_mem>>) src(%dma_wait3A_827 : memref<250x80xi32, #tpu.memory_space<hbm>>) dst(%arg10 : memref<250x80xi32, #tpu.memory_space<vmem>>)
      tpu.yield
    }) : () -> ()
    "tpu.region"() ({
      %run_scoped3A = tpu.sem_alloc : memref<!tpu.dma_semaphore, #tpu.memory_space<semaphore_mem>>
      %dma_start3A_812 = arith.constant 0 : i32
      %dma_start3A_813 = arith.constant 0 : i32
      %dma_start3A_814 = tpu.memref_slice %arg4[%arg1, %dma_start3A_812, %dma_start3A_813] : memref<16x250x80xi32, #tpu.memory_space<hbm>> -> memref<1x250x80xi32, #tpu.memory_space<hbm>>
      %dma_start3A_815 = tpu.memref_squeeze %dma_start3A_814 : memref<1x250x80xi32, #tpu.memory_space<hbm>> -> memref<250x80xi32, #tpu.memory_space<hbm>>
      %dma_start3A_816 = arith.constant 0 : i32
      %dma_start3A_817 = arith.constant 0 : i32
      %dma_start3A_818 = tpu.memref_slice %arg4[%arg1, %dma_start3A_816, %dma_start3A_817] : memref<16x250x80xi32, #tpu.memory_space<hbm>> -> memref<1x250x80xi32, #tpu.memory_space<hbm>>
      %dma_start3A_819 = tpu.memref_squeeze %dma_start3A_818 : memref<1x250x80xi32, #tpu.memory_space<hbm>> -> memref<250x80xi32, #tpu.memory_space<hbm>>
      tpu.enqueue_dma source(%dma_start3A_819 : memref<250x80xi32, #tpu.memory_space<hbm>>) target(%arg11 : memref<250x80xi32, #tpu.memory_space<vmem>>) target_semaphore(%run_scoped3A : memref<!tpu.dma_semaphore, #tpu.memory_space<semaphore_mem>>)
      %dma_wait3A_820 = arith.constant 0 : i32
      %dma_wait3A_821 = arith.constant 0 : i32
      %dma_wait3A_822 = tpu.memref_slice %arg4[%arg1, %dma_wait3A_820, %dma_wait3A_821] : memref<16x250x80xi32, #tpu.memory_space<hbm>> -> memref<1x250x80xi32, #tpu.memory_space<hbm>>
      %dma_wait3A_823 = tpu.memref_squeeze %dma_wait3A_822 : memref<1x250x80xi32, #tpu.memory_space<hbm>> -> memref<250x80xi32, #tpu.memory_space<hbm>>
      %dma_wait3A_824 = arith.constant 0 : i32
      %dma_wait3A_825 = arith.constant 0 : i32
      %dma_wait3A_826 = tpu.memref_slice %arg4[%arg1, %dma_wait3A_824, %dma_wait3A_825] : memref<16x250x80xi32, #tpu.memory_space<hbm>> -> memref<1x250x80xi32, #tpu.memory_space<hbm>>
      %dma_wait3A_827 = tpu.memref_squeeze %dma_wait3A_826 : memref<1x250x80xi32, #tpu.memory_space<hbm>> -> memref<250x80xi32, #tpu.memory_space<hbm>>
      tpu.wait_dma2 semaphore(%run_scoped3A : memref<!tpu.dma_semaphore, #tpu.memory_space<semaphore_mem>>) src(%dma_wait3A_827 : memref<250x80xi32, #tpu.memory_space<hbm>>) dst(%arg11 : memref<250x80xi32, #tpu.memory_space<vmem>>)
      tpu.yield
    }) : () -> ()
    %mul3A = arith.constant 625 : i32
    %mul3A_0 = arith.muli %arg1, %mul3A : i32
    "tpu.region"() ({
      %run_scoped3A = tpu.sem_alloc : memref<!tpu.dma_semaphore, #tpu.memory_space<semaphore_mem>>
      %dma_start3A_812 = arith.constant 0 : i32
      %dma_start3A_813 = tpu.memref_slice %arg15[%mul3A_0, %dma_start3A_812] : memref<10000x16xf32, #tpu.memory_space<vmem_shared>> -> memref<625x16xf32, #tpu.memory_space<vmem_shared>>
      tpu.enqueue_dma source(%arg6 : memref<625x16xf32, #tpu.memory_space<hbm>>) target(%dma_start3A_813 : memref<625x16xf32, #tpu.memory_space<vmem_shared>>) target_semaphore(%run_scoped3A : memref<!tpu.dma_semaphore, #tpu.memory_space<semaphore_mem>>)
      %dma_wait3A_814 = arith.constant 0 : i32
      %dma_wait3A_815 = tpu.memref_slice %arg15[%mul3A_0, %dma_wait3A_814] : memref<10000x16xf32, #tpu.memory_space<vmem_shared>> -> memref<625x16xf32, #tpu.memory_space<vmem_shared>>
      tpu.wait_dma2 semaphore(%run_scoped3A : memref<!tpu.dma_semaphore, #tpu.memory_space<semaphore_mem>>) src(%arg6 : memref<625x16xf32, #tpu.memory_space<hbm>>) dst(%dma_wait3A_815 : memref<625x16xf32, #tpu.memory_space<vmem_shared>>)
      tpu.yield
    }) : () -> ()
    %mul3A_1 = arith.constant 1250 : i32
    %mul3A_2 = arith.muli %arg1, %mul3A_1 : i32
    %mul3A_3 = arith.constant 2 : i32
    %mul3A_4 = arith.muli %mul3A_3, %arg0 : i32
    %add3A = arith.constant 0 : i32
    %add3A_5 = arith.addi %mul3A_4, %add3A : i32
    "tpu.region"() ({
      %run_scoped3A = tpu.sem_alloc : memref<!tpu.dma_semaphore, #tpu.memory_space<semaphore_mem>>
      %dma_start3A_812 = arith.constant 0 : i32
      %dma_start3A_813 = tpu.memref_slice %arg14[%mul3A_2, %dma_start3A_812] : memref<20000x32xf32, #tpu.memory_space<vmem_shared>> -> memref<625x32xf32, #tpu.memory_space<vmem_shared>>
      tpu.enqueue_dma source(%arg5 : memref<625x32xf32, #tpu.memory_space<hbm>>) target(%dma_start3A_813 : memref<625x32xf32, #tpu.memory_space<vmem_shared>>) target_semaphore(%run_scoped3A : memref<!tpu.dma_semaphore, #tpu.memory_space<semaphore_mem>>)
      %dma_wait3A_814 = arith.constant 0 : i32
      %dma_wait3A_815 = tpu.memref_slice %arg14[%mul3A_2, %dma_wait3A_814] : memref<20000x32xf32, #tpu.memory_space<vmem_shared>> -> memref<625x32xf32, #tpu.memory_space<vmem_shared>>
      tpu.wait_dma2 semaphore(%run_scoped3A : memref<!tpu.dma_semaphore, #tpu.memory_space<semaphore_mem>>) src(%arg5 : memref<625x32xf32, #tpu.memory_space<hbm>>) dst(%dma_wait3A_815 : memref<625x32xf32, #tpu.memory_space<vmem_shared>>)
      tpu.yield
    }) : () -> ()
    %add3A_6 = arith.constant 625 : i32
    %add3A_7 = arith.addi %mul3A_2, %add3A_6 : i32
    "tpu.region"() ({
      %run_scoped3A = tpu.sem_alloc : memref<!tpu.dma_semaphore, #tpu.memory_space<semaphore_mem>>
      %dma_start3A_812 = arith.constant 0 : i32
      %dma_start3A_813 = tpu.memref_slice %arg14[%add3A_7, %dma_start3A_812] : memref<20000x32xf32, #tpu.memory_space<vmem_shared>> -> memref<625x32xf32, #tpu.memory_space<vmem_shared>>
      tpu.enqueue_dma source(%arg5 : memref<625x32xf32, #tpu.memory_space<hbm>>) target(%dma_start3A_813 : memref<625x32xf32, #tpu.memory_space<vmem_shared>>) target_semaphore(%run_scoped3A : memref<!tpu.dma_semaphore, #tpu.memory_space<semaphore_mem>>)
      %dma_wait3A_814 = arith.constant 0 : i32
      %dma_wait3A_815 = tpu.memref_slice %arg14[%add3A_7, %dma_wait3A_814] : memref<20000x32xf32, #tpu.memory_space<vmem_shared>> -> memref<625x32xf32, #tpu.memory_space<vmem_shared>>
      tpu.wait_dma2 semaphore(%run_scoped3A : memref<!tpu.dma_semaphore, #tpu.memory_space<semaphore_mem>>) src(%arg5 : memref<625x32xf32, #tpu.memory_space<hbm>>) dst(%dma_wait3A_815 : memref<625x32xf32, #tpu.memory_space<vmem_shared>>)
      tpu.yield
    }) : () -> ()
    %barrier3A = arith.constant 0 : index
    tpu.barrier barrier_id(%barrier3A)
    %dma_start3A = arith.constant 0 : i32
    %dma_start3A_8 = arith.constant 0 : i32
    %dma_start3A_9 = arith.constant 0 : i32
    %dma_start3A_10 = arith.constant 0 : i32
    %dma_start3A_11 = arith.constant 0 : i32
    %dma_start3A_12 = tpu.memref_slice %arg12[%dma_start3A_8, %dma_start3A_10, %dma_start3A_11] : memref<12x80x32xf32, #tpu.memory_space<vmem>> -> memref<1x80x32xf32, #tpu.memory_space<vmem>>
    %dma_start3A_13 = tpu.memref_squeeze %dma_start3A_12 : memref<1x80x32xf32, #tpu.memory_space<vmem>> -> memref<80x32xf32, #tpu.memory_space<vmem>>
    %dma_start3A_14 = arith.constant 0 : i32
    %dma_start3A_15 = tpu.memref_slice %arg10[%dma_start3A, %dma_start3A_14] : memref<250x80xi32, #tpu.memory_space<vmem>> -> memref<1x80xi32, #tpu.memory_space<vmem>>
    %dma_start3A_16 = tpu.memref_squeeze %dma_start3A_15 : memref<1x80xi32, #tpu.memory_space<vmem>> -> memref<80xi32, #tpu.memory_space<vmem>>
    %dma_start3A_17 = arith.constant 0 : i32
    %dma_start3A_18 = arith.constant 0 : i32
    %dma_start3A_19 = tpu.memref_slice %arg2[%add3A_5, %dma_start3A_17, %dma_start3A_18] : memref<4x10000x32xf32, #tpu.memory_space<hbm>> -> memref<1x10000x32xf32, #tpu.memory_space<hbm>>
    %dma_start3A_20 = tpu.memref_squeeze %dma_start3A_19 : memref<1x10000x32xf32, #tpu.memory_space<hbm>> -> memref<10000x32xf32, #tpu.memory_space<hbm>>
    %dma_start3A_21 = arith.constant 0 : i32
    %dma_start3A_22 = arith.constant 0 : i32
    %dma_start3A_23 = tpu.memref_slice %dma_start3A_20[%dma_start3A_21, %dma_start3A_22] : memref<10000x32xf32, #tpu.memory_space<hbm>> -> memref<10000x32xf32, #tpu.memory_space<hbm>>
    %dma_start3A_24 = tpu.memref_slice %arg16[%dma_start3A_9] : memref<12x!tpu.dma_semaphore, #tpu.memory_space<semaphore_mem>> -> memref<1x!tpu.dma_semaphore, #tpu.memory_space<semaphore_mem>>
    %dma_start3A_25 = tpu.memref_squeeze %dma_start3A_24 : memref<1x!tpu.dma_semaphore, #tpu.memory_space<semaphore_mem>> -> memref<!tpu.dma_semaphore, #tpu.memory_space<semaphore_mem>>
    tpu.enqueue_indirect_dma source(%dma_start3A_23 : memref<10000x32xf32, #tpu.memory_space<hbm>>) target(%dma_start3A_13 : memref<80x32xf32, #tpu.memory_space<vmem>>) offsets(%dma_start3A_16 : memref<80xi32, #tpu.memory_space<vmem>>) semaphore(%dma_start3A_25 : memref<!tpu.dma_semaphore, #tpu.memory_space<semaphore_mem>>)
    %dma_start3A_26 = arith.constant 1 : i32
    %dma_start3A_27 = arith.constant 1 : i32
    %dma_start3A_28 = arith.constant 1 : i32
    %dma_start3A_29 = arith.constant 0 : i32
    %dma_start3A_30 = arith.constant 0 : i32
    %dma_start3A_31 = tpu.memref_slice %arg12[%dma_start3A_27, %dma_start3A_29, %dma_start3A_30] : memref<12x80x32xf32, #tpu.memory_space<vmem>> -> memref<1x80x32xf32, #tpu.memory_space<vmem>>
    %dma_start3A_32 = tpu.memref_squeeze %dma_start3A_31 : memref<1x80x32xf32, #tpu.memory_space<vmem>> -> memref<80x32xf32, #tpu.memory_space<vmem>>
    %dma_start3A_33 = arith.constant 0 : i32
    %dma_start3A_34 = tpu.memref_slice %arg10[%dma_start3A_26, %dma_start3A_33] : memref<250x80xi32, #tpu.memory_space<vmem>> -> memref<1x80xi32, #tpu.memory_space<vmem>>
    %dma_start3A_35 = tpu.memref_squeeze %dma_start3A_34 : memref<1x80xi32, #tpu.memory_space<vmem>> -> memref<80xi32, #tpu.memory_space<vmem>>
    %dma_start3A_36 = arith.constant 0 : i32
    %dma_start3A_37 = arith.constant 0 : i32
    %dma_start3A_38 = tpu.memref_slice %arg2[%add3A_5, %dma_start3A_36, %dma_start3A_37] : memref<4x10000x32xf32, #tpu.memory_space<hbm>> -> memref<1x10000x32xf32, #tpu.memory_space<hbm>>
    %dma_start3A_39 = tpu.memref_squeeze %dma_start3A_38 : memref<1x10000x32xf32, #tpu.memory_space<hbm>> -> memref<10000x32xf32, #tpu.memory_space<hbm>>
    %dma_start3A_40 = arith.constant 0 : i32
    %dma_start3A_41 = arith.constant 0 : i32
    %dma_start3A_42 = tpu.memref_slice %dma_start3A_39[%dma_start3A_40, %dma_start3A_41] : memref<10000x32xf32, #tpu.memory_space<hbm>> -> memref<10000x32xf32, #tpu.memory_space<hbm>>
    %dma_start3A_43 = tpu.memref_slice %arg16[%dma_start3A_28] : memref<12x!tpu.dma_semaphore, #tpu.memory_space<semaphore_mem>> -> memref<1x!tpu.dma_semaphore, #tpu.memory_space<semaphore_mem>>
    %dma_start3A_44 = tpu.memref_squeeze %dma_start3A_43 : memref<1x!tpu.dma_semaphore, #tpu.memory_space<semaphore_mem>> -> memref<!tpu.dma_semaphore, #tpu.memory_space<semaphore_mem>>
    tpu.enqueue_indirect_dma source(%dma_start3A_42 : memref<10000x32xf32, #tpu.memory_space<hbm>>) target(%dma_start3A_32 : memref<80x32xf32, #tpu.memory_space<vmem>>) offsets(%dma_start3A_35 : memref<80xi32, #tpu.memory_space<vmem>>) semaphore(%dma_start3A_44 : memref<!tpu.dma_semaphore, #tpu.memory_space<semaphore_mem>>)
    %dma_start3A_45 = arith.constant 2 : i32
    %dma_start3A_46 = arith.constant 2 : i32
    %dma_start3A_47 = arith.constant 2 : i32
    %dma_start3A_48 = arith.constant 0 : i32
    %dma_start3A_49 = arith.constant 0 : i32
    %dma_start3A_50 = tpu.memref_slice %arg12[%dma_start3A_46, %dma_start3A_48, %dma_start3A_49] : memref<12x80x32xf32, #tpu.memory_space<vmem>> -> memref<1x80x32xf32, #tpu.memory_space<vmem>>
    %dma_start3A_51 = tpu.memref_squeeze %dma_start3A_50 : memref<1x80x32xf32, #tpu.memory_space<vmem>> -> memref<80x32xf32, #tpu.memory_space<vmem>>
    %dma_start3A_52 = arith.constant 0 : i32
    %dma_start3A_53 = tpu.memref_slice %arg10[%dma_start3A_45, %dma_start3A_52] : memref<250x80xi32, #tpu.memory_space<vmem>> -> memref<1x80xi32, #tpu.memory_space<vmem>>
    %dma_start3A_54 = tpu.memref_squeeze %dma_start3A_53 : memref<1x80xi32, #tpu.memory_space<vmem>> -> memref<80xi32, #tpu.memory_space<vmem>>
    %dma_start3A_55 = arith.constant 0 : i32
    %dma_start3A_56 = arith.constant 0 : i32
    %dma_start3A_57 = tpu.memref_slice %arg2[%add3A_5, %dma_start3A_55, %dma_start3A_56] : memref<4x10000x32xf32, #tpu.memory_space<hbm>> -> memref<1x10000x32xf32, #tpu.memory_space<hbm>>
    %dma_start3A_58 = tpu.memref_squeeze %dma_start3A_57 : memref<1x10000x32xf32, #tpu.memory_space<hbm>> -> memref<10000x32xf32, #tpu.memory_space<hbm>>
    %dma_start3A_59 = arith.constant 0 : i32
    %dma_start3A_60 = arith.constant 0 : i32
    %dma_start3A_61 = tpu.memref_slice %dma_start3A_58[%dma_start3A_59, %dma_start3A_60] : memref<10000x32xf32, #tpu.memory_space<hbm>> -> memref<10000x32xf32, #tpu.memory_space<hbm>>
    %dma_start3A_62 = tpu.memref_slice %arg16[%dma_start3A_47] : memref<12x!tpu.dma_semaphore, #tpu.memory_space<semaphore_mem>> -> memref<1x!tpu.dma_semaphore, #tpu.memory_space<semaphore_mem>>
    %dma_start3A_63 = tpu.memref_squeeze %dma_start3A_62 : memref<1x!tpu.dma_semaphore, #tpu.memory_space<semaphore_mem>> -> memref<!tpu.dma_semaphore, #tpu.memory_space<semaphore_mem>>
    tpu.enqueue_indirect_dma source(%dma_start3A_61 : memref<10000x32xf32, #tpu.memory_space<hbm>>) target(%dma_start3A_51 : memref<80x32xf32, #tpu.memory_space<vmem>>) offsets(%dma_start3A_54 : memref<80xi32, #tpu.memory_space<vmem>>) semaphore(%dma_start3A_63 : memref<!tpu.dma_semaphore, #tpu.memory_space<semaphore_mem>>)
    %dma_start3A_64 = arith.constant 3 : i32
    %dma_start3A_65 = arith.constant 3 : i32
    %dma_start3A_66 = arith.constant 3 : i32
    %dma_start3A_67 = arith.constant 0 : i32
    %dma_start3A_68 = arith.constant 0 : i32
    %dma_start3A_69 = tpu.memref_slice %arg12[%dma_start3A_65, %dma_start3A_67, %dma_start3A_68] : memref<12x80x32xf32, #tpu.memory_space<vmem>> -> memref<1x80x32xf32, #tpu.memory_space<vmem>>
    %dma_start3A_70 = tpu.memref_squeeze %dma_start3A_69 : memref<1x80x32xf32, #tpu.memory_space<vmem>> -> memref<80x32xf32, #tpu.memory_space<vmem>>
    %dma_start3A_71 = arith.constant 0 : i32
    %dma_start3A_72 = tpu.memref_slice %arg10[%dma_start3A_64, %dma_start3A_71] : memref<250x80xi32, #tpu.memory_space<vmem>> -> memref<1x80xi32, #tpu.memory_space<vmem>>
    %dma_start3A_73 = tpu.memref_squeeze %dma_start3A_72 : memref<1x80xi32, #tpu.memory_space<vmem>> -> memref<80xi32, #tpu.memory_space<vmem>>
    %dma_start3A_74 = arith.constant 0 : i32
    %dma_start3A_75 = arith.constant 0 : i32
    %dma_start3A_76 = tpu.memref_slice %arg2[%add3A_5, %dma_start3A_74, %dma_start3A_75] : memref<4x10000x32xf32, #tpu.memory_space<hbm>> -> memref<1x10000x32xf32, #tpu.memory_space<hbm>>
    %dma_start3A_77 = tpu.memref_squeeze %dma_start3A_76 : memref<1x10000x32xf32, #tpu.memory_space<hbm>> -> memref<10000x32xf32, #tpu.memory_space<hbm>>
    %dma_start3A_78 = arith.constant 0 : i32
    %dma_start3A_79 = arith.constant 0 : i32
    %dma_start3A_80 = tpu.memref_slice %dma_start3A_77[%dma_start3A_78, %dma_start3A_79] : memref<10000x32xf32, #tpu.memory_space<hbm>> -> memref<10000x32xf32, #tpu.memory_space<hbm>>
    %dma_start3A_81 = tpu.memref_slice %arg16[%dma_start3A_66] : memref<12x!tpu.dma_semaphore, #tpu.memory_space<semaphore_mem>> -> memref<1x!tpu.dma_semaphore, #tpu.memory_space<semaphore_mem>>
    %dma_start3A_82 = tpu.memref_squeeze %dma_start3A_81 : memref<1x!tpu.dma_semaphore, #tpu.memory_space<semaphore_mem>> -> memref<!tpu.dma_semaphore, #tpu.memory_space<semaphore_mem>>
    tpu.enqueue_indirect_dma source(%dma_start3A_80 : memref<10000x32xf32, #tpu.memory_space<hbm>>) target(%dma_start3A_70 : memref<80x32xf32, #tpu.memory_space<vmem>>) offsets(%dma_start3A_73 : memref<80xi32, #tpu.memory_space<vmem>>) semaphore(%dma_start3A_82 : memref<!tpu.dma_semaphore, #tpu.memory_space<semaphore_mem>>)
    %dma_start3A_83 = arith.constant 4 : i32
    %dma_start3A_84 = arith.constant 4 : i32
    %dma_start3A_85 = arith.constant 4 : i32
    %dma_start3A_86 = arith.constant 0 : i32
    %dma_start3A_87 = arith.constant 0 : i32
    %dma_start3A_88 = tpu.memref_slice %arg12[%dma_start3A_84, %dma_start3A_86, %dma_start3A_87] : memref<12x80x32xf32, #tpu.memory_space<vmem>> -> memref<1x80x32xf32, #tpu.memory_space<vmem>>
    %dma_start3A_89 = tpu.memref_squeeze %dma_start3A_88 : memref<1x80x32xf32, #tpu.memory_space<vmem>> -> memref<80x32xf32, #tpu.memory_space<vmem>>
    %dma_start3A_90 = arith.constant 0 : i32
    %dma_start3A_91 = tpu.memref_slice %arg10[%dma_start3A_83, %dma_start3A_90] : memref<250x80xi32, #tpu.memory_space<vmem>> -> memref<1x80xi32, #tpu.memory_space<vmem>>
    %dma_start3A_92 = tpu.memref_squeeze %dma_start3A_91 : memref<1x80xi32, #tpu.memory_space<vmem>> -> memref<80xi32, #tpu.memory_space<vmem>>
    %dma_start3A_93 = arith.constant 0 : i32
    %dma_start3A_94 = arith.constant 0 : i32
    %dma_start3A_95 = tpu.memref_slice %arg2[%add3A_5, %dma_start3A_93, %dma_start3A_94] : memref<4x10000x32xf32, #tpu.memory_space<hbm>> -> memref<1x10000x32xf32, #tpu.memory_space<hbm>>
    %dma_start3A_96 = tpu.memref_squeeze %dma_start3A_95 : memref<1x10000x32xf32, #tpu.memory_space<hbm>> -> memref<10000x32xf32, #tpu.memory_space<hbm>>
    %dma_start3A_97 = arith.constant 0 : i32
    %dma_start3A_98 = arith.constant 0 : i32
    %dma_start3A_99 = tpu.memref_slice %dma_start3A_96[%dma_start3A_97, %dma_start3A_98] : memref<10000x32xf32, #tpu.memory_space<hbm>> -> memref<10000x32xf32, #tpu.memory_space<hbm>>
    %dma_start3A_100 = tpu.memref_slice %arg16[%dma_start3A_85] : memref<12x!tpu.dma_semaphore, #tpu.memory_space<semaphore_mem>> -> memref<1x!tpu.dma_semaphore, #tpu.memory_space<semaphore_mem>>
    %dma_start3A_101 = tpu.memref_squeeze %dma_start3A_100 : memref<1x!tpu.dma_semaphore, #tpu.memory_space<semaphore_mem>> -> memref<!tpu.dma_semaphore, #tpu.memory_space<semaphore_mem>>
    tpu.enqueue_indirect_dma source(%dma_start3A_99 : memref<10000x32xf32, #tpu.memory_space<hbm>>) target(%dma_start3A_89 : memref<80x32xf32, #tpu.memory_space<vmem>>) offsets(%dma_start3A_92 : memref<80xi32, #tpu.memory_space<vmem>>) semaphore(%dma_start3A_101 : memref<!tpu.dma_semaphore, #tpu.memory_space<semaphore_mem>>)
    %dma_start3A_102 = arith.constant 5 : i32
    %dma_start3A_103 = arith.constant 5 : i32
    %dma_start3A_104 = arith.constant 5 : i32
    %dma_start3A_105 = arith.constant 0 : i32
    %dma_start3A_106 = arith.constant 0 : i32
    %dma_start3A_107 = tpu.memref_slice %arg12[%dma_start3A_103, %dma_start3A_105, %dma_start3A_106] : memref<12x80x32xf32, #tpu.memory_space<vmem>> -> memref<1x80x32xf32, #tpu.memory_space<vmem>>
    %dma_start3A_108 = tpu.memref_squeeze %dma_start3A_107 : memref<1x80x32xf32, #tpu.memory_space<vmem>> -> memref<80x32xf32, #tpu.memory_space<vmem>>
    %dma_start3A_109 = arith.constant 0 : i32
    %dma_start3A_110 = tpu.memref_slice %arg10[%dma_start3A_102, %dma_start3A_109] : memref<250x80xi32, #tpu.memory_space<vmem>> -> memref<1x80xi32, #tpu.memory_space<vmem>>
    %dma_start3A_111 = tpu.memref_squeeze %dma_start3A_110 : memref<1x80xi32, #tpu.memory_space<vmem>> -> memref<80xi32, #tpu.memory_space<vmem>>
    %dma_start3A_112 = arith.constant 0 : i32
    %dma_start3A_113 = arith.constant 0 : i32
    %dma_start3A_114 = tpu.memref_slice %arg2[%add3A_5, %dma_start3A_112, %dma_start3A_113] : memref<4x10000x32xf32, #tpu.memory_space<hbm>> -> memref<1x10000x32xf32, #tpu.memory_space<hbm>>
    %dma_start3A_115 = tpu.memref_squeeze %dma_start3A_114 : memref<1x10000x32xf32, #tpu.memory_space<hbm>> -> memref<10000x32xf32, #tpu.memory_space<hbm>>
    %dma_start3A_116 = arith.constant 0 : i32
    %dma_start3A_117 = arith.constant 0 : i32
    %dma_start3A_118 = tpu.memref_slice %dma_start3A_115[%dma_start3A_116, %dma_start3A_117] : memref<10000x32xf32, #tpu.memory_space<hbm>> -> memref<10000x32xf32, #tpu.memory_space<hbm>>
    %dma_start3A_119 = tpu.memref_slice %arg16[%dma_start3A_104] : memref<12x!tpu.dma_semaphore, #tpu.memory_space<semaphore_mem>> -> memref<1x!tpu.dma_semaphore, #tpu.memory_space<semaphore_mem>>
    %dma_start3A_120 = tpu.memref_squeeze %dma_start3A_119 : memref<1x!tpu.dma_semaphore, #tpu.memory_space<semaphore_mem>> -> memref<!tpu.dma_semaphore, #tpu.memory_space<semaphore_mem>>
    tpu.enqueue_indirect_dma source(%dma_start3A_118 : memref<10000x32xf32, #tpu.memory_space<hbm>>) target(%dma_start3A_108 : memref<80x32xf32, #tpu.memory_space<vmem>>) offsets(%dma_start3A_111 : memref<80xi32, #tpu.memory_space<vmem>>) semaphore(%dma_start3A_120 : memref<!tpu.dma_semaphore, #tpu.memory_space<semaphore_mem>>)
    %dma_start3A_121 = arith.constant 6 : i32
    %dma_start3A_122 = arith.constant 6 : i32
    %dma_start3A_123 = arith.constant 6 : i32
    %dma_start3A_124 = arith.constant 0 : i32
    %dma_start3A_125 = arith.constant 0 : i32
    %dma_start3A_126 = tpu.memref_slice %arg12[%dma_start3A_122, %dma_start3A_124, %dma_start3A_125] : memref<12x80x32xf32, #tpu.memory_space<vmem>> -> memref<1x80x32xf32, #tpu.memory_space<vmem>>
    %dma_start3A_127 = tpu.memref_squeeze %dma_start3A_126 : memref<1x80x32xf32, #tpu.memory_space<vmem>> -> memref<80x32xf32, #tpu.memory_space<vmem>>
    %dma_start3A_128 = arith.constant 0 : i32
    %dma_start3A_129 = tpu.memref_slice %arg10[%dma_start3A_121, %dma_start3A_128] : memref<250x80xi32, #tpu.memory_space<vmem>> -> memref<1x80xi32, #tpu.memory_space<vmem>>
    %dma_start3A_130 = tpu.memref_squeeze %dma_start3A_129 : memref<1x80xi32, #tpu.memory_space<vmem>> -> memref<80xi32, #tpu.memory_space<vmem>>
    %dma_start3A_131 = arith.constant 0 : i32
    %dma_start3A_132 = arith.constant 0 : i32
    %dma_start3A_133 = tpu.memref_slice %arg2[%add3A_5, %dma_start3A_131, %dma_start3A_132] : memref<4x10000x32xf32, #tpu.memory_space<hbm>> -> memref<1x10000x32xf32, #tpu.memory_space<hbm>>
    %dma_start3A_134 = tpu.memref_squeeze %dma_start3A_133 : memref<1x10000x32xf32, #tpu.memory_space<hbm>> -> memref<10000x32xf32, #tpu.memory_space<hbm>>
    %dma_start3A_135 = arith.constant 0 : i32
    %dma_start3A_136 = arith.constant 0 : i32
    %dma_start3A_137 = tpu.memref_slice %dma_start3A_134[%dma_start3A_135, %dma_start3A_136] : memref<10000x32xf32, #tpu.memory_space<hbm>> -> memref<10000x32xf32, #tpu.memory_space<hbm>>
    %dma_start3A_138 = tpu.memref_slice %arg16[%dma_start3A_123] : memref<12x!tpu.dma_semaphore, #tpu.memory_space<semaphore_mem>> -> memref<1x!tpu.dma_semaphore, #tpu.memory_space<semaphore_mem>>
    %dma_start3A_139 = tpu.memref_squeeze %dma_start3A_138 : memref<1x!tpu.dma_semaphore, #tpu.memory_space<semaphore_mem>> -> memref<!tpu.dma_semaphore, #tpu.memory_space<semaphore_mem>>
    tpu.enqueue_indirect_dma source(%dma_start3A_137 : memref<10000x32xf32, #tpu.memory_space<hbm>>) target(%dma_start3A_127 : memref<80x32xf32, #tpu.memory_space<vmem>>) offsets(%dma_start3A_130 : memref<80xi32, #tpu.memory_space<vmem>>) semaphore(%dma_start3A_139 : memref<!tpu.dma_semaphore, #tpu.memory_space<semaphore_mem>>)
    %dma_start3A_140 = arith.constant 7 : i32
    %dma_start3A_141 = arith.constant 7 : i32
    %dma_start3A_142 = arith.constant 7 : i32
    %dma_start3A_143 = arith.constant 0 : i32
    %dma_start3A_144 = arith.constant 0 : i32
    %dma_start3A_145 = tpu.memref_slice %arg12[%dma_start3A_141, %dma_start3A_143, %dma_start3A_144] : memref<12x80x32xf32, #tpu.memory_space<vmem>> -> memref<1x80x32xf32, #tpu.memory_space<vmem>>
    %dma_start3A_146 = tpu.memref_squeeze %dma_start3A_145 : memref<1x80x32xf32, #tpu.memory_space<vmem>> -> memref<80x32xf32, #tpu.memory_space<vmem>>
    %dma_start3A_147 = arith.constant 0 : i32
    %dma_start3A_148 = tpu.memref_slice %arg10[%dma_start3A_140, %dma_start3A_147] : memref<250x80xi32, #tpu.memory_space<vmem>> -> memref<1x80xi32, #tpu.memory_space<vmem>>
    %dma_start3A_149 = tpu.memref_squeeze %dma_start3A_148 : memref<1x80xi32, #tpu.memory_space<vmem>> -> memref<80xi32, #tpu.memory_space<vmem>>
    %dma_start3A_150 = arith.constant 0 : i32
    %dma_start3A_151 = arith.constant 0 : i32
    %dma_start3A_152 = tpu.memref_slice %arg2[%add3A_5, %dma_start3A_150, %dma_start3A_151] : memref<4x10000x32xf32, #tpu.memory_space<hbm>> -> memref<1x10000x32xf32, #tpu.memory_space<hbm>>
    %dma_start3A_153 = tpu.memref_squeeze %dma_start3A_152 : memref<1x10000x32xf32, #tpu.memory_space<hbm>> -> memref<10000x32xf32, #tpu.memory_space<hbm>>
    %dma_start3A_154 = arith.constant 0 : i32
    %dma_start3A_155 = arith.constant 0 : i32
    %dma_start3A_156 = tpu.memref_slice %dma_start3A_153[%dma_start3A_154, %dma_start3A_155] : memref<10000x32xf32, #tpu.memory_space<hbm>> -> memref<10000x32xf32, #tpu.memory_space<hbm>>
    %dma_start3A_157 = tpu.memref_slice %arg16[%dma_start3A_142] : memref<12x!tpu.dma_semaphore, #tpu.memory_space<semaphore_mem>> -> memref<1x!tpu.dma_semaphore, #tpu.memory_space<semaphore_mem>>
    %dma_start3A_158 = tpu.memref_squeeze %dma_start3A_157 : memref<1x!tpu.dma_semaphore, #tpu.memory_space<semaphore_mem>> -> memref<!tpu.dma_semaphore, #tpu.memory_space<semaphore_mem>>
    tpu.enqueue_indirect_dma source(%dma_start3A_156 : memref<10000x32xf32, #tpu.memory_space<hbm>>) target(%dma_start3A_146 : memref<80x32xf32, #tpu.memory_space<vmem>>) offsets(%dma_start3A_149 : memref<80xi32, #tpu.memory_space<vmem>>) semaphore(%dma_start3A_158 : memref<!tpu.dma_semaphore, #tpu.memory_space<semaphore_mem>>)
    %dma_start3A_159 = arith.constant 8 : i32
    %dma_start3A_160 = arith.constant 8 : i32
    %dma_start3A_161 = arith.constant 8 : i32
    %dma_start3A_162 = arith.constant 0 : i32
    %dma_start3A_163 = arith.constant 0 : i32
    %dma_start3A_164 = tpu.memref_slice %arg12[%dma_start3A_160, %dma_start3A_162, %dma_start3A_163] : memref<12x80x32xf32, #tpu.memory_space<vmem>> -> memref<1x80x32xf32, #tpu.memory_space<vmem>>
    %dma_start3A_165 = tpu.memref_squeeze %dma_start3A_164 : memref<1x80x32xf32, #tpu.memory_space<vmem>> -> memref<80x32xf32, #tpu.memory_space<vmem>>
    %dma_start3A_166 = arith.constant 0 : i32
    %dma_start3A_167 = tpu.memref_slice %arg10[%dma_start3A_159, %dma_start3A_166] : memref<250x80xi32, #tpu.memory_space<vmem>> -> memref<1x80xi32, #tpu.memory_space<vmem>>
    %dma_start3A_168 = tpu.memref_squeeze %dma_start3A_167 : memref<1x80xi32, #tpu.memory_space<vmem>> -> memref<80xi32, #tpu.memory_space<vmem>>
    %dma_start3A_169 = arith.constant 0 : i32
    %dma_start3A_170 = arith.constant 0 : i32
    %dma_start3A_171 = tpu.memref_slice %arg2[%add3A_5, %dma_start3A_169, %dma_start3A_170] : memref<4x10000x32xf32, #tpu.memory_space<hbm>> -> memref<1x10000x32xf32, #tpu.memory_space<hbm>>
    %dma_start3A_172 = tpu.memref_squeeze %dma_start3A_171 : memref<1x10000x32xf32, #tpu.memory_space<hbm>> -> memref<10000x32xf32, #tpu.memory_space<hbm>>
    %dma_start3A_173 = arith.constant 0 : i32
    %dma_start3A_174 = arith.constant 0 : i32
    %dma_start3A_175 = tpu.memref_slice %dma_start3A_172[%dma_start3A_173, %dma_start3A_174] : memref<10000x32xf32, #tpu.memory_space<hbm>> -> memref<10000x32xf32, #tpu.memory_space<hbm>>
    %dma_start3A_176 = tpu.memref_slice %arg16[%dma_start3A_161] : memref<12x!tpu.dma_semaphore, #tpu.memory_space<semaphore_mem>> -> memref<1x!tpu.dma_semaphore, #tpu.memory_space<semaphore_mem>>
    %dma_start3A_177 = tpu.memref_squeeze %dma_start3A_176 : memref<1x!tpu.dma_semaphore, #tpu.memory_space<semaphore_mem>> -> memref<!tpu.dma_semaphore, #tpu.memory_space<semaphore_mem>>
    tpu.enqueue_indirect_dma source(%dma_start3A_175 : memref<10000x32xf32, #tpu.memory_space<hbm>>) target(%dma_start3A_165 : memref<80x32xf32, #tpu.memory_space<vmem>>) offsets(%dma_start3A_168 : memref<80xi32, #tpu.memory_space<vmem>>) semaphore(%dma_start3A_177 : memref<!tpu.dma_semaphore, #tpu.memory_space<semaphore_mem>>)
    %dma_start3A_178 = arith.constant 9 : i32
    %dma_start3A_179 = arith.constant 9 : i32
    %dma_start3A_180 = arith.constant 9 : i32
    %dma_start3A_181 = arith.constant 0 : i32
    %dma_start3A_182 = arith.constant 0 : i32
    %dma_start3A_183 = tpu.memref_slice %arg12[%dma_start3A_179, %dma_start3A_181, %dma_start3A_182] : memref<12x80x32xf32, #tpu.memory_space<vmem>> -> memref<1x80x32xf32, #tpu.memory_space<vmem>>
    %dma_start3A_184 = tpu.memref_squeeze %dma_start3A_183 : memref<1x80x32xf32, #tpu.memory_space<vmem>> -> memref<80x32xf32, #tpu.memory_space<vmem>>
    %dma_start3A_185 = arith.constant 0 : i32
    %dma_start3A_186 = tpu.memref_slice %arg10[%dma_start3A_178, %dma_start3A_185] : memref<250x80xi32, #tpu.memory_space<vmem>> -> memref<1x80xi32, #tpu.memory_space<vmem>>
    %dma_start3A_187 = tpu.memref_squeeze %dma_start3A_186 : memref<1x80xi32, #tpu.memory_space<vmem>> -> memref<80xi32, #tpu.memory_space<vmem>>
    %dma_start3A_188 = arith.constant 0 : i32
    %dma_start3A_189 = arith.constant 0 : i32
    %dma_start3A_190 = tpu.memref_slice %arg2[%add3A_5, %dma_start3A_188, %dma_start3A_189] : memref<4x10000x32xf32, #tpu.memory_space<hbm>> -> memref<1x10000x32xf32, #tpu.memory_space<hbm>>
    %dma_start3A_191 = tpu.memref_squeeze %dma_start3A_190 : memref<1x10000x32xf32, #tpu.memory_space<hbm>> -> memref<10000x32xf32, #tpu.memory_space<hbm>>
    %dma_start3A_192 = arith.constant 0 : i32
    %dma_start3A_193 = arith.constant 0 : i32
    %dma_start3A_194 = tpu.memref_slice %dma_start3A_191[%dma_start3A_192, %dma_start3A_193] : memref<10000x32xf32, #tpu.memory_space<hbm>> -> memref<10000x32xf32, #tpu.memory_space<hbm>>
    %dma_start3A_195 = tpu.memref_slice %arg16[%dma_start3A_180] : memref<12x!tpu.dma_semaphore, #tpu.memory_space<semaphore_mem>> -> memref<1x!tpu.dma_semaphore, #tpu.memory_space<semaphore_mem>>
    %dma_start3A_196 = tpu.memref_squeeze %dma_start3A_195 : memref<1x!tpu.dma_semaphore, #tpu.memory_space<semaphore_mem>> -> memref<!tpu.dma_semaphore, #tpu.memory_space<semaphore_mem>>
    tpu.enqueue_indirect_dma source(%dma_start3A_194 : memref<10000x32xf32, #tpu.memory_space<hbm>>) target(%dma_start3A_184 : memref<80x32xf32, #tpu.memory_space<vmem>>) offsets(%dma_start3A_187 : memref<80xi32, #tpu.memory_space<vmem>>) semaphore(%dma_start3A_196 : memref<!tpu.dma_semaphore, #tpu.memory_space<semaphore_mem>>)
    %dma_start3A_197 = arith.constant 10 : i32
    %dma_start3A_198 = arith.constant 10 : i32
    %dma_start3A_199 = arith.constant 10 : i32
    %dma_start3A_200 = arith.constant 0 : i32
    %dma_start3A_201 = arith.constant 0 : i32
    %dma_start3A_202 = tpu.memref_slice %arg12[%dma_start3A_198, %dma_start3A_200, %dma_start3A_201] : memref<12x80x32xf32, #tpu.memory_space<vmem>> -> memref<1x80x32xf32, #tpu.memory_space<vmem>>
    %dma_start3A_203 = tpu.memref_squeeze %dma_start3A_202 : memref<1x80x32xf32, #tpu.memory_space<vmem>> -> memref<80x32xf32, #tpu.memory_space<vmem>>
    %dma_start3A_204 = arith.constant 0 : i32
    %dma_start3A_205 = tpu.memref_slice %arg10[%dma_start3A_197, %dma_start3A_204] : memref<250x80xi32, #tpu.memory_space<vmem>> -> memref<1x80xi32, #tpu.memory_space<vmem>>
    %dma_start3A_206 = tpu.memref_squeeze %dma_start3A_205 : memref<1x80xi32, #tpu.memory_space<vmem>> -> memref<80xi32, #tpu.memory_space<vmem>>
    %dma_start3A_207 = arith.constant 0 : i32
    %dma_start3A_208 = arith.constant 0 : i32
    %dma_start3A_209 = tpu.memref_slice %arg2[%add3A_5, %dma_start3A_207, %dma_start3A_208] : memref<4x10000x32xf32, #tpu.memory_space<hbm>> -> memref<1x10000x32xf32, #tpu.memory_space<hbm>>
    %dma_start3A_210 = tpu.memref_squeeze %dma_start3A_209 : memref<1x10000x32xf32, #tpu.memory_space<hbm>> -> memref<10000x32xf32, #tpu.memory_space<hbm>>
    %dma_start3A_211 = arith.constant 0 : i32
    %dma_start3A_212 = arith.constant 0 : i32
    %dma_start3A_213 = tpu.memref_slice %dma_start3A_210[%dma_start3A_211, %dma_start3A_212] : memref<10000x32xf32, #tpu.memory_space<hbm>> -> memref<10000x32xf32, #tpu.memory_space<hbm>>
    %dma_start3A_214 = tpu.memref_slice %arg16[%dma_start3A_199] : memref<12x!tpu.dma_semaphore, #tpu.memory_space<semaphore_mem>> -> memref<1x!tpu.dma_semaphore, #tpu.memory_space<semaphore_mem>>
    %dma_start3A_215 = tpu.memref_squeeze %dma_start3A_214 : memref<1x!tpu.dma_semaphore, #tpu.memory_space<semaphore_mem>> -> memref<!tpu.dma_semaphore, #tpu.memory_space<semaphore_mem>>
    tpu.enqueue_indirect_dma source(%dma_start3A_213 : memref<10000x32xf32, #tpu.memory_space<hbm>>) target(%dma_start3A_203 : memref<80x32xf32, #tpu.memory_space<vmem>>) offsets(%dma_start3A_206 : memref<80xi32, #tpu.memory_space<vmem>>) semaphore(%dma_start3A_215 : memref<!tpu.dma_semaphore, #tpu.memory_space<semaphore_mem>>)
    %scan3A = arith.constant 0 : i32
    %scan3A_216 = arith.constant 0 : i32
    %scan3A_217 = arith.constant 250 : i32
    %scan3A_218 = arith.addi %scan3A_216, %scan3A_217 : i32
    %scan3A_219 = arith.constant 1 : i32
    scf.for %scan3A_812 = %scan3A_216 to %scan3A_218 step %scan3A_219  : i32 {
      %add3A_813 = arith.constant 12 : i32
      %add3A_814 = arith.addi %scan3A_812, %add3A_813 : i32
      %sub3A = arith.constant 1 : i32
      %sub3A_815 = arith.subi %add3A_814, %sub3A : i32
      %lt3A = arith.constant 250 : i32
      %lt3A_816 = arith.cmpi slt, %sub3A_815, %lt3A : i32
      %convert_element_type3A = arith.extui %lt3A_816 : i1 to i32
      %cond3A = arith.constant 0 : i32
      %cond3A_817 = arith.cmpi ne, %convert_element_type3A, %cond3A : i32
      scf.if %cond3A_817 {
        %ge3A_915 = arith.constant 1 : i32
        %ge3A_916 = arith.cmpi sge, %scan3A_812, %ge3A_915 : i32
        %convert_element_type3A_917 = arith.extui %ge3A_916 : i1 to i32
        %cond3A_918 = arith.constant 0 : i32
        %cond3A_919 = arith.cmpi ne, %convert_element_type3A_917, %cond3A_918 : i32
        scf.if %cond3A_919 {
          %jit3A_968 = arith.constant 12 : i32
          %eq3A_969 = arith.constant 0 : i32
          %eq3A_970 = arith.cmpi eq, %jit3A_968, %eq3A_969 : i32
          %jit3A_971 = arith.constant 1 : i32
          %select_n3A_972 = arith.select %eq3A_970, %jit3A_971, %jit3A_968 : i32
          %rem3A_973 = arith.remsi %sub3A_815, %select_n3A_972 : i32
          %ne3A_974 = arith.constant 0 : i32
          %ne3A_975 = arith.cmpi ne, %rem3A_973, %ne3A_974 : i32
          %lt3A_976 = arith.constant 0 : i32
          %lt3A_977 = arith.cmpi slt, %rem3A_973, %lt3A_976 : i32
          %lt3A_978 = arith.constant 0 : i32
          %lt3A_979 = arith.cmpi slt, %select_n3A_972, %lt3A_978 : i32
          %ne3A_980 = arith.xori %lt3A_977, %lt3A_979 : i1
          %and3A_981 = arith.andi %ne3A_980, %ne3A_975 : i1
          %add3A_982 = arith.addi %rem3A_973, %select_n3A_972 : i32
          %select_n3A_983 = arith.select %and3A_981, %add3A_982, %rem3A_973 : i32
          %sub3A_984 = arith.constant 1 : i32
          %sub3A_985 = arith.subi %scan3A_812, %sub3A_984 : i32
          %jit3A_986 = arith.constant 12 : i32
          %eq3A_987 = arith.constant 0 : i32
          %eq3A_988 = arith.cmpi eq, %jit3A_986, %eq3A_987 : i32
          %jit3A_989 = arith.constant 1 : i32
          %select_n3A_990 = arith.select %eq3A_988, %jit3A_989, %jit3A_986 : i32
          %rem3A_991 = arith.remsi %sub3A_815, %select_n3A_990 : i32
          %ne3A_992 = arith.constant 0 : i32
          %ne3A_993 = arith.cmpi ne, %rem3A_991, %ne3A_992 : i32
          %lt3A_994 = arith.constant 0 : i32
          %lt3A_995 = arith.cmpi slt, %rem3A_991, %lt3A_994 : i32
          %lt3A_996 = arith.constant 0 : i32
          %lt3A_997 = arith.cmpi slt, %select_n3A_990, %lt3A_996 : i32
          %ne3A_998 = arith.xori %lt3A_995, %lt3A_997 : i1
          %and3A_999 = arith.andi %ne3A_998, %ne3A_993 : i1
          %add3A_1000 = arith.addi %rem3A_991, %select_n3A_990 : i32
          %select_n3A_1001 = arith.select %and3A_999, %add3A_1000, %rem3A_991 : i32
          %dma_wait3A_1002 = arith.constant 0 : i32
          %dma_wait3A_1003 = arith.constant 0 : i32
          %dma_wait3A_1004 = tpu.memref_slice %arg12[%select_n3A_983, %dma_wait3A_1002, %dma_wait3A_1003] : memref<12x80x32xf32, #tpu.memory_space<vmem>> -> memref<1x80x32xf32, #tpu.memory_space<vmem>>
          %dma_wait3A_1005 = tpu.memref_squeeze %dma_wait3A_1004 : memref<1x80x32xf32, #tpu.memory_space<vmem>> -> memref<80x32xf32, #tpu.memory_space<vmem>>
          %dma_wait3A_1006 = arith.constant 0 : i32
          %dma_wait3A_1007 = tpu.memref_slice %arg11[%sub3A_985, %dma_wait3A_1006] : memref<250x80xi32, #tpu.memory_space<vmem>> -> memref<1x80xi32, #tpu.memory_space<vmem>>
          %dma_wait3A_1008 = tpu.memref_squeeze %dma_wait3A_1007 : memref<1x80xi32, #tpu.memory_space<vmem>> -> memref<80xi32, #tpu.memory_space<vmem>>
          %dma_wait3A_1009 = arith.constant 0 : i32
          %dma_wait3A_1010 = arith.constant 0 : i32
          %dma_wait3A_1011 = tpu.memref_slice %arg14[%dma_wait3A_1009, %dma_wait3A_1010] : memref<20000x32xf32, #tpu.memory_space<vmem_shared>> -> memref<20000x32xf32, #tpu.memory_space<vmem_shared>>
          %dma_wait3A_1012 = tpu.memref_slice %arg17[%select_n3A_1001] : memref<12x!tpu.dma_semaphore, #tpu.memory_space<semaphore_mem>> -> memref<1x!tpu.dma_semaphore, #tpu.memory_space<semaphore_mem>>
          %dma_wait3A_1013 = tpu.memref_squeeze %dma_wait3A_1012 : memref<1x!tpu.dma_semaphore, #tpu.memory_space<semaphore_mem>> -> memref<!tpu.dma_semaphore, #tpu.memory_space<semaphore_mem>>
          tpu.wait_indirect_dma semaphore(%dma_wait3A_1013 : memref<!tpu.dma_semaphore, #tpu.memory_space<semaphore_mem>>) src(%dma_wait3A_1005 : memref<80x32xf32, #tpu.memory_space<vmem>>) dst(%dma_wait3A_1011 : memref<20000x32xf32, #tpu.memory_space<vmem_shared>>)
        } else {
        }
        %jit3A_920 = arith.constant 12 : i32
        %eq3A_921 = arith.constant 0 : i32
        %eq3A_922 = arith.cmpi eq, %jit3A_920, %eq3A_921 : i32
        %jit3A_923 = arith.constant 1 : i32
        %select_n3A_924 = arith.select %eq3A_922, %jit3A_923, %jit3A_920 : i32
        %rem3A_925 = arith.remsi %sub3A_815, %select_n3A_924 : i32
        %ne3A_926 = arith.constant 0 : i32
        %ne3A_927 = arith.cmpi ne, %rem3A_925, %ne3A_926 : i32
        %lt3A_928 = arith.constant 0 : i32
        %lt3A_929 = arith.cmpi slt, %rem3A_925, %lt3A_928 : i32
        %lt3A_930 = arith.constant 0 : i32
        %lt3A_931 = arith.cmpi slt, %select_n3A_924, %lt3A_930 : i32
        %ne3A_932 = arith.xori %lt3A_929, %lt3A_931 : i1
        %and3A_933 = arith.andi %ne3A_932, %ne3A_927 : i1
        %add3A_934 = arith.addi %rem3A_925, %select_n3A_924 : i32
        %select_n3A_935 = arith.select %and3A_933, %add3A_934, %rem3A_925 : i32
        %jit3A_936 = arith.constant 12 : i32
        %eq3A_937 = arith.constant 0 : i32
        %eq3A_938 = arith.cmpi eq, %jit3A_936, %eq3A_937 : i32
        %jit3A_939 = arith.constant 1 : i32
        %select_n3A_940 = arith.select %eq3A_938, %jit3A_939, %jit3A_936 : i32
        %rem3A_941 = arith.remsi %sub3A_815, %select_n3A_940 : i32
        %ne3A_942 = arith.constant 0 : i32
        %ne3A_943 = arith.cmpi ne, %rem3A_941, %ne3A_942 : i32
        %lt3A_944 = arith.constant 0 : i32
        %lt3A_945 = arith.cmpi slt, %rem3A_941, %lt3A_944 : i32
        %lt3A_946 = arith.constant 0 : i32
        %lt3A_947 = arith.cmpi slt, %select_n3A_940, %lt3A_946 : i32
        %ne3A_948 = arith.xori %lt3A_945, %lt3A_947 : i1
        %and3A_949 = arith.andi %ne3A_948, %ne3A_943 : i1
        %add3A_950 = arith.addi %rem3A_941, %select_n3A_940 : i32
        %select_n3A_951 = arith.select %and3A_949, %add3A_950, %rem3A_941 : i32
        %dma_start3A_952 = arith.constant 0 : i32
        %dma_start3A_953 = arith.constant 0 : i32
        %dma_start3A_954 = tpu.memref_slice %arg12[%select_n3A_935, %dma_start3A_952, %dma_start3A_953] : memref<12x80x32xf32, #tpu.memory_space<vmem>> -> memref<1x80x32xf32, #tpu.memory_space<vmem>>
        %dma_start3A_955 = tpu.memref_squeeze %dma_start3A_954 : memref<1x80x32xf32, #tpu.memory_space<vmem>> -> memref<80x32xf32, #tpu.memory_space<vmem>>
        %dma_start3A_956 = arith.constant 0 : i32
        %dma_start3A_957 = tpu.memref_slice %arg10[%sub3A_815, %dma_start3A_956] : memref<250x80xi32, #tpu.memory_space<vmem>> -> memref<1x80xi32, #tpu.memory_space<vmem>>
        %dma_start3A_958 = tpu.memref_squeeze %dma_start3A_957 : memref<1x80xi32, #tpu.memory_space<vmem>> -> memref<80xi32, #tpu.memory_space<vmem>>
        %dma_start3A_959 = arith.constant 0 : i32
        %dma_start3A_960 = arith.constant 0 : i32
        %dma_start3A_961 = tpu.memref_slice %arg2[%add3A_5, %dma_start3A_959, %dma_start3A_960] : memref<4x10000x32xf32, #tpu.memory_space<hbm>> -> memref<1x10000x32xf32, #tpu.memory_space<hbm>>
        %dma_start3A_962 = tpu.memref_squeeze %dma_start3A_961 : memref<1x10000x32xf32, #tpu.memory_space<hbm>> -> memref<10000x32xf32, #tpu.memory_space<hbm>>
        %dma_start3A_963 = arith.constant 0 : i32
        %dma_start3A_964 = arith.constant 0 : i32
        %dma_start3A_965 = tpu.memref_slice %dma_start3A_962[%dma_start3A_963, %dma_start3A_964] : memref<10000x32xf32, #tpu.memory_space<hbm>> -> memref<10000x32xf32, #tpu.memory_space<hbm>>
        %dma_start3A_966 = tpu.memref_slice %arg16[%select_n3A_951] : memref<12x!tpu.dma_semaphore, #tpu.memory_space<semaphore_mem>> -> memref<1x!tpu.dma_semaphore, #tpu.memory_space<semaphore_mem>>
        %dma_start3A_967 = tpu.memref_squeeze %dma_start3A_966 : memref<1x!tpu.dma_semaphore, #tpu.memory_space<semaphore_mem>> -> memref<!tpu.dma_semaphore, #tpu.memory_space<semaphore_mem>>
        tpu.enqueue_indirect_dma source(%dma_start3A_965 : memref<10000x32xf32, #tpu.memory_space<hbm>>) target(%dma_start3A_955 : memref<80x32xf32, #tpu.memory_space<vmem>>) offsets(%dma_start3A_958 : memref<80xi32, #tpu.memory_space<vmem>>) semaphore(%dma_start3A_967 : memref<!tpu.dma_semaphore, #tpu.memory_space<semaphore_mem>>)
      } else {
      }
      %jit3A = arith.constant 12 : i32
      %eq3A = arith.constant 0 : i32
      %eq3A_818 = arith.cmpi eq, %jit3A, %eq3A : i32
      %jit3A_819 = arith.constant 1 : i32
      %select_n3A = arith.select %eq3A_818, %jit3A_819, %jit3A : i32
      %rem3A = arith.remsi %scan3A_812, %select_n3A : i32
      %ne3A = arith.constant 0 : i32
      %ne3A_820 = arith.cmpi ne, %rem3A, %ne3A : i32
      %lt3A_821 = arith.constant 0 : i32
      %lt3A_822 = arith.cmpi slt, %rem3A, %lt3A_821 : i32
      %lt3A_823 = arith.constant 0 : i32
      %lt3A_824 = arith.cmpi slt, %select_n3A, %lt3A_823 : i32
      %ne3A_825 = arith.xori %lt3A_822, %lt3A_824 : i1
      %and3A = arith.andi %ne3A_825, %ne3A_820 : i1
      %add3A_826 = arith.addi %rem3A, %select_n3A : i32
      %select_n3A_827 = arith.select %and3A, %add3A_826, %rem3A : i32
      %jit3A_828 = arith.constant 12 : i32
      %eq3A_829 = arith.constant 0 : i32
      %eq3A_830 = arith.cmpi eq, %jit3A_828, %eq3A_829 : i32
      %jit3A_831 = arith.constant 1 : i32
      %select_n3A_832 = arith.select %eq3A_830, %jit3A_831, %jit3A_828 : i32
      %rem3A_833 = arith.remsi %scan3A_812, %select_n3A_832 : i32
      %ne3A_834 = arith.constant 0 : i32
      %ne3A_835 = arith.cmpi ne, %rem3A_833, %ne3A_834 : i32
      %lt3A_836 = arith.constant 0 : i32
      %lt3A_837 = arith.cmpi slt, %rem3A_833, %lt3A_836 : i32
      %lt3A_838 = arith.constant 0 : i32
      %lt3A_839 = arith.cmpi slt, %select_n3A_832, %lt3A_838 : i32
      %ne3A_840 = arith.xori %lt3A_837, %lt3A_839 : i1
      %and3A_841 = arith.andi %ne3A_840, %ne3A_835 : i1
      %add3A_842 = arith.addi %rem3A_833, %select_n3A_832 : i32
      %select_n3A_843 = arith.select %and3A_841, %add3A_842, %rem3A_833 : i32
      %dma_wait3A_844 = arith.constant 0 : i32
      %dma_wait3A_845 = arith.constant 0 : i32
      %dma_wait3A_846 = tpu.memref_slice %arg12[%select_n3A_827, %dma_wait3A_844, %dma_wait3A_845] : memref<12x80x32xf32, #tpu.memory_space<vmem>> -> memref<1x80x32xf32, #tpu.memory_space<vmem>>
      %dma_wait3A_847 = tpu.memref_squeeze %dma_wait3A_846 : memref<1x80x32xf32, #tpu.memory_space<vmem>> -> memref<80x32xf32, #tpu.memory_space<vmem>>
      %dma_wait3A_848 = arith.constant 0 : i32
      %dma_wait3A_849 = tpu.memref_slice %arg10[%scan3A_812, %dma_wait3A_848] : memref<250x80xi32, #tpu.memory_space<vmem>> -> memref<1x80xi32, #tpu.memory_space<vmem>>
      %dma_wait3A_850 = tpu.memref_squeeze %dma_wait3A_849 : memref<1x80xi32, #tpu.memory_space<vmem>> -> memref<80xi32, #tpu.memory_space<vmem>>
      %dma_wait3A_851 = arith.constant 0 : i32
      %dma_wait3A_852 = arith.constant 0 : i32
      %dma_wait3A_853 = tpu.memref_slice %arg2[%add3A_5, %dma_wait3A_851, %dma_wait3A_852] : memref<4x10000x32xf32, #tpu.memory_space<hbm>> -> memref<1x10000x32xf32, #tpu.memory_space<hbm>>
      %dma_wait3A_854 = tpu.memref_squeeze %dma_wait3A_853 : memref<1x10000x32xf32, #tpu.memory_space<hbm>> -> memref<10000x32xf32, #tpu.memory_space<hbm>>
      %dma_wait3A_855 = arith.constant 0 : i32
      %dma_wait3A_856 = arith.constant 0 : i32
      %dma_wait3A_857 = tpu.memref_slice %dma_wait3A_854[%dma_wait3A_855, %dma_wait3A_856] : memref<10000x32xf32, #tpu.memory_space<hbm>> -> memref<10000x32xf32, #tpu.memory_space<hbm>>
      %dma_wait3A_858 = tpu.memref_slice %arg16[%select_n3A_843] : memref<12x!tpu.dma_semaphore, #tpu.memory_space<semaphore_mem>> -> memref<1x!tpu.dma_semaphore, #tpu.memory_space<semaphore_mem>>
      %dma_wait3A_859 = tpu.memref_squeeze %dma_wait3A_858 : memref<1x!tpu.dma_semaphore, #tpu.memory_space<semaphore_mem>> -> memref<!tpu.dma_semaphore, #tpu.memory_space<semaphore_mem>>
      tpu.wait_indirect_dma semaphore(%dma_wait3A_859 : memref<!tpu.dma_semaphore, #tpu.memory_space<semaphore_mem>>) src(%dma_wait3A_857 : memref<10000x32xf32, #tpu.memory_space<hbm>>) dst(%dma_wait3A_847 : memref<80x32xf32, #tpu.memory_space<vmem>>)
      %jit3A_860 = arith.constant 12 : i32
      %eq3A_861 = arith.constant 0 : i32
      %eq3A_862 = arith.cmpi eq, %jit3A_860, %eq3A_861 : i32
      %jit3A_863 = arith.constant 1 : i32
      %select_n3A_864 = arith.select %eq3A_862, %jit3A_863, %jit3A_860 : i32
      %rem3A_865 = arith.remsi %scan3A_812, %select_n3A_864 : i32
      %ne3A_866 = arith.constant 0 : i32
      %ne3A_867 = arith.cmpi ne, %rem3A_865, %ne3A_866 : i32
      %lt3A_868 = arith.constant 0 : i32
      %lt3A_869 = arith.cmpi slt, %rem3A_865, %lt3A_868 : i32
      %lt3A_870 = arith.constant 0 : i32
      %lt3A_871 = arith.cmpi slt, %select_n3A_864, %lt3A_870 : i32
      %ne3A_872 = arith.xori %lt3A_869, %lt3A_871 : i1
      %and3A_873 = arith.andi %ne3A_872, %ne3A_867 : i1
      %add3A_874 = arith.addi %rem3A_865, %select_n3A_864 : i32
      %select_n3A_875 = arith.select %and3A_873, %add3A_874, %rem3A_865 : i32
      %jit3A_876 = arith.constant 12 : i32
      %eq3A_877 = arith.constant 0 : i32
      %eq3A_878 = arith.cmpi eq, %jit3A_876, %eq3A_877 : i32
      %jit3A_879 = arith.constant 1 : i32
      %select_n3A_880 = arith.select %eq3A_878, %jit3A_879, %jit3A_876 : i32
      %rem3A_881 = arith.remsi %scan3A_812, %select_n3A_880 : i32
      %ne3A_882 = arith.constant 0 : i32
      %ne3A_883 = arith.cmpi ne, %rem3A_881, %ne3A_882 : i32
      %lt3A_884 = arith.constant 0 : i32
      %lt3A_885 = arith.cmpi slt, %rem3A_881, %lt3A_884 : i32
      %lt3A_886 = arith.constant 0 : i32
      %lt3A_887 = arith.cmpi slt, %select_n3A_880, %lt3A_886 : i32
      %ne3A_888 = arith.xori %lt3A_885, %lt3A_887 : i1
      %and3A_889 = arith.andi %ne3A_888, %ne3A_883 : i1
      %add3A_890 = arith.addi %rem3A_881, %select_n3A_880 : i32
      %select_n3A_891 = arith.select %and3A_889, %add3A_890, %rem3A_881 : i32
      %dma_start3A_892 = arith.constant 0 : i32
      %dma_start3A_893 = arith.constant 0 : i32
      %dma_start3A_894 = tpu.memref_slice %arg12[%select_n3A_875, %dma_start3A_892, %dma_start3A_893] : memref<12x80x32xf32, #tpu.memory_space<vmem>> -> memref<1x80x32xf32, #tpu.memory_space<vmem>>
      %dma_start3A_895 = tpu.memref_squeeze %dma_start3A_894 : memref<1x80x32xf32, #tpu.memory_space<vmem>> -> memref<80x32xf32, #tpu.memory_space<vmem>>
      %dma_start3A_896 = arith.constant 0 : i32
      %dma_start3A_897 = tpu.memref_slice %arg11[%scan3A_812, %dma_start3A_896] : memref<250x80xi32, #tpu.memory_space<vmem>> -> memref<1x80xi32, #tpu.memory_space<vmem>>
      %dma_start3A_898 = tpu.memref_squeeze %dma_start3A_897 : memref<1x80xi32, #tpu.memory_space<vmem>> -> memref<80xi32, #tpu.memory_space<vmem>>
      %dma_start3A_899 = arith.constant 0 : i32
      %dma_start3A_900 = arith.constant 0 : i32
      %dma_start3A_901 = tpu.memref_slice %arg14[%dma_start3A_899, %dma_start3A_900] : memref<20000x32xf32, #tpu.memory_space<vmem_shared>> -> memref<20000x32xf32, #tpu.memory_space<vmem_shared>>
      %dma_start3A_902 = tpu.memref_slice %arg17[%select_n3A_891] : memref<12x!tpu.dma_semaphore, #tpu.memory_space<semaphore_mem>> -> memref<1x!tpu.dma_semaphore, #tpu.memory_space<semaphore_mem>>
      %dma_start3A_903 = tpu.memref_squeeze %dma_start3A_902 : memref<1x!tpu.dma_semaphore, #tpu.memory_space<semaphore_mem>> -> memref<!tpu.dma_semaphore, #tpu.memory_space<semaphore_mem>>
      tpu.enqueue_indirect_dma source(%dma_start3A_895 : memref<80x32xf32, #tpu.memory_space<vmem>>) target(%dma_start3A_901 : memref<20000x32xf32, #tpu.memory_space<vmem_shared>>) offsets(%dma_start3A_898 : memref<80xi32, #tpu.memory_space<vmem>>) semaphore(%dma_start3A_903 : memref<!tpu.dma_semaphore, #tpu.memory_space<semaphore_mem>>) {add = true}
      %mul3A_904 = arith.constant 125 : i32
      %mul3A_905 = arith.muli %arg0, %mul3A_904 : i32
      %ge3A = arith.cmpi sge, %scan3A_812, %mul3A_905 : i32
      %add3A_906 = arith.constant 1 : i32
      %add3A_907 = arith.addi %arg0, %add3A_906 : i32
      %mul3A_908 = arith.constant 125 : i32
      %mul3A_909 = arith.muli %add3A_907, %mul3A_908 : i32
      %lt3A_910 = arith.cmpi slt, %scan3A_812, %mul3A_909 : i32
      %and3A_911 = arith.andi %ge3A, %lt3A_910 : i1
      %convert_element_type3A_912 = arith.extui %and3A_911 : i1 to i32
      %cond3A_913 = arith.constant 0 : i32
      %cond3A_914 = arith.cmpi ne, %convert_element_type3A_912, %cond3A_913 : i32
      scf.if %cond3A_914 {
        %dma_start3A_915 = arith.constant 0 : i32
        %dma_start3A_916 = tpu.memref_slice %arg10[%scan3A_812, %dma_start3A_915] : memref<250x80xi32, #tpu.memory_space<vmem>> -> memref<1x80xi32, #tpu.memory_space<vmem>>
        %dma_start3A_917 = tpu.memref_squeeze %dma_start3A_916 : memref<1x80xi32, #tpu.memory_space<vmem>> -> memref<80xi32, #tpu.memory_space<vmem>>
        %dma_start3A_918 = arith.constant 0 : i32
        %dma_start3A_919 = arith.constant 0 : i32
        %dma_start3A_920 = tpu.memref_slice %arg15[%dma_start3A_918, %dma_start3A_919] : memref<10000x16xf32, #tpu.memory_space<vmem_shared>> -> memref<10000x16xf32, #tpu.memory_space<vmem_shared>>
        tpu.enqueue_indirect_dma source(%arg13 : memref<80x16xf32, #tpu.memory_space<vmem>>) target(%dma_start3A_920 : memref<10000x16xf32, #tpu.memory_space<vmem_shared>>) offsets(%dma_start3A_917 : memref<80xi32, #tpu.memory_space<vmem>>) semaphore(%arg18 : memref<!tpu.dma_semaphore, #tpu.memory_space<semaphore_mem>>) {add = true}
      } else {
      }
    }
    %scan3A_220 = arith.constant 250 : i32
    %dma_wait3A = arith.constant 0 : i32
    %dma_wait3A_221 = arith.constant 249 : i32
    %dma_wait3A_222 = arith.constant 0 : i32
    %dma_wait3A_223 = arith.constant 0 : i32
    %dma_wait3A_224 = arith.constant 0 : i32
    %dma_wait3A_225 = tpu.memref_slice %arg12[%dma_wait3A, %dma_wait3A_223, %dma_wait3A_224] : memref<12x80x32xf32, #tpu.memory_space<vmem>> -> memref<1x80x32xf32, #tpu.memory_space<vmem>>
    %dma_wait3A_226 = tpu.memref_squeeze %dma_wait3A_225 : memref<1x80x32xf32, #tpu.memory_space<vmem>> -> memref<80x32xf32, #tpu.memory_space<vmem>>
    %dma_wait3A_227 = arith.constant 0 : i32
    %dma_wait3A_228 = tpu.memref_slice %arg11[%dma_wait3A_221, %dma_wait3A_227] : memref<250x80xi32, #tpu.memory_space<vmem>> -> memref<1x80xi32, #tpu.memory_space<vmem>>
    %dma_wait3A_229 = tpu.memref_squeeze %dma_wait3A_228 : memref<1x80xi32, #tpu.memory_space<vmem>> -> memref<80xi32, #tpu.memory_space<vmem>>
    %dma_wait3A_230 = arith.constant 0 : i32
    %dma_wait3A_231 = arith.constant 0 : i32
    %dma_wait3A_232 = tpu.memref_slice %arg14[%dma_wait3A_230, %dma_wait3A_231] : memref<20000x32xf32, #tpu.memory_space<vmem_shared>> -> memref<20000x32xf32, #tpu.memory_space<vmem_shared>>
    %dma_wait3A_233 = tpu.memref_slice %arg17[%dma_wait3A_222] : memref<12x!tpu.dma_semaphore, #tpu.memory_space<semaphore_mem>> -> memref<1x!tpu.dma_semaphore, #tpu.memory_space<semaphore_mem>>
    %dma_wait3A_234 = tpu.memref_squeeze %dma_wait3A_233 : memref<1x!tpu.dma_semaphore, #tpu.memory_space<semaphore_mem>> -> memref<!tpu.dma_semaphore, #tpu.memory_space<semaphore_mem>>
    tpu.wait_indirect_dma semaphore(%dma_wait3A_234 : memref<!tpu.dma_semaphore, #tpu.memory_space<semaphore_mem>>) src(%dma_wait3A_226 : memref<80x32xf32, #tpu.memory_space<vmem>>) dst(%dma_wait3A_232 : memref<20000x32xf32, #tpu.memory_space<vmem_shared>>)
    %dma_wait3A_235 = arith.constant 1 : i32
    %dma_wait3A_236 = arith.constant 249 : i32
    %dma_wait3A_237 = arith.constant 1 : i32
    %dma_wait3A_238 = arith.constant 0 : i32
    %dma_wait3A_239 = arith.constant 0 : i32
    %dma_wait3A_240 = tpu.memref_slice %arg12[%dma_wait3A_235, %dma_wait3A_238, %dma_wait3A_239] : memref<12x80x32xf32, #tpu.memory_space<vmem>> -> memref<1x80x32xf32, #tpu.memory_space<vmem>>
    %dma_wait3A_241 = tpu.memref_squeeze %dma_wait3A_240 : memref<1x80x32xf32, #tpu.memory_space<vmem>> -> memref<80x32xf32, #tpu.memory_space<vmem>>
    %dma_wait3A_242 = arith.constant 0 : i32
    %dma_wait3A_243 = tpu.memref_slice %arg11[%dma_wait3A_236, %dma_wait3A_242] : memref<250x80xi32, #tpu.memory_space<vmem>> -> memref<1x80xi32, #tpu.memory_space<vmem>>
    %dma_wait3A_244 = tpu.memref_squeeze %dma_wait3A_243 : memref<1x80xi32, #tpu.memory_space<vmem>> -> memref<80xi32, #tpu.memory_space<vmem>>
    %dma_wait3A_245 = arith.constant 0 : i32
    %dma_wait3A_246 = arith.constant 0 : i32
    %dma_wait3A_247 = tpu.memref_slice %arg14[%dma_wait3A_245, %dma_wait3A_246] : memref<20000x32xf32, #tpu.memory_space<vmem_shared>> -> memref<20000x32xf32, #tpu.memory_space<vmem_shared>>
    %dma_wait3A_248 = tpu.memref_slice %arg17[%dma_wait3A_237] : memref<12x!tpu.dma_semaphore, #tpu.memory_space<semaphore_mem>> -> memref<1x!tpu.dma_semaphore, #tpu.memory_space<semaphore_mem>>
    %dma_wait3A_249 = tpu.memref_squeeze %dma_wait3A_248 : memref<1x!tpu.dma_semaphore, #tpu.memory_space<semaphore_mem>> -> memref<!tpu.dma_semaphore, #tpu.memory_space<semaphore_mem>>
    tpu.wait_indirect_dma semaphore(%dma_wait3A_249 : memref<!tpu.dma_semaphore, #tpu.memory_space<semaphore_mem>>) src(%dma_wait3A_241 : memref<80x32xf32, #tpu.memory_space<vmem>>) dst(%dma_wait3A_247 : memref<20000x32xf32, #tpu.memory_space<vmem_shared>>)
    %dma_wait3A_250 = arith.constant 2 : i32
    %dma_wait3A_251 = arith.constant 249 : i32
    %dma_wait3A_252 = arith.constant 2 : i32
    %dma_wait3A_253 = arith.constant 0 : i32
    %dma_wait3A_254 = arith.constant 0 : i32
    %dma_wait3A_255 = tpu.memref_slice %arg12[%dma_wait3A_250, %dma_wait3A_253, %dma_wait3A_254] : memref<12x80x32xf32, #tpu.memory_space<vmem>> -> memref<1x80x32xf32, #tpu.memory_space<vmem>>
    %dma_wait3A_256 = tpu.memref_squeeze %dma_wait3A_255 : memref<1x80x32xf32, #tpu.memory_space<vmem>> -> memref<80x32xf32, #tpu.memory_space<vmem>>
    %dma_wait3A_257 = arith.constant 0 : i32
    %dma_wait3A_258 = tpu.memref_slice %arg11[%dma_wait3A_251, %dma_wait3A_257] : memref<250x80xi32, #tpu.memory_space<vmem>> -> memref<1x80xi32, #tpu.memory_space<vmem>>
    %dma_wait3A_259 = tpu.memref_squeeze %dma_wait3A_258 : memref<1x80xi32, #tpu.memory_space<vmem>> -> memref<80xi32, #tpu.memory_space<vmem>>
    %dma_wait3A_260 = arith.constant 0 : i32
    %dma_wait3A_261 = arith.constant 0 : i32
    %dma_wait3A_262 = tpu.memref_slice %arg14[%dma_wait3A_260, %dma_wait3A_261] : memref<20000x32xf32, #tpu.memory_space<vmem_shared>> -> memref<20000x32xf32, #tpu.memory_space<vmem_shared>>
    %dma_wait3A_263 = tpu.memref_slice %arg17[%dma_wait3A_252] : memref<12x!tpu.dma_semaphore, #tpu.memory_space<semaphore_mem>> -> memref<1x!tpu.dma_semaphore, #tpu.memory_space<semaphore_mem>>
    %dma_wait3A_264 = tpu.memref_squeeze %dma_wait3A_263 : memref<1x!tpu.dma_semaphore, #tpu.memory_space<semaphore_mem>> -> memref<!tpu.dma_semaphore, #tpu.memory_space<semaphore_mem>>
    tpu.wait_indirect_dma semaphore(%dma_wait3A_264 : memref<!tpu.dma_semaphore, #tpu.memory_space<semaphore_mem>>) src(%dma_wait3A_256 : memref<80x32xf32, #tpu.memory_space<vmem>>) dst(%dma_wait3A_262 : memref<20000x32xf32, #tpu.memory_space<vmem_shared>>)
    %dma_wait3A_265 = arith.constant 3 : i32
    %dma_wait3A_266 = arith.constant 249 : i32
    %dma_wait3A_267 = arith.constant 3 : i32
    %dma_wait3A_268 = arith.constant 0 : i32
    %dma_wait3A_269 = arith.constant 0 : i32
    %dma_wait3A_270 = tpu.memref_slice %arg12[%dma_wait3A_265, %dma_wait3A_268, %dma_wait3A_269] : memref<12x80x32xf32, #tpu.memory_space<vmem>> -> memref<1x80x32xf32, #tpu.memory_space<vmem>>
    %dma_wait3A_271 = tpu.memref_squeeze %dma_wait3A_270 : memref<1x80x32xf32, #tpu.memory_space<vmem>> -> memref<80x32xf32, #tpu.memory_space<vmem>>
    %dma_wait3A_272 = arith.constant 0 : i32
    %dma_wait3A_273 = tpu.memref_slice %arg11[%dma_wait3A_266, %dma_wait3A_272] : memref<250x80xi32, #tpu.memory_space<vmem>> -> memref<1x80xi32, #tpu.memory_space<vmem>>
    %dma_wait3A_274 = tpu.memref_squeeze %dma_wait3A_273 : memref<1x80xi32, #tpu.memory_space<vmem>> -> memref<80xi32, #tpu.memory_space<vmem>>
    %dma_wait3A_275 = arith.constant 0 : i32
    %dma_wait3A_276 = arith.constant 0 : i32
    %dma_wait3A_277 = tpu.memref_slice %arg14[%dma_wait3A_275, %dma_wait3A_276] : memref<20000x32xf32, #tpu.memory_space<vmem_shared>> -> memref<20000x32xf32, #tpu.memory_space<vmem_shared>>
    %dma_wait3A_278 = tpu.memref_slice %arg17[%dma_wait3A_267] : memref<12x!tpu.dma_semaphore, #tpu.memory_space<semaphore_mem>> -> memref<1x!tpu.dma_semaphore, #tpu.memory_space<semaphore_mem>>
    %dma_wait3A_279 = tpu.memref_squeeze %dma_wait3A_278 : memref<1x!tpu.dma_semaphore, #tpu.memory_space<semaphore_mem>> -> memref<!tpu.dma_semaphore, #tpu.memory_space<semaphore_mem>>
    tpu.wait_indirect_dma semaphore(%dma_wait3A_279 : memref<!tpu.dma_semaphore, #tpu.memory_space<semaphore_mem>>) src(%dma_wait3A_271 : memref<80x32xf32, #tpu.memory_space<vmem>>) dst(%dma_wait3A_277 : memref<20000x32xf32, #tpu.memory_space<vmem_shared>>)
    %dma_wait3A_280 = arith.constant 4 : i32
    %dma_wait3A_281 = arith.constant 249 : i32
    %dma_wait3A_282 = arith.constant 4 : i32
    %dma_wait3A_283 = arith.constant 0 : i32
    %dma_wait3A_284 = arith.constant 0 : i32
    %dma_wait3A_285 = tpu.memref_slice %arg12[%dma_wait3A_280, %dma_wait3A_283, %dma_wait3A_284] : memref<12x80x32xf32, #tpu.memory_space<vmem>> -> memref<1x80x32xf32, #tpu.memory_space<vmem>>
    %dma_wait3A_286 = tpu.memref_squeeze %dma_wait3A_285 : memref<1x80x32xf32, #tpu.memory_space<vmem>> -> memref<80x32xf32, #tpu.memory_space<vmem>>
    %dma_wait3A_287 = arith.constant 0 : i32
    %dma_wait3A_288 = tpu.memref_slice %arg11[%dma_wait3A_281, %dma_wait3A_287] : memref<250x80xi32, #tpu.memory_space<vmem>> -> memref<1x80xi32, #tpu.memory_space<vmem>>
    %dma_wait3A_289 = tpu.memref_squeeze %dma_wait3A_288 : memref<1x80xi32, #tpu.memory_space<vmem>> -> memref<80xi32, #tpu.memory_space<vmem>>
    %dma_wait3A_290 = arith.constant 0 : i32
    %dma_wait3A_291 = arith.constant 0 : i32
    %dma_wait3A_292 = tpu.memref_slice %arg14[%dma_wait3A_290, %dma_wait3A_291] : memref<20000x32xf32, #tpu.memory_space<vmem_shared>> -> memref<20000x32xf32, #tpu.memory_space<vmem_shared>>
    %dma_wait3A_293 = tpu.memref_slice %arg17[%dma_wait3A_282] : memref<12x!tpu.dma_semaphore, #tpu.memory_space<semaphore_mem>> -> memref<1x!tpu.dma_semaphore, #tpu.memory_space<semaphore_mem>>
    %dma_wait3A_294 = tpu.memref_squeeze %dma_wait3A_293 : memref<1x!tpu.dma_semaphore, #tpu.memory_space<semaphore_mem>> -> memref<!tpu.dma_semaphore, #tpu.memory_space<semaphore_mem>>
    tpu.wait_indirect_dma semaphore(%dma_wait3A_294 : memref<!tpu.dma_semaphore, #tpu.memory_space<semaphore_mem>>) src(%dma_wait3A_286 : memref<80x32xf32, #tpu.memory_space<vmem>>) dst(%dma_wait3A_292 : memref<20000x32xf32, #tpu.memory_space<vmem_shared>>)
    %dma_wait3A_295 = arith.constant 5 : i32
    %dma_wait3A_296 = arith.constant 249 : i32
    %dma_wait3A_297 = arith.constant 5 : i32
    %dma_wait3A_298 = arith.constant 0 : i32
    %dma_wait3A_299 = arith.constant 0 : i32
    %dma_wait3A_300 = tpu.memref_slice %arg12[%dma_wait3A_295, %dma_wait3A_298, %dma_wait3A_299] : memref<12x80x32xf32, #tpu.memory_space<vmem>> -> memref<1x80x32xf32, #tpu.memory_space<vmem>>
    %dma_wait3A_301 = tpu.memref_squeeze %dma_wait3A_300 : memref<1x80x32xf32, #tpu.memory_space<vmem>> -> memref<80x32xf32, #tpu.memory_space<vmem>>
    %dma_wait3A_302 = arith.constant 0 : i32
    %dma_wait3A_303 = tpu.memref_slice %arg11[%dma_wait3A_296, %dma_wait3A_302] : memref<250x80xi32, #tpu.memory_space<vmem>> -> memref<1x80xi32, #tpu.memory_space<vmem>>
    %dma_wait3A_304 = tpu.memref_squeeze %dma_wait3A_303 : memref<1x80xi32, #tpu.memory_space<vmem>> -> memref<80xi32, #tpu.memory_space<vmem>>
    %dma_wait3A_305 = arith.constant 0 : i32
    %dma_wait3A_306 = arith.constant 0 : i32
    %dma_wait3A_307 = tpu.memref_slice %arg14[%dma_wait3A_305, %dma_wait3A_306] : memref<20000x32xf32, #tpu.memory_space<vmem_shared>> -> memref<20000x32xf32, #tpu.memory_space<vmem_shared>>
    %dma_wait3A_308 = tpu.memref_slice %arg17[%dma_wait3A_297] : memref<12x!tpu.dma_semaphore, #tpu.memory_space<semaphore_mem>> -> memref<1x!tpu.dma_semaphore, #tpu.memory_space<semaphore_mem>>
    %dma_wait3A_309 = tpu.memref_squeeze %dma_wait3A_308 : memref<1x!tpu.dma_semaphore, #tpu.memory_space<semaphore_mem>> -> memref<!tpu.dma_semaphore, #tpu.memory_space<semaphore_mem>>
    tpu.wait_indirect_dma semaphore(%dma_wait3A_309 : memref<!tpu.dma_semaphore, #tpu.memory_space<semaphore_mem>>) src(%dma_wait3A_301 : memref<80x32xf32, #tpu.memory_space<vmem>>) dst(%dma_wait3A_307 : memref<20000x32xf32, #tpu.memory_space<vmem_shared>>)
    %dma_wait3A_310 = arith.constant 6 : i32
    %dma_wait3A_311 = arith.constant 249 : i32
    %dma_wait3A_312 = arith.constant 6 : i32
    %dma_wait3A_313 = arith.constant 0 : i32
    %dma_wait3A_314 = arith.constant 0 : i32
    %dma_wait3A_315 = tpu.memref_slice %arg12[%dma_wait3A_310, %dma_wait3A_313, %dma_wait3A_314] : memref<12x80x32xf32, #tpu.memory_space<vmem>> -> memref<1x80x32xf32, #tpu.memory_space<vmem>>
    %dma_wait3A_316 = tpu.memref_squeeze %dma_wait3A_315 : memref<1x80x32xf32, #tpu.memory_space<vmem>> -> memref<80x32xf32, #tpu.memory_space<vmem>>
    %dma_wait3A_317 = arith.constant 0 : i32
    %dma_wait3A_318 = tpu.memref_slice %arg11[%dma_wait3A_311, %dma_wait3A_317] : memref<250x80xi32, #tpu.memory_space<vmem>> -> memref<1x80xi32, #tpu.memory_space<vmem>>
    %dma_wait3A_319 = tpu.memref_squeeze %dma_wait3A_318 : memref<1x80xi32, #tpu.memory_space<vmem>> -> memref<80xi32, #tpu.memory_space<vmem>>
    %dma_wait3A_320 = arith.constant 0 : i32
    %dma_wait3A_321 = arith.constant 0 : i32
    %dma_wait3A_322 = tpu.memref_slice %arg14[%dma_wait3A_320, %dma_wait3A_321] : memref<20000x32xf32, #tpu.memory_space<vmem_shared>> -> memref<20000x32xf32, #tpu.memory_space<vmem_shared>>
    %dma_wait3A_323 = tpu.memref_slice %arg17[%dma_wait3A_312] : memref<12x!tpu.dma_semaphore, #tpu.memory_space<semaphore_mem>> -> memref<1x!tpu.dma_semaphore, #tpu.memory_space<semaphore_mem>>
    %dma_wait3A_324 = tpu.memref_squeeze %dma_wait3A_323 : memref<1x!tpu.dma_semaphore, #tpu.memory_space<semaphore_mem>> -> memref<!tpu.dma_semaphore, #tpu.memory_space<semaphore_mem>>
    tpu.wait_indirect_dma semaphore(%dma_wait3A_324 : memref<!tpu.dma_semaphore, #tpu.memory_space<semaphore_mem>>) src(%dma_wait3A_316 : memref<80x32xf32, #tpu.memory_space<vmem>>) dst(%dma_wait3A_322 : memref<20000x32xf32, #tpu.memory_space<vmem_shared>>)
    %dma_wait3A_325 = arith.constant 7 : i32
    %dma_wait3A_326 = arith.constant 249 : i32
    %dma_wait3A_327 = arith.constant 7 : i32
    %dma_wait3A_328 = arith.constant 0 : i32
    %dma_wait3A_329 = arith.constant 0 : i32
    %dma_wait3A_330 = tpu.memref_slice %arg12[%dma_wait3A_325, %dma_wait3A_328, %dma_wait3A_329] : memref<12x80x32xf32, #tpu.memory_space<vmem>> -> memref<1x80x32xf32, #tpu.memory_space<vmem>>
    %dma_wait3A_331 = tpu.memref_squeeze %dma_wait3A_330 : memref<1x80x32xf32, #tpu.memory_space<vmem>> -> memref<80x32xf32, #tpu.memory_space<vmem>>
    %dma_wait3A_332 = arith.constant 0 : i32
    %dma_wait3A_333 = tpu.memref_slice %arg11[%dma_wait3A_326, %dma_wait3A_332] : memref<250x80xi32, #tpu.memory_space<vmem>> -> memref<1x80xi32, #tpu.memory_space<vmem>>
    %dma_wait3A_334 = tpu.memref_squeeze %dma_wait3A_333 : memref<1x80xi32, #tpu.memory_space<vmem>> -> memref<80xi32, #tpu.memory_space<vmem>>
    %dma_wait3A_335 = arith.constant 0 : i32
    %dma_wait3A_336 = arith.constant 0 : i32
    %dma_wait3A_337 = tpu.memref_slice %arg14[%dma_wait3A_335, %dma_wait3A_336] : memref<20000x32xf32, #tpu.memory_space<vmem_shared>> -> memref<20000x32xf32, #tpu.memory_space<vmem_shared>>
    %dma_wait3A_338 = tpu.memref_slice %arg17[%dma_wait3A_327] : memref<12x!tpu.dma_semaphore, #tpu.memory_space<semaphore_mem>> -> memref<1x!tpu.dma_semaphore, #tpu.memory_space<semaphore_mem>>
    %dma_wait3A_339 = tpu.memref_squeeze %dma_wait3A_338 : memref<1x!tpu.dma_semaphore, #tpu.memory_space<semaphore_mem>> -> memref<!tpu.dma_semaphore, #tpu.memory_space<semaphore_mem>>
    tpu.wait_indirect_dma semaphore(%dma_wait3A_339 : memref<!tpu.dma_semaphore, #tpu.memory_space<semaphore_mem>>) src(%dma_wait3A_331 : memref<80x32xf32, #tpu.memory_space<vmem>>) dst(%dma_wait3A_337 : memref<20000x32xf32, #tpu.memory_space<vmem_shared>>)
    %dma_wait3A_340 = arith.constant 8 : i32
    %dma_wait3A_341 = arith.constant 249 : i32
    %dma_wait3A_342 = arith.constant 8 : i32
    %dma_wait3A_343 = arith.constant 0 : i32
    %dma_wait3A_344 = arith.constant 0 : i32
    %dma_wait3A_345 = tpu.memref_slice %arg12[%dma_wait3A_340, %dma_wait3A_343, %dma_wait3A_344] : memref<12x80x32xf32, #tpu.memory_space<vmem>> -> memref<1x80x32xf32, #tpu.memory_space<vmem>>
    %dma_wait3A_346 = tpu.memref_squeeze %dma_wait3A_345 : memref<1x80x32xf32, #tpu.memory_space<vmem>> -> memref<80x32xf32, #tpu.memory_space<vmem>>
    %dma_wait3A_347 = arith.constant 0 : i32
    %dma_wait3A_348 = tpu.memref_slice %arg11[%dma_wait3A_341, %dma_wait3A_347] : memref<250x80xi32, #tpu.memory_space<vmem>> -> memref<1x80xi32, #tpu.memory_space<vmem>>
    %dma_wait3A_349 = tpu.memref_squeeze %dma_wait3A_348 : memref<1x80xi32, #tpu.memory_space<vmem>> -> memref<80xi32, #tpu.memory_space<vmem>>
    %dma_wait3A_350 = arith.constant 0 : i32
    %dma_wait3A_351 = arith.constant 0 : i32
    %dma_wait3A_352 = tpu.memref_slice %arg14[%dma_wait3A_350, %dma_wait3A_351] : memref<20000x32xf32, #tpu.memory_space<vmem_shared>> -> memref<20000x32xf32, #tpu.memory_space<vmem_shared>>
    %dma_wait3A_353 = tpu.memref_slice %arg17[%dma_wait3A_342] : memref<12x!tpu.dma_semaphore, #tpu.memory_space<semaphore_mem>> -> memref<1x!tpu.dma_semaphore, #tpu.memory_space<semaphore_mem>>
    %dma_wait3A_354 = tpu.memref_squeeze %dma_wait3A_353 : memref<1x!tpu.dma_semaphore, #tpu.memory_space<semaphore_mem>> -> memref<!tpu.dma_semaphore, #tpu.memory_space<semaphore_mem>>
    tpu.wait_indirect_dma semaphore(%dma_wait3A_354 : memref<!tpu.dma_semaphore, #tpu.memory_space<semaphore_mem>>) src(%dma_wait3A_346 : memref<80x32xf32, #tpu.memory_space<vmem>>) dst(%dma_wait3A_352 : memref<20000x32xf32, #tpu.memory_space<vmem_shared>>)
    %dma_wait3A_355 = arith.constant 9 : i32
    %dma_wait3A_356 = arith.constant 249 : i32
    %dma_wait3A_357 = arith.constant 9 : i32
    %dma_wait3A_358 = arith.constant 0 : i32
    %dma_wait3A_359 = arith.constant 0 : i32
    %dma_wait3A_360 = tpu.memref_slice %arg12[%dma_wait3A_355, %dma_wait3A_358, %dma_wait3A_359] : memref<12x80x32xf32, #tpu.memory_space<vmem>> -> memref<1x80x32xf32, #tpu.memory_space<vmem>>
    %dma_wait3A_361 = tpu.memref_squeeze %dma_wait3A_360 : memref<1x80x32xf32, #tpu.memory_space<vmem>> -> memref<80x32xf32, #tpu.memory_space<vmem>>
    %dma_wait3A_362 = arith.constant 0 : i32
    %dma_wait3A_363 = tpu.memref_slice %arg11[%dma_wait3A_356, %dma_wait3A_362] : memref<250x80xi32, #tpu.memory_space<vmem>> -> memref<1x80xi32, #tpu.memory_space<vmem>>
    %dma_wait3A_364 = tpu.memref_squeeze %dma_wait3A_363 : memref<1x80xi32, #tpu.memory_space<vmem>> -> memref<80xi32, #tpu.memory_space<vmem>>
    %dma_wait3A_365 = arith.constant 0 : i32
    %dma_wait3A_366 = arith.constant 0 : i32
    %dma_wait3A_367 = tpu.memref_slice %arg14[%dma_wait3A_365, %dma_wait3A_366] : memref<20000x32xf32, #tpu.memory_space<vmem_shared>> -> memref<20000x32xf32, #tpu.memory_space<vmem_shared>>
    %dma_wait3A_368 = tpu.memref_slice %arg17[%dma_wait3A_357] : memref<12x!tpu.dma_semaphore, #tpu.memory_space<semaphore_mem>> -> memref<1x!tpu.dma_semaphore, #tpu.memory_space<semaphore_mem>>
    %dma_wait3A_369 = tpu.memref_squeeze %dma_wait3A_368 : memref<1x!tpu.dma_semaphore, #tpu.memory_space<semaphore_mem>> -> memref<!tpu.dma_semaphore, #tpu.memory_space<semaphore_mem>>
    tpu.wait_indirect_dma semaphore(%dma_wait3A_369 : memref<!tpu.dma_semaphore, #tpu.memory_space<semaphore_mem>>) src(%dma_wait3A_361 : memref<80x32xf32, #tpu.memory_space<vmem>>) dst(%dma_wait3A_367 : memref<20000x32xf32, #tpu.memory_space<vmem_shared>>)
    %dma_wait3A_370 = arith.constant 10 : i32
    %dma_wait3A_371 = arith.constant 249 : i32
    %dma_wait3A_372 = arith.constant 10 : i32
    %dma_wait3A_373 = arith.constant 0 : i32
    %dma_wait3A_374 = arith.constant 0 : i32
    %dma_wait3A_375 = tpu.memref_slice %arg12[%dma_wait3A_370, %dma_wait3A_373, %dma_wait3A_374] : memref<12x80x32xf32, #tpu.memory_space<vmem>> -> memref<1x80x32xf32, #tpu.memory_space<vmem>>
    %dma_wait3A_376 = tpu.memref_squeeze %dma_wait3A_375 : memref<1x80x32xf32, #tpu.memory_space<vmem>> -> memref<80x32xf32, #tpu.memory_space<vmem>>
    %dma_wait3A_377 = arith.constant 0 : i32
    %dma_wait3A_378 = tpu.memref_slice %arg11[%dma_wait3A_371, %dma_wait3A_377] : memref<250x80xi32, #tpu.memory_space<vmem>> -> memref<1x80xi32, #tpu.memory_space<vmem>>
    %dma_wait3A_379 = tpu.memref_squeeze %dma_wait3A_378 : memref<1x80xi32, #tpu.memory_space<vmem>> -> memref<80xi32, #tpu.memory_space<vmem>>
    %dma_wait3A_380 = arith.constant 0 : i32
    %dma_wait3A_381 = arith.constant 0 : i32
    %dma_wait3A_382 = tpu.memref_slice %arg14[%dma_wait3A_380, %dma_wait3A_381] : memref<20000x32xf32, #tpu.memory_space<vmem_shared>> -> memref<20000x32xf32, #tpu.memory_space<vmem_shared>>
    %dma_wait3A_383 = tpu.memref_slice %arg17[%dma_wait3A_372] : memref<12x!tpu.dma_semaphore, #tpu.memory_space<semaphore_mem>> -> memref<1x!tpu.dma_semaphore, #tpu.memory_space<semaphore_mem>>
    %dma_wait3A_384 = tpu.memref_squeeze %dma_wait3A_383 : memref<1x!tpu.dma_semaphore, #tpu.memory_space<semaphore_mem>> -> memref<!tpu.dma_semaphore, #tpu.memory_space<semaphore_mem>>
    tpu.wait_indirect_dma semaphore(%dma_wait3A_384 : memref<!tpu.dma_semaphore, #tpu.memory_space<semaphore_mem>>) src(%dma_wait3A_376 : memref<80x32xf32, #tpu.memory_space<vmem>>) dst(%dma_wait3A_382 : memref<20000x32xf32, #tpu.memory_space<vmem_shared>>)
    %dma_wait3A_385 = arith.constant 11 : i32
    %dma_wait3A_386 = arith.constant 249 : i32
    %dma_wait3A_387 = arith.constant 11 : i32
    %dma_wait3A_388 = arith.constant 0 : i32
    %dma_wait3A_389 = arith.constant 0 : i32
    %dma_wait3A_390 = tpu.memref_slice %arg12[%dma_wait3A_385, %dma_wait3A_388, %dma_wait3A_389] : memref<12x80x32xf32, #tpu.memory_space<vmem>> -> memref<1x80x32xf32, #tpu.memory_space<vmem>>
    %dma_wait3A_391 = tpu.memref_squeeze %dma_wait3A_390 : memref<1x80x32xf32, #tpu.memory_space<vmem>> -> memref<80x32xf32, #tpu.memory_space<vmem>>
    %dma_wait3A_392 = arith.constant 0 : i32
    %dma_wait3A_393 = tpu.memref_slice %arg11[%dma_wait3A_386, %dma_wait3A_392] : memref<250x80xi32, #tpu.memory_space<vmem>> -> memref<1x80xi32, #tpu.memory_space<vmem>>
    %dma_wait3A_394 = tpu.memref_squeeze %dma_wait3A_393 : memref<1x80xi32, #tpu.memory_space<vmem>> -> memref<80xi32, #tpu.memory_space<vmem>>
    %dma_wait3A_395 = arith.constant 0 : i32
    %dma_wait3A_396 = arith.constant 0 : i32
    %dma_wait3A_397 = tpu.memref_slice %arg14[%dma_wait3A_395, %dma_wait3A_396] : memref<20000x32xf32, #tpu.memory_space<vmem_shared>> -> memref<20000x32xf32, #tpu.memory_space<vmem_shared>>
    %dma_wait3A_398 = tpu.memref_slice %arg17[%dma_wait3A_387] : memref<12x!tpu.dma_semaphore, #tpu.memory_space<semaphore_mem>> -> memref<1x!tpu.dma_semaphore, #tpu.memory_space<semaphore_mem>>
    %dma_wait3A_399 = tpu.memref_squeeze %dma_wait3A_398 : memref<1x!tpu.dma_semaphore, #tpu.memory_space<semaphore_mem>> -> memref<!tpu.dma_semaphore, #tpu.memory_space<semaphore_mem>>
    tpu.wait_indirect_dma semaphore(%dma_wait3A_399 : memref<!tpu.dma_semaphore, #tpu.memory_space<semaphore_mem>>) src(%dma_wait3A_391 : memref<80x32xf32, #tpu.memory_space<vmem>>) dst(%dma_wait3A_397 : memref<20000x32xf32, #tpu.memory_space<vmem_shared>>)
    %scan3A_400 = arith.constant 0 : i32
    %scan3A_401 = arith.constant 0 : i32
    %scan3A_402 = arith.constant 125 : i32
    %scan3A_403 = arith.addi %scan3A_401, %scan3A_402 : i32
    %scan3A_404 = arith.constant 1 : i32
    scf.for %scan3A_812 = %scan3A_401 to %scan3A_403 step %scan3A_404  : i32 {
      %dma_wait3A_813 = arith.constant 0 : i32
      %dma_wait3A_814 = arith.constant 0 : i32
      %dma_wait3A_815 = tpu.memref_slice %arg10[%dma_wait3A_813, %dma_wait3A_814] : memref<250x80xi32, #tpu.memory_space<vmem>> -> memref<1x80xi32, #tpu.memory_space<vmem>>
      %dma_wait3A_816 = tpu.memref_squeeze %dma_wait3A_815 : memref<1x80xi32, #tpu.memory_space<vmem>> -> memref<80xi32, #tpu.memory_space<vmem>>
      %dma_wait3A_817 = arith.constant 0 : i32
      %dma_wait3A_818 = arith.constant 0 : i32
      %dma_wait3A_819 = tpu.memref_slice %arg15[%dma_wait3A_817, %dma_wait3A_818] : memref<10000x16xf32, #tpu.memory_space<vmem_shared>> -> memref<10000x16xf32, #tpu.memory_space<vmem_shared>>
      tpu.wait_indirect_dma semaphore(%arg18 : memref<!tpu.dma_semaphore, #tpu.memory_space<semaphore_mem>>) src(%arg13 : memref<80x16xf32, #tpu.memory_space<vmem>>) dst(%dma_wait3A_819 : memref<10000x16xf32, #tpu.memory_space<vmem_shared>>)
    }
    %scan3A_405 = arith.constant 125 : i32
    %barrier3A_406 = arith.constant 0 : index
    tpu.barrier barrier_id(%barrier3A_406)
    "tpu.region"() ({
      %run_scoped3A = tpu.sem_alloc : memref<!tpu.dma_semaphore, #tpu.memory_space<semaphore_mem>>
      %dma_start3A_812 = arith.constant 0 : i32
      %dma_start3A_813 = arith.constant 0 : i32
      %dma_start3A_814 = tpu.memref_slice %arg8[%arg0, %arg1, %dma_start3A_812, %dma_start3A_813] : memref<2x16x1250x64xf32, #tpu.memory_space<hbm>> -> memref<1x1x1250x32xf32, #tpu.memory_space<hbm>>
      %dma_start3A_815 = tpu.memref_squeeze %dma_start3A_814 : memref<1x1x1250x32xf32, #tpu.memory_space<hbm>> -> memref<1250x32xf32, #tpu.memory_space<hbm>>
      %dma_start3A_816 = arith.constant 0 : i32
      %dma_start3A_817 = tpu.memref_slice %arg14[%mul3A_2, %dma_start3A_816] : memref<20000x32xf32, #tpu.memory_space<vmem_shared>> -> memref<1250x32xf32, #tpu.memory_space<vmem_shared>>
      tpu.enqueue_dma source(%dma_start3A_817 : memref<1250x32xf32, #tpu.memory_space<vmem_shared>>) target(%dma_start3A_815 : memref<1250x32xf32, #tpu.memory_space<hbm>>) target_semaphore(%run_scoped3A : memref<!tpu.dma_semaphore, #tpu.memory_space<semaphore_mem>>)
      %dma_wait3A_818 = arith.constant 0 : i32
      %dma_wait3A_819 = arith.constant 0 : i32
      %dma_wait3A_820 = tpu.memref_slice %arg8[%arg0, %arg1, %dma_wait3A_818, %dma_wait3A_819] : memref<2x16x1250x64xf32, #tpu.memory_space<hbm>> -> memref<1x1x1250x32xf32, #tpu.memory_space<hbm>>
      %dma_wait3A_821 = tpu.memref_squeeze %dma_wait3A_820 : memref<1x1x1250x32xf32, #tpu.memory_space<hbm>> -> memref<1250x32xf32, #tpu.memory_space<hbm>>
      %dma_wait3A_822 = arith.constant 0 : i32
      %dma_wait3A_823 = tpu.memref_slice %arg14[%mul3A_2, %dma_wait3A_822] : memref<20000x32xf32, #tpu.memory_space<vmem_shared>> -> memref<1250x32xf32, #tpu.memory_space<vmem_shared>>
      tpu.wait_dma2 semaphore(%run_scoped3A : memref<!tpu.dma_semaphore, #tpu.memory_space<semaphore_mem>>) src(%dma_wait3A_823 : memref<1250x32xf32, #tpu.memory_space<vmem_shared>>) dst(%dma_wait3A_821 : memref<1250x32xf32, #tpu.memory_space<hbm>>)
      tpu.yield
    }) : () -> ()
    %mul3A_407 = arith.constant 2 : i32
    %mul3A_408 = arith.muli %mul3A_407, %arg0 : i32
    %add3A_409 = arith.constant 1 : i32
    %add3A_410 = arith.addi %mul3A_408, %add3A_409 : i32
    "tpu.region"() ({
      %run_scoped3A = tpu.sem_alloc : memref<!tpu.dma_semaphore, #tpu.memory_space<semaphore_mem>>
      %dma_start3A_812 = arith.constant 0 : i32
      %dma_start3A_813 = tpu.memref_slice %arg14[%mul3A_2, %dma_start3A_812] : memref<20000x32xf32, #tpu.memory_space<vmem_shared>> -> memref<625x32xf32, #tpu.memory_space<vmem_shared>>
      tpu.enqueue_dma source(%arg5 : memref<625x32xf32, #tpu.memory_space<hbm>>) target(%dma_start3A_813 : memref<625x32xf32, #tpu.memory_space<vmem_shared>>) target_semaphore(%run_scoped3A : memref<!tpu.dma_semaphore, #tpu.memory_space<semaphore_mem>>)
      %dma_wait3A_814 = arith.constant 0 : i32
      %dma_wait3A_815 = tpu.memref_slice %arg14[%mul3A_2, %dma_wait3A_814] : memref<20000x32xf32, #tpu.memory_space<vmem_shared>> -> memref<625x32xf32, #tpu.memory_space<vmem_shared>>
      tpu.wait_dma2 semaphore(%run_scoped3A : memref<!tpu.dma_semaphore, #tpu.memory_space<semaphore_mem>>) src(%arg5 : memref<625x32xf32, #tpu.memory_space<hbm>>) dst(%dma_wait3A_815 : memref<625x32xf32, #tpu.memory_space<vmem_shared>>)
      tpu.yield
    }) : () -> ()
    %add3A_411 = arith.constant 625 : i32
    %add3A_412 = arith.addi %mul3A_2, %add3A_411 : i32
    "tpu.region"() ({
      %run_scoped3A = tpu.sem_alloc : memref<!tpu.dma_semaphore, #tpu.memory_space<semaphore_mem>>
      %dma_start3A_812 = arith.constant 0 : i32
      %dma_start3A_813 = tpu.memref_slice %arg14[%add3A_412, %dma_start3A_812] : memref<20000x32xf32, #tpu.memory_space<vmem_shared>> -> memref<625x32xf32, #tpu.memory_space<vmem_shared>>
      tpu.enqueue_dma source(%arg5 : memref<625x32xf32, #tpu.memory_space<hbm>>) target(%dma_start3A_813 : memref<625x32xf32, #tpu.memory_space<vmem_shared>>) target_semaphore(%run_scoped3A : memref<!tpu.dma_semaphore, #tpu.memory_space<semaphore_mem>>)
      %dma_wait3A_814 = arith.constant 0 : i32
      %dma_wait3A_815 = tpu.memref_slice %arg14[%add3A_412, %dma_wait3A_814] : memref<20000x32xf32, #tpu.memory_space<vmem_shared>> -> memref<625x32xf32, #tpu.memory_space<vmem_shared>>
      tpu.wait_dma2 semaphore(%run_scoped3A : memref<!tpu.dma_semaphore, #tpu.memory_space<semaphore_mem>>) src(%arg5 : memref<625x32xf32, #tpu.memory_space<hbm>>) dst(%dma_wait3A_815 : memref<625x32xf32, #tpu.memory_space<vmem_shared>>)
      tpu.yield
    }) : () -> ()
    %barrier3A_413 = arith.constant 0 : index
    tpu.barrier barrier_id(%barrier3A_413)
    %dma_start3A_414 = arith.constant 0 : i32
    %dma_start3A_415 = arith.constant 0 : i32
    %dma_start3A_416 = arith.constant 0 : i32
    %dma_start3A_417 = arith.constant 0 : i32
    %dma_start3A_418 = arith.constant 0 : i32
    %dma_start3A_419 = tpu.memref_slice %arg12[%dma_start3A_415, %dma_start3A_417, %dma_start3A_418] : memref<12x80x32xf32, #tpu.memory_space<vmem>> -> memref<1x80x32xf32, #tpu.memory_space<vmem>>
    %dma_start3A_420 = tpu.memref_squeeze %dma_start3A_419 : memref<1x80x32xf32, #tpu.memory_space<vmem>> -> memref<80x32xf32, #tpu.memory_space<vmem>>
    %dma_start3A_421 = arith.constant 0 : i32
    %dma_start3A_422 = tpu.memref_slice %arg10[%dma_start3A_414, %dma_start3A_421] : memref<250x80xi32, #tpu.memory_space<vmem>> -> memref<1x80xi32, #tpu.memory_space<vmem>>
    %dma_start3A_423 = tpu.memref_squeeze %dma_start3A_422 : memref<1x80xi32, #tpu.memory_space<vmem>> -> memref<80xi32, #tpu.memory_space<vmem>>
    %dma_start3A_424 = arith.constant 0 : i32
    %dma_start3A_425 = arith.constant 0 : i32
    %dma_start3A_426 = tpu.memref_slice %arg2[%add3A_410, %dma_start3A_424, %dma_start3A_425] : memref<4x10000x32xf32, #tpu.memory_space<hbm>> -> memref<1x10000x32xf32, #tpu.memory_space<hbm>>
    %dma_start3A_427 = tpu.memref_squeeze %dma_start3A_426 : memref<1x10000x32xf32, #tpu.memory_space<hbm>> -> memref<10000x32xf32, #tpu.memory_space<hbm>>
    %dma_start3A_428 = arith.constant 0 : i32
    %dma_start3A_429 = arith.constant 0 : i32
    %dma_start3A_430 = tpu.memref_slice %dma_start3A_427[%dma_start3A_428, %dma_start3A_429] : memref<10000x32xf32, #tpu.memory_space<hbm>> -> memref<10000x32xf32, #tpu.memory_space<hbm>>
    %dma_start3A_431 = tpu.memref_slice %arg16[%dma_start3A_416] : memref<12x!tpu.dma_semaphore, #tpu.memory_space<semaphore_mem>> -> memref<1x!tpu.dma_semaphore, #tpu.memory_space<semaphore_mem>>
    %dma_start3A_432 = tpu.memref_squeeze %dma_start3A_431 : memref<1x!tpu.dma_semaphore, #tpu.memory_space<semaphore_mem>> -> memref<!tpu.dma_semaphore, #tpu.memory_space<semaphore_mem>>
    tpu.enqueue_indirect_dma source(%dma_start3A_430 : memref<10000x32xf32, #tpu.memory_space<hbm>>) target(%dma_start3A_420 : memref<80x32xf32, #tpu.memory_space<vmem>>) offsets(%dma_start3A_423 : memref<80xi32, #tpu.memory_space<vmem>>) semaphore(%dma_start3A_432 : memref<!tpu.dma_semaphore, #tpu.memory_space<semaphore_mem>>)
    %dma_start3A_433 = arith.constant 1 : i32
    %dma_start3A_434 = arith.constant 1 : i32
    %dma_start3A_435 = arith.constant 1 : i32
    %dma_start3A_436 = arith.constant 0 : i32
    %dma_start3A_437 = arith.constant 0 : i32
    %dma_start3A_438 = tpu.memref_slice %arg12[%dma_start3A_434, %dma_start3A_436, %dma_start3A_437] : memref<12x80x32xf32, #tpu.memory_space<vmem>> -> memref<1x80x32xf32, #tpu.memory_space<vmem>>
    %dma_start3A_439 = tpu.memref_squeeze %dma_start3A_438 : memref<1x80x32xf32, #tpu.memory_space<vmem>> -> memref<80x32xf32, #tpu.memory_space<vmem>>
    %dma_start3A_440 = arith.constant 0 : i32
    %dma_start3A_441 = tpu.memref_slice %arg10[%dma_start3A_433, %dma_start3A_440] : memref<250x80xi32, #tpu.memory_space<vmem>> -> memref<1x80xi32, #tpu.memory_space<vmem>>
    %dma_start3A_442 = tpu.memref_squeeze %dma_start3A_441 : memref<1x80xi32, #tpu.memory_space<vmem>> -> memref<80xi32, #tpu.memory_space<vmem>>
    %dma_start3A_443 = arith.constant 0 : i32
    %dma_start3A_444 = arith.constant 0 : i32
    %dma_start3A_445 = tpu.memref_slice %arg2[%add3A_410, %dma_start3A_443, %dma_start3A_444] : memref<4x10000x32xf32, #tpu.memory_space<hbm>> -> memref<1x10000x32xf32, #tpu.memory_space<hbm>>
    %dma_start3A_446 = tpu.memref_squeeze %dma_start3A_445 : memref<1x10000x32xf32, #tpu.memory_space<hbm>> -> memref<10000x32xf32, #tpu.memory_space<hbm>>
    %dma_start3A_447 = arith.constant 0 : i32
    %dma_start3A_448 = arith.constant 0 : i32
    %dma_start3A_449 = tpu.memref_slice %dma_start3A_446[%dma_start3A_447, %dma_start3A_448] : memref<10000x32xf32, #tpu.memory_space<hbm>> -> memref<10000x32xf32, #tpu.memory_space<hbm>>
    %dma_start3A_450 = tpu.memref_slice %arg16[%dma_start3A_435] : memref<12x!tpu.dma_semaphore, #tpu.memory_space<semaphore_mem>> -> memref<1x!tpu.dma_semaphore, #tpu.memory_space<semaphore_mem>>
    %dma_start3A_451 = tpu.memref_squeeze %dma_start3A_450 : memref<1x!tpu.dma_semaphore, #tpu.memory_space<semaphore_mem>> -> memref<!tpu.dma_semaphore, #tpu.memory_space<semaphore_mem>>
    tpu.enqueue_indirect_dma source(%dma_start3A_449 : memref<10000x32xf32, #tpu.memory_space<hbm>>) target(%dma_start3A_439 : memref<80x32xf32, #tpu.memory_space<vmem>>) offsets(%dma_start3A_442 : memref<80xi32, #tpu.memory_space<vmem>>) semaphore(%dma_start3A_451 : memref<!tpu.dma_semaphore, #tpu.memory_space<semaphore_mem>>)
    %dma_start3A_452 = arith.constant 2 : i32
    %dma_start3A_453 = arith.constant 2 : i32
    %dma_start3A_454 = arith.constant 2 : i32
    %dma_start3A_455 = arith.constant 0 : i32
    %dma_start3A_456 = arith.constant 0 : i32
    %dma_start3A_457 = tpu.memref_slice %arg12[%dma_start3A_453, %dma_start3A_455, %dma_start3A_456] : memref<12x80x32xf32, #tpu.memory_space<vmem>> -> memref<1x80x32xf32, #tpu.memory_space<vmem>>
    %dma_start3A_458 = tpu.memref_squeeze %dma_start3A_457 : memref<1x80x32xf32, #tpu.memory_space<vmem>> -> memref<80x32xf32, #tpu.memory_space<vmem>>
    %dma_start3A_459 = arith.constant 0 : i32
    %dma_start3A_460 = tpu.memref_slice %arg10[%dma_start3A_452, %dma_start3A_459] : memref<250x80xi32, #tpu.memory_space<vmem>> -> memref<1x80xi32, #tpu.memory_space<vmem>>
    %dma_start3A_461 = tpu.memref_squeeze %dma_start3A_460 : memref<1x80xi32, #tpu.memory_space<vmem>> -> memref<80xi32, #tpu.memory_space<vmem>>
    %dma_start3A_462 = arith.constant 0 : i32
    %dma_start3A_463 = arith.constant 0 : i32
    %dma_start3A_464 = tpu.memref_slice %arg2[%add3A_410, %dma_start3A_462, %dma_start3A_463] : memref<4x10000x32xf32, #tpu.memory_space<hbm>> -> memref<1x10000x32xf32, #tpu.memory_space<hbm>>
    %dma_start3A_465 = tpu.memref_squeeze %dma_start3A_464 : memref<1x10000x32xf32, #tpu.memory_space<hbm>> -> memref<10000x32xf32, #tpu.memory_space<hbm>>
    %dma_start3A_466 = arith.constant 0 : i32
    %dma_start3A_467 = arith.constant 0 : i32
    %dma_start3A_468 = tpu.memref_slice %dma_start3A_465[%dma_start3A_466, %dma_start3A_467] : memref<10000x32xf32, #tpu.memory_space<hbm>> -> memref<10000x32xf32, #tpu.memory_space<hbm>>
    %dma_start3A_469 = tpu.memref_slice %arg16[%dma_start3A_454] : memref<12x!tpu.dma_semaphore, #tpu.memory_space<semaphore_mem>> -> memref<1x!tpu.dma_semaphore, #tpu.memory_space<semaphore_mem>>
    %dma_start3A_470 = tpu.memref_squeeze %dma_start3A_469 : memref<1x!tpu.dma_semaphore, #tpu.memory_space<semaphore_mem>> -> memref<!tpu.dma_semaphore, #tpu.memory_space<semaphore_mem>>
    tpu.enqueue_indirect_dma source(%dma_start3A_468 : memref<10000x32xf32, #tpu.memory_space<hbm>>) target(%dma_start3A_458 : memref<80x32xf32, #tpu.memory_space<vmem>>) offsets(%dma_start3A_461 : memref<80xi32, #tpu.memory_space<vmem>>) semaphore(%dma_start3A_470 : memref<!tpu.dma_semaphore, #tpu.memory_space<semaphore_mem>>)
    %dma_start3A_471 = arith.constant 3 : i32
    %dma_start3A_472 = arith.constant 3 : i32
    %dma_start3A_473 = arith.constant 3 : i32
    %dma_start3A_474 = arith.constant 0 : i32
    %dma_start3A_475 = arith.constant 0 : i32
    %dma_start3A_476 = tpu.memref_slice %arg12[%dma_start3A_472, %dma_start3A_474, %dma_start3A_475] : memref<12x80x32xf32, #tpu.memory_space<vmem>> -> memref<1x80x32xf32, #tpu.memory_space<vmem>>
    %dma_start3A_477 = tpu.memref_squeeze %dma_start3A_476 : memref<1x80x32xf32, #tpu.memory_space<vmem>> -> memref<80x32xf32, #tpu.memory_space<vmem>>
    %dma_start3A_478 = arith.constant 0 : i32
    %dma_start3A_479 = tpu.memref_slice %arg10[%dma_start3A_471, %dma_start3A_478] : memref<250x80xi32, #tpu.memory_space<vmem>> -> memref<1x80xi32, #tpu.memory_space<vmem>>
    %dma_start3A_480 = tpu.memref_squeeze %dma_start3A_479 : memref<1x80xi32, #tpu.memory_space<vmem>> -> memref<80xi32, #tpu.memory_space<vmem>>
    %dma_start3A_481 = arith.constant 0 : i32
    %dma_start3A_482 = arith.constant 0 : i32
    %dma_start3A_483 = tpu.memref_slice %arg2[%add3A_410, %dma_start3A_481, %dma_start3A_482] : memref<4x10000x32xf32, #tpu.memory_space<hbm>> -> memref<1x10000x32xf32, #tpu.memory_space<hbm>>
    %dma_start3A_484 = tpu.memref_squeeze %dma_start3A_483 : memref<1x10000x32xf32, #tpu.memory_space<hbm>> -> memref<10000x32xf32, #tpu.memory_space<hbm>>
    %dma_start3A_485 = arith.constant 0 : i32
    %dma_start3A_486 = arith.constant 0 : i32
    %dma_start3A_487 = tpu.memref_slice %dma_start3A_484[%dma_start3A_485, %dma_start3A_486] : memref<10000x32xf32, #tpu.memory_space<hbm>> -> memref<10000x32xf32, #tpu.memory_space<hbm>>
    %dma_start3A_488 = tpu.memref_slice %arg16[%dma_start3A_473] : memref<12x!tpu.dma_semaphore, #tpu.memory_space<semaphore_mem>> -> memref<1x!tpu.dma_semaphore, #tpu.memory_space<semaphore_mem>>
    %dma_start3A_489 = tpu.memref_squeeze %dma_start3A_488 : memref<1x!tpu.dma_semaphore, #tpu.memory_space<semaphore_mem>> -> memref<!tpu.dma_semaphore, #tpu.memory_space<semaphore_mem>>
    tpu.enqueue_indirect_dma source(%dma_start3A_487 : memref<10000x32xf32, #tpu.memory_space<hbm>>) target(%dma_start3A_477 : memref<80x32xf32, #tpu.memory_space<vmem>>) offsets(%dma_start3A_480 : memref<80xi32, #tpu.memory_space<vmem>>) semaphore(%dma_start3A_489 : memref<!tpu.dma_semaphore, #tpu.memory_space<semaphore_mem>>)
    %dma_start3A_490 = arith.constant 4 : i32
    %dma_start3A_491 = arith.constant 4 : i32
    %dma_start3A_492 = arith.constant 4 : i32
    %dma_start3A_493 = arith.constant 0 : i32
    %dma_start3A_494 = arith.constant 0 : i32
    %dma_start3A_495 = tpu.memref_slice %arg12[%dma_start3A_491, %dma_start3A_493, %dma_start3A_494] : memref<12x80x32xf32, #tpu.memory_space<vmem>> -> memref<1x80x32xf32, #tpu.memory_space<vmem>>
    %dma_start3A_496 = tpu.memref_squeeze %dma_start3A_495 : memref<1x80x32xf32, #tpu.memory_space<vmem>> -> memref<80x32xf32, #tpu.memory_space<vmem>>
    %dma_start3A_497 = arith.constant 0 : i32
    %dma_start3A_498 = tpu.memref_slice %arg10[%dma_start3A_490, %dma_start3A_497] : memref<250x80xi32, #tpu.memory_space<vmem>> -> memref<1x80xi32, #tpu.memory_space<vmem>>
    %dma_start3A_499 = tpu.memref_squeeze %dma_start3A_498 : memref<1x80xi32, #tpu.memory_space<vmem>> -> memref<80xi32, #tpu.memory_space<vmem>>
    %dma_start3A_500 = arith.constant 0 : i32
    %dma_start3A_501 = arith.constant 0 : i32
    %dma_start3A_502 = tpu.memref_slice %arg2[%add3A_410, %dma_start3A_500, %dma_start3A_501] : memref<4x10000x32xf32, #tpu.memory_space<hbm>> -> memref<1x10000x32xf32, #tpu.memory_space<hbm>>
    %dma_start3A_503 = tpu.memref_squeeze %dma_start3A_502 : memref<1x10000x32xf32, #tpu.memory_space<hbm>> -> memref<10000x32xf32, #tpu.memory_space<hbm>>
    %dma_start3A_504 = arith.constant 0 : i32
    %dma_start3A_505 = arith.constant 0 : i32
    %dma_start3A_506 = tpu.memref_slice %dma_start3A_503[%dma_start3A_504, %dma_start3A_505] : memref<10000x32xf32, #tpu.memory_space<hbm>> -> memref<10000x32xf32, #tpu.memory_space<hbm>>
    %dma_start3A_507 = tpu.memref_slice %arg16[%dma_start3A_492] : memref<12x!tpu.dma_semaphore, #tpu.memory_space<semaphore_mem>> -> memref<1x!tpu.dma_semaphore, #tpu.memory_space<semaphore_mem>>
    %dma_start3A_508 = tpu.memref_squeeze %dma_start3A_507 : memref<1x!tpu.dma_semaphore, #tpu.memory_space<semaphore_mem>> -> memref<!tpu.dma_semaphore, #tpu.memory_space<semaphore_mem>>
    tpu.enqueue_indirect_dma source(%dma_start3A_506 : memref<10000x32xf32, #tpu.memory_space<hbm>>) target(%dma_start3A_496 : memref<80x32xf32, #tpu.memory_space<vmem>>) offsets(%dma_start3A_499 : memref<80xi32, #tpu.memory_space<vmem>>) semaphore(%dma_start3A_508 : memref<!tpu.dma_semaphore, #tpu.memory_space<semaphore_mem>>)
    %dma_start3A_509 = arith.constant 5 : i32
    %dma_start3A_510 = arith.constant 5 : i32
    %dma_start3A_511 = arith.constant 5 : i32
    %dma_start3A_512 = arith.constant 0 : i32
    %dma_start3A_513 = arith.constant 0 : i32
    %dma_start3A_514 = tpu.memref_slice %arg12[%dma_start3A_510, %dma_start3A_512, %dma_start3A_513] : memref<12x80x32xf32, #tpu.memory_space<vmem>> -> memref<1x80x32xf32, #tpu.memory_space<vmem>>
    %dma_start3A_515 = tpu.memref_squeeze %dma_start3A_514 : memref<1x80x32xf32, #tpu.memory_space<vmem>> -> memref<80x32xf32, #tpu.memory_space<vmem>>
    %dma_start3A_516 = arith.constant 0 : i32
    %dma_start3A_517 = tpu.memref_slice %arg10[%dma_start3A_509, %dma_start3A_516] : memref<250x80xi32, #tpu.memory_space<vmem>> -> memref<1x80xi32, #tpu.memory_space<vmem>>
    %dma_start3A_518 = tpu.memref_squeeze %dma_start3A_517 : memref<1x80xi32, #tpu.memory_space<vmem>> -> memref<80xi32, #tpu.memory_space<vmem>>
    %dma_start3A_519 = arith.constant 0 : i32
    %dma_start3A_520 = arith.constant 0 : i32
    %dma_start3A_521 = tpu.memref_slice %arg2[%add3A_410, %dma_start3A_519, %dma_start3A_520] : memref<4x10000x32xf32, #tpu.memory_space<hbm>> -> memref<1x10000x32xf32, #tpu.memory_space<hbm>>
    %dma_start3A_522 = tpu.memref_squeeze %dma_start3A_521 : memref<1x10000x32xf32, #tpu.memory_space<hbm>> -> memref<10000x32xf32, #tpu.memory_space<hbm>>
    %dma_start3A_523 = arith.constant 0 : i32
    %dma_start3A_524 = arith.constant 0 : i32
    %dma_start3A_525 = tpu.memref_slice %dma_start3A_522[%dma_start3A_523, %dma_start3A_524] : memref<10000x32xf32, #tpu.memory_space<hbm>> -> memref<10000x32xf32, #tpu.memory_space<hbm>>
    %dma_start3A_526 = tpu.memref_slice %arg16[%dma_start3A_511] : memref<12x!tpu.dma_semaphore, #tpu.memory_space<semaphore_mem>> -> memref<1x!tpu.dma_semaphore, #tpu.memory_space<semaphore_mem>>
    %dma_start3A_527 = tpu.memref_squeeze %dma_start3A_526 : memref<1x!tpu.dma_semaphore, #tpu.memory_space<semaphore_mem>> -> memref<!tpu.dma_semaphore, #tpu.memory_space<semaphore_mem>>
    tpu.enqueue_indirect_dma source(%dma_start3A_525 : memref<10000x32xf32, #tpu.memory_space<hbm>>) target(%dma_start3A_515 : memref<80x32xf32, #tpu.memory_space<vmem>>) offsets(%dma_start3A_518 : memref<80xi32, #tpu.memory_space<vmem>>) semaphore(%dma_start3A_527 : memref<!tpu.dma_semaphore, #tpu.memory_space<semaphore_mem>>)
    %dma_start3A_528 = arith.constant 6 : i32
    %dma_start3A_529 = arith.constant 6 : i32
    %dma_start3A_530 = arith.constant 6 : i32
    %dma_start3A_531 = arith.constant 0 : i32
    %dma_start3A_532 = arith.constant 0 : i32
    %dma_start3A_533 = tpu.memref_slice %arg12[%dma_start3A_529, %dma_start3A_531, %dma_start3A_532] : memref<12x80x32xf32, #tpu.memory_space<vmem>> -> memref<1x80x32xf32, #tpu.memory_space<vmem>>
    %dma_start3A_534 = tpu.memref_squeeze %dma_start3A_533 : memref<1x80x32xf32, #tpu.memory_space<vmem>> -> memref<80x32xf32, #tpu.memory_space<vmem>>
    %dma_start3A_535 = arith.constant 0 : i32
    %dma_start3A_536 = tpu.memref_slice %arg10[%dma_start3A_528, %dma_start3A_535] : memref<250x80xi32, #tpu.memory_space<vmem>> -> memref<1x80xi32, #tpu.memory_space<vmem>>
    %dma_start3A_537 = tpu.memref_squeeze %dma_start3A_536 : memref<1x80xi32, #tpu.memory_space<vmem>> -> memref<80xi32, #tpu.memory_space<vmem>>
    %dma_start3A_538 = arith.constant 0 : i32
    %dma_start3A_539 = arith.constant 0 : i32
    %dma_start3A_540 = tpu.memref_slice %arg2[%add3A_410, %dma_start3A_538, %dma_start3A_539] : memref<4x10000x32xf32, #tpu.memory_space<hbm>> -> memref<1x10000x32xf32, #tpu.memory_space<hbm>>
    %dma_start3A_541 = tpu.memref_squeeze %dma_start3A_540 : memref<1x10000x32xf32, #tpu.memory_space<hbm>> -> memref<10000x32xf32, #tpu.memory_space<hbm>>
    %dma_start3A_542 = arith.constant 0 : i32
    %dma_start3A_543 = arith.constant 0 : i32
    %dma_start3A_544 = tpu.memref_slice %dma_start3A_541[%dma_start3A_542, %dma_start3A_543] : memref<10000x32xf32, #tpu.memory_space<hbm>> -> memref<10000x32xf32, #tpu.memory_space<hbm>>
    %dma_start3A_545 = tpu.memref_slice %arg16[%dma_start3A_530] : memref<12x!tpu.dma_semaphore, #tpu.memory_space<semaphore_mem>> -> memref<1x!tpu.dma_semaphore, #tpu.memory_space<semaphore_mem>>
    %dma_start3A_546 = tpu.memref_squeeze %dma_start3A_545 : memref<1x!tpu.dma_semaphore, #tpu.memory_space<semaphore_mem>> -> memref<!tpu.dma_semaphore, #tpu.memory_space<semaphore_mem>>
    tpu.enqueue_indirect_dma source(%dma_start3A_544 : memref<10000x32xf32, #tpu.memory_space<hbm>>) target(%dma_start3A_534 : memref<80x32xf32, #tpu.memory_space<vmem>>) offsets(%dma_start3A_537 : memref<80xi32, #tpu.memory_space<vmem>>) semaphore(%dma_start3A_546 : memref<!tpu.dma_semaphore, #tpu.memory_space<semaphore_mem>>)
    %dma_start3A_547 = arith.constant 7 : i32
    %dma_start3A_548 = arith.constant 7 : i32
    %dma_start3A_549 = arith.constant 7 : i32
    %dma_start3A_550 = arith.constant 0 : i32
    %dma_start3A_551 = arith.constant 0 : i32
    %dma_start3A_552 = tpu.memref_slice %arg12[%dma_start3A_548, %dma_start3A_550, %dma_start3A_551] : memref<12x80x32xf32, #tpu.memory_space<vmem>> -> memref<1x80x32xf32, #tpu.memory_space<vmem>>
    %dma_start3A_553 = tpu.memref_squeeze %dma_start3A_552 : memref<1x80x32xf32, #tpu.memory_space<vmem>> -> memref<80x32xf32, #tpu.memory_space<vmem>>
    %dma_start3A_554 = arith.constant 0 : i32
    %dma_start3A_555 = tpu.memref_slice %arg10[%dma_start3A_547, %dma_start3A_554] : memref<250x80xi32, #tpu.memory_space<vmem>> -> memref<1x80xi32, #tpu.memory_space<vmem>>
    %dma_start3A_556 = tpu.memref_squeeze %dma_start3A_555 : memref<1x80xi32, #tpu.memory_space<vmem>> -> memref<80xi32, #tpu.memory_space<vmem>>
    %dma_start3A_557 = arith.constant 0 : i32
    %dma_start3A_558 = arith.constant 0 : i32
    %dma_start3A_559 = tpu.memref_slice %arg2[%add3A_410, %dma_start3A_557, %dma_start3A_558] : memref<4x10000x32xf32, #tpu.memory_space<hbm>> -> memref<1x10000x32xf32, #tpu.memory_space<hbm>>
    %dma_start3A_560 = tpu.memref_squeeze %dma_start3A_559 : memref<1x10000x32xf32, #tpu.memory_space<hbm>> -> memref<10000x32xf32, #tpu.memory_space<hbm>>
    %dma_start3A_561 = arith.constant 0 : i32
    %dma_start3A_562 = arith.constant 0 : i32
    %dma_start3A_563 = tpu.memref_slice %dma_start3A_560[%dma_start3A_561, %dma_start3A_562] : memref<10000x32xf32, #tpu.memory_space<hbm>> -> memref<10000x32xf32, #tpu.memory_space<hbm>>
    %dma_start3A_564 = tpu.memref_slice %arg16[%dma_start3A_549] : memref<12x!tpu.dma_semaphore, #tpu.memory_space<semaphore_mem>> -> memref<1x!tpu.dma_semaphore, #tpu.memory_space<semaphore_mem>>
    %dma_start3A_565 = tpu.memref_squeeze %dma_start3A_564 : memref<1x!tpu.dma_semaphore, #tpu.memory_space<semaphore_mem>> -> memref<!tpu.dma_semaphore, #tpu.memory_space<semaphore_mem>>
    tpu.enqueue_indirect_dma source(%dma_start3A_563 : memref<10000x32xf32, #tpu.memory_space<hbm>>) target(%dma_start3A_553 : memref<80x32xf32, #tpu.memory_space<vmem>>) offsets(%dma_start3A_556 : memref<80xi32, #tpu.memory_space<vmem>>) semaphore(%dma_start3A_565 : memref<!tpu.dma_semaphore, #tpu.memory_space<semaphore_mem>>)
    %dma_start3A_566 = arith.constant 8 : i32
    %dma_start3A_567 = arith.constant 8 : i32
    %dma_start3A_568 = arith.constant 8 : i32
    %dma_start3A_569 = arith.constant 0 : i32
    %dma_start3A_570 = arith.constant 0 : i32
    %dma_start3A_571 = tpu.memref_slice %arg12[%dma_start3A_567, %dma_start3A_569, %dma_start3A_570] : memref<12x80x32xf32, #tpu.memory_space<vmem>> -> memref<1x80x32xf32, #tpu.memory_space<vmem>>
    %dma_start3A_572 = tpu.memref_squeeze %dma_start3A_571 : memref<1x80x32xf32, #tpu.memory_space<vmem>> -> memref<80x32xf32, #tpu.memory_space<vmem>>
    %dma_start3A_573 = arith.constant 0 : i32
    %dma_start3A_574 = tpu.memref_slice %arg10[%dma_start3A_566, %dma_start3A_573] : memref<250x80xi32, #tpu.memory_space<vmem>> -> memref<1x80xi32, #tpu.memory_space<vmem>>
    %dma_start3A_575 = tpu.memref_squeeze %dma_start3A_574 : memref<1x80xi32, #tpu.memory_space<vmem>> -> memref<80xi32, #tpu.memory_space<vmem>>
    %dma_start3A_576 = arith.constant 0 : i32
    %dma_start3A_577 = arith.constant 0 : i32
    %dma_start3A_578 = tpu.memref_slice %arg2[%add3A_410, %dma_start3A_576, %dma_start3A_577] : memref<4x10000x32xf32, #tpu.memory_space<hbm>> -> memref<1x10000x32xf32, #tpu.memory_space<hbm>>
    %dma_start3A_579 = tpu.memref_squeeze %dma_start3A_578 : memref<1x10000x32xf32, #tpu.memory_space<hbm>> -> memref<10000x32xf32, #tpu.memory_space<hbm>>
    %dma_start3A_580 = arith.constant 0 : i32
    %dma_start3A_581 = arith.constant 0 : i32
    %dma_start3A_582 = tpu.memref_slice %dma_start3A_579[%dma_start3A_580, %dma_start3A_581] : memref<10000x32xf32, #tpu.memory_space<hbm>> -> memref<10000x32xf32, #tpu.memory_space<hbm>>
    %dma_start3A_583 = tpu.memref_slice %arg16[%dma_start3A_568] : memref<12x!tpu.dma_semaphore, #tpu.memory_space<semaphore_mem>> -> memref<1x!tpu.dma_semaphore, #tpu.memory_space<semaphore_mem>>
    %dma_start3A_584 = tpu.memref_squeeze %dma_start3A_583 : memref<1x!tpu.dma_semaphore, #tpu.memory_space<semaphore_mem>> -> memref<!tpu.dma_semaphore, #tpu.memory_space<semaphore_mem>>
    tpu.enqueue_indirect_dma source(%dma_start3A_582 : memref<10000x32xf32, #tpu.memory_space<hbm>>) target(%dma_start3A_572 : memref<80x32xf32, #tpu.memory_space<vmem>>) offsets(%dma_start3A_575 : memref<80xi32, #tpu.memory_space<vmem>>) semaphore(%dma_start3A_584 : memref<!tpu.dma_semaphore, #tpu.memory_space<semaphore_mem>>)
    %dma_start3A_585 = arith.constant 9 : i32
    %dma_start3A_586 = arith.constant 9 : i32
    %dma_start3A_587 = arith.constant 9 : i32
    %dma_start3A_588 = arith.constant 0 : i32
    %dma_start3A_589 = arith.constant 0 : i32
    %dma_start3A_590 = tpu.memref_slice %arg12[%dma_start3A_586, %dma_start3A_588, %dma_start3A_589] : memref<12x80x32xf32, #tpu.memory_space<vmem>> -> memref<1x80x32xf32, #tpu.memory_space<vmem>>
    %dma_start3A_591 = tpu.memref_squeeze %dma_start3A_590 : memref<1x80x32xf32, #tpu.memory_space<vmem>> -> memref<80x32xf32, #tpu.memory_space<vmem>>
    %dma_start3A_592 = arith.constant 0 : i32
    %dma_start3A_593 = tpu.memref_slice %arg10[%dma_start3A_585, %dma_start3A_592] : memref<250x80xi32, #tpu.memory_space<vmem>> -> memref<1x80xi32, #tpu.memory_space<vmem>>
    %dma_start3A_594 = tpu.memref_squeeze %dma_start3A_593 : memref<1x80xi32, #tpu.memory_space<vmem>> -> memref<80xi32, #tpu.memory_space<vmem>>
    %dma_start3A_595 = arith.constant 0 : i32
    %dma_start3A_596 = arith.constant 0 : i32
    %dma_start3A_597 = tpu.memref_slice %arg2[%add3A_410, %dma_start3A_595, %dma_start3A_596] : memref<4x10000x32xf32, #tpu.memory_space<hbm>> -> memref<1x10000x32xf32, #tpu.memory_space<hbm>>
    %dma_start3A_598 = tpu.memref_squeeze %dma_start3A_597 : memref<1x10000x32xf32, #tpu.memory_space<hbm>> -> memref<10000x32xf32, #tpu.memory_space<hbm>>
    %dma_start3A_599 = arith.constant 0 : i32
    %dma_start3A_600 = arith.constant 0 : i32
    %dma_start3A_601 = tpu.memref_slice %dma_start3A_598[%dma_start3A_599, %dma_start3A_600] : memref<10000x32xf32, #tpu.memory_space<hbm>> -> memref<10000x32xf32, #tpu.memory_space<hbm>>
    %dma_start3A_602 = tpu.memref_slice %arg16[%dma_start3A_587] : memref<12x!tpu.dma_semaphore, #tpu.memory_space<semaphore_mem>> -> memref<1x!tpu.dma_semaphore, #tpu.memory_space<semaphore_mem>>
    %dma_start3A_603 = tpu.memref_squeeze %dma_start3A_602 : memref<1x!tpu.dma_semaphore, #tpu.memory_space<semaphore_mem>> -> memref<!tpu.dma_semaphore, #tpu.memory_space<semaphore_mem>>
    tpu.enqueue_indirect_dma source(%dma_start3A_601 : memref<10000x32xf32, #tpu.memory_space<hbm>>) target(%dma_start3A_591 : memref<80x32xf32, #tpu.memory_space<vmem>>) offsets(%dma_start3A_594 : memref<80xi32, #tpu.memory_space<vmem>>) semaphore(%dma_start3A_603 : memref<!tpu.dma_semaphore, #tpu.memory_space<semaphore_mem>>)
    %dma_start3A_604 = arith.constant 10 : i32
    %dma_start3A_605 = arith.constant 10 : i32
    %dma_start3A_606 = arith.constant 10 : i32
    %dma_start3A_607 = arith.constant 0 : i32
    %dma_start3A_608 = arith.constant 0 : i32
    %dma_start3A_609 = tpu.memref_slice %arg12[%dma_start3A_605, %dma_start3A_607, %dma_start3A_608] : memref<12x80x32xf32, #tpu.memory_space<vmem>> -> memref<1x80x32xf32, #tpu.memory_space<vmem>>
    %dma_start3A_610 = tpu.memref_squeeze %dma_start3A_609 : memref<1x80x32xf32, #tpu.memory_space<vmem>> -> memref<80x32xf32, #tpu.memory_space<vmem>>
    %dma_start3A_611 = arith.constant 0 : i32
    %dma_start3A_612 = tpu.memref_slice %arg10[%dma_start3A_604, %dma_start3A_611] : memref<250x80xi32, #tpu.memory_space<vmem>> -> memref<1x80xi32, #tpu.memory_space<vmem>>
    %dma_start3A_613 = tpu.memref_squeeze %dma_start3A_612 : memref<1x80xi32, #tpu.memory_space<vmem>> -> memref<80xi32, #tpu.memory_space<vmem>>
    %dma_start3A_614 = arith.constant 0 : i32
    %dma_start3A_615 = arith.constant 0 : i32
    %dma_start3A_616 = tpu.memref_slice %arg2[%add3A_410, %dma_start3A_614, %dma_start3A_615] : memref<4x10000x32xf32, #tpu.memory_space<hbm>> -> memref<1x10000x32xf32, #tpu.memory_space<hbm>>
    %dma_start3A_617 = tpu.memref_squeeze %dma_start3A_616 : memref<1x10000x32xf32, #tpu.memory_space<hbm>> -> memref<10000x32xf32, #tpu.memory_space<hbm>>
    %dma_start3A_618 = arith.constant 0 : i32
    %dma_start3A_619 = arith.constant 0 : i32
    %dma_start3A_620 = tpu.memref_slice %dma_start3A_617[%dma_start3A_618, %dma_start3A_619] : memref<10000x32xf32, #tpu.memory_space<hbm>> -> memref<10000x32xf32, #tpu.memory_space<hbm>>
    %dma_start3A_621 = tpu.memref_slice %arg16[%dma_start3A_606] : memref<12x!tpu.dma_semaphore, #tpu.memory_space<semaphore_mem>> -> memref<1x!tpu.dma_semaphore, #tpu.memory_space<semaphore_mem>>
    %dma_start3A_622 = tpu.memref_squeeze %dma_start3A_621 : memref<1x!tpu.dma_semaphore, #tpu.memory_space<semaphore_mem>> -> memref<!tpu.dma_semaphore, #tpu.memory_space<semaphore_mem>>
    tpu.enqueue_indirect_dma source(%dma_start3A_620 : memref<10000x32xf32, #tpu.memory_space<hbm>>) target(%dma_start3A_610 : memref<80x32xf32, #tpu.memory_space<vmem>>) offsets(%dma_start3A_613 : memref<80xi32, #tpu.memory_space<vmem>>) semaphore(%dma_start3A_622 : memref<!tpu.dma_semaphore, #tpu.memory_space<semaphore_mem>>)
    %scan3A_623 = arith.constant 0 : i32
    %scan3A_624 = arith.constant 0 : i32
    %scan3A_625 = arith.constant 250 : i32
    %scan3A_626 = arith.addi %scan3A_624, %scan3A_625 : i32
    %scan3A_627 = arith.constant 1 : i32
    scf.for %scan3A_812 = %scan3A_624 to %scan3A_626 step %scan3A_627  : i32 {
      %add3A_813 = arith.constant 12 : i32
      %add3A_814 = arith.addi %scan3A_812, %add3A_813 : i32
      %sub3A = arith.constant 1 : i32
      %sub3A_815 = arith.subi %add3A_814, %sub3A : i32
      %lt3A = arith.constant 250 : i32
      %lt3A_816 = arith.cmpi slt, %sub3A_815, %lt3A : i32
      %convert_element_type3A = arith.extui %lt3A_816 : i1 to i32
      %cond3A = arith.constant 0 : i32
      %cond3A_817 = arith.cmpi ne, %convert_element_type3A, %cond3A : i32
      scf.if %cond3A_817 {
        %ge3A = arith.constant 1 : i32
        %ge3A_904 = arith.cmpi sge, %scan3A_812, %ge3A : i32
        %convert_element_type3A_905 = arith.extui %ge3A_904 : i1 to i32
        %cond3A_906 = arith.constant 0 : i32
        %cond3A_907 = arith.cmpi ne, %convert_element_type3A_905, %cond3A_906 : i32
        scf.if %cond3A_907 {
          %jit3A_956 = arith.constant 12 : i32
          %eq3A_957 = arith.constant 0 : i32
          %eq3A_958 = arith.cmpi eq, %jit3A_956, %eq3A_957 : i32
          %jit3A_959 = arith.constant 1 : i32
          %select_n3A_960 = arith.select %eq3A_958, %jit3A_959, %jit3A_956 : i32
          %rem3A_961 = arith.remsi %sub3A_815, %select_n3A_960 : i32
          %ne3A_962 = arith.constant 0 : i32
          %ne3A_963 = arith.cmpi ne, %rem3A_961, %ne3A_962 : i32
          %lt3A_964 = arith.constant 0 : i32
          %lt3A_965 = arith.cmpi slt, %rem3A_961, %lt3A_964 : i32
          %lt3A_966 = arith.constant 0 : i32
          %lt3A_967 = arith.cmpi slt, %select_n3A_960, %lt3A_966 : i32
          %ne3A_968 = arith.xori %lt3A_965, %lt3A_967 : i1
          %and3A_969 = arith.andi %ne3A_968, %ne3A_963 : i1
          %add3A_970 = arith.addi %rem3A_961, %select_n3A_960 : i32
          %select_n3A_971 = arith.select %and3A_969, %add3A_970, %rem3A_961 : i32
          %sub3A_972 = arith.constant 1 : i32
          %sub3A_973 = arith.subi %scan3A_812, %sub3A_972 : i32
          %jit3A_974 = arith.constant 12 : i32
          %eq3A_975 = arith.constant 0 : i32
          %eq3A_976 = arith.cmpi eq, %jit3A_974, %eq3A_975 : i32
          %jit3A_977 = arith.constant 1 : i32
          %select_n3A_978 = arith.select %eq3A_976, %jit3A_977, %jit3A_974 : i32
          %rem3A_979 = arith.remsi %sub3A_815, %select_n3A_978 : i32
          %ne3A_980 = arith.constant 0 : i32
          %ne3A_981 = arith.cmpi ne, %rem3A_979, %ne3A_980 : i32
          %lt3A_982 = arith.constant 0 : i32
          %lt3A_983 = arith.cmpi slt, %rem3A_979, %lt3A_982 : i32
          %lt3A_984 = arith.constant 0 : i32
          %lt3A_985 = arith.cmpi slt, %select_n3A_978, %lt3A_984 : i32
          %ne3A_986 = arith.xori %lt3A_983, %lt3A_985 : i1
          %and3A_987 = arith.andi %ne3A_986, %ne3A_981 : i1
          %add3A_988 = arith.addi %rem3A_979, %select_n3A_978 : i32
          %select_n3A_989 = arith.select %and3A_987, %add3A_988, %rem3A_979 : i32
          %dma_wait3A_990 = arith.constant 0 : i32
          %dma_wait3A_991 = arith.constant 0 : i32
          %dma_wait3A_992 = tpu.memref_slice %arg12[%select_n3A_971, %dma_wait3A_990, %dma_wait3A_991] : memref<12x80x32xf32, #tpu.memory_space<vmem>> -> memref<1x80x32xf32, #tpu.memory_space<vmem>>
          %dma_wait3A_993 = tpu.memref_squeeze %dma_wait3A_992 : memref<1x80x32xf32, #tpu.memory_space<vmem>> -> memref<80x32xf32, #tpu.memory_space<vmem>>
          %dma_wait3A_994 = arith.constant 0 : i32
          %dma_wait3A_995 = tpu.memref_slice %arg11[%sub3A_973, %dma_wait3A_994] : memref<250x80xi32, #tpu.memory_space<vmem>> -> memref<1x80xi32, #tpu.memory_space<vmem>>
          %dma_wait3A_996 = tpu.memref_squeeze %dma_wait3A_995 : memref<1x80xi32, #tpu.memory_space<vmem>> -> memref<80xi32, #tpu.memory_space<vmem>>
          %dma_wait3A_997 = arith.constant 0 : i32
          %dma_wait3A_998 = arith.constant 0 : i32
          %dma_wait3A_999 = tpu.memref_slice %arg14[%dma_wait3A_997, %dma_wait3A_998] : memref<20000x32xf32, #tpu.memory_space<vmem_shared>> -> memref<20000x32xf32, #tpu.memory_space<vmem_shared>>
          %dma_wait3A_1000 = tpu.memref_slice %arg17[%select_n3A_989] : memref<12x!tpu.dma_semaphore, #tpu.memory_space<semaphore_mem>> -> memref<1x!tpu.dma_semaphore, #tpu.memory_space<semaphore_mem>>
          %dma_wait3A_1001 = tpu.memref_squeeze %dma_wait3A_1000 : memref<1x!tpu.dma_semaphore, #tpu.memory_space<semaphore_mem>> -> memref<!tpu.dma_semaphore, #tpu.memory_space<semaphore_mem>>
          tpu.wait_indirect_dma semaphore(%dma_wait3A_1001 : memref<!tpu.dma_semaphore, #tpu.memory_space<semaphore_mem>>) src(%dma_wait3A_993 : memref<80x32xf32, #tpu.memory_space<vmem>>) dst(%dma_wait3A_999 : memref<20000x32xf32, #tpu.memory_space<vmem_shared>>)
        } else {
        }
        %jit3A_908 = arith.constant 12 : i32
        %eq3A_909 = arith.constant 0 : i32
        %eq3A_910 = arith.cmpi eq, %jit3A_908, %eq3A_909 : i32
        %jit3A_911 = arith.constant 1 : i32
        %select_n3A_912 = arith.select %eq3A_910, %jit3A_911, %jit3A_908 : i32
        %rem3A_913 = arith.remsi %sub3A_815, %select_n3A_912 : i32
        %ne3A_914 = arith.constant 0 : i32
        %ne3A_915 = arith.cmpi ne, %rem3A_913, %ne3A_914 : i32
        %lt3A_916 = arith.constant 0 : i32
        %lt3A_917 = arith.cmpi slt, %rem3A_913, %lt3A_916 : i32
        %lt3A_918 = arith.constant 0 : i32
        %lt3A_919 = arith.cmpi slt, %select_n3A_912, %lt3A_918 : i32
        %ne3A_920 = arith.xori %lt3A_917, %lt3A_919 : i1
        %and3A_921 = arith.andi %ne3A_920, %ne3A_915 : i1
        %add3A_922 = arith.addi %rem3A_913, %select_n3A_912 : i32
        %select_n3A_923 = arith.select %and3A_921, %add3A_922, %rem3A_913 : i32
        %jit3A_924 = arith.constant 12 : i32
        %eq3A_925 = arith.constant 0 : i32
        %eq3A_926 = arith.cmpi eq, %jit3A_924, %eq3A_925 : i32
        %jit3A_927 = arith.constant 1 : i32
        %select_n3A_928 = arith.select %eq3A_926, %jit3A_927, %jit3A_924 : i32
        %rem3A_929 = arith.remsi %sub3A_815, %select_n3A_928 : i32
        %ne3A_930 = arith.constant 0 : i32
        %ne3A_931 = arith.cmpi ne, %rem3A_929, %ne3A_930 : i32
        %lt3A_932 = arith.constant 0 : i32
        %lt3A_933 = arith.cmpi slt, %rem3A_929, %lt3A_932 : i32
        %lt3A_934 = arith.constant 0 : i32
        %lt3A_935 = arith.cmpi slt, %select_n3A_928, %lt3A_934 : i32
        %ne3A_936 = arith.xori %lt3A_933, %lt3A_935 : i1
        %and3A_937 = arith.andi %ne3A_936, %ne3A_931 : i1
        %add3A_938 = arith.addi %rem3A_929, %select_n3A_928 : i32
        %select_n3A_939 = arith.select %and3A_937, %add3A_938, %rem3A_929 : i32
        %dma_start3A_940 = arith.constant 0 : i32
        %dma_start3A_941 = arith.constant 0 : i32
        %dma_start3A_942 = tpu.memref_slice %arg12[%select_n3A_923, %dma_start3A_940, %dma_start3A_941] : memref<12x80x32xf32, #tpu.memory_space<vmem>> -> memref<1x80x32xf32, #tpu.memory_space<vmem>>
        %dma_start3A_943 = tpu.memref_squeeze %dma_start3A_942 : memref<1x80x32xf32, #tpu.memory_space<vmem>> -> memref<80x32xf32, #tpu.memory_space<vmem>>
        %dma_start3A_944 = arith.constant 0 : i32
        %dma_start3A_945 = tpu.memref_slice %arg10[%sub3A_815, %dma_start3A_944] : memref<250x80xi32, #tpu.memory_space<vmem>> -> memref<1x80xi32, #tpu.memory_space<vmem>>
        %dma_start3A_946 = tpu.memref_squeeze %dma_start3A_945 : memref<1x80xi32, #tpu.memory_space<vmem>> -> memref<80xi32, #tpu.memory_space<vmem>>
        %dma_start3A_947 = arith.constant 0 : i32
        %dma_start3A_948 = arith.constant 0 : i32
        %dma_start3A_949 = tpu.memref_slice %arg2[%add3A_410, %dma_start3A_947, %dma_start3A_948] : memref<4x10000x32xf32, #tpu.memory_space<hbm>> -> memref<1x10000x32xf32, #tpu.memory_space<hbm>>
        %dma_start3A_950 = tpu.memref_squeeze %dma_start3A_949 : memref<1x10000x32xf32, #tpu.memory_space<hbm>> -> memref<10000x32xf32, #tpu.memory_space<hbm>>
        %dma_start3A_951 = arith.constant 0 : i32
        %dma_start3A_952 = arith.constant 0 : i32
        %dma_start3A_953 = tpu.memref_slice %dma_start3A_950[%dma_start3A_951, %dma_start3A_952] : memref<10000x32xf32, #tpu.memory_space<hbm>> -> memref<10000x32xf32, #tpu.memory_space<hbm>>
        %dma_start3A_954 = tpu.memref_slice %arg16[%select_n3A_939] : memref<12x!tpu.dma_semaphore, #tpu.memory_space<semaphore_mem>> -> memref<1x!tpu.dma_semaphore, #tpu.memory_space<semaphore_mem>>
        %dma_start3A_955 = tpu.memref_squeeze %dma_start3A_954 : memref<1x!tpu.dma_semaphore, #tpu.memory_space<semaphore_mem>> -> memref<!tpu.dma_semaphore, #tpu.memory_space<semaphore_mem>>
        tpu.enqueue_indirect_dma source(%dma_start3A_953 : memref<10000x32xf32, #tpu.memory_space<hbm>>) target(%dma_start3A_943 : memref<80x32xf32, #tpu.memory_space<vmem>>) offsets(%dma_start3A_946 : memref<80xi32, #tpu.memory_space<vmem>>) semaphore(%dma_start3A_955 : memref<!tpu.dma_semaphore, #tpu.memory_space<semaphore_mem>>)
      } else {
      }
      %jit3A = arith.constant 12 : i32
      %eq3A = arith.constant 0 : i32
      %eq3A_818 = arith.cmpi eq, %jit3A, %eq3A : i32
      %jit3A_819 = arith.constant 1 : i32
      %select_n3A = arith.select %eq3A_818, %jit3A_819, %jit3A : i32
      %rem3A = arith.remsi %scan3A_812, %select_n3A : i32
      %ne3A = arith.constant 0 : i32
      %ne3A_820 = arith.cmpi ne, %rem3A, %ne3A : i32
      %lt3A_821 = arith.constant 0 : i32
      %lt3A_822 = arith.cmpi slt, %rem3A, %lt3A_821 : i32
      %lt3A_823 = arith.constant 0 : i32
      %lt3A_824 = arith.cmpi slt, %select_n3A, %lt3A_823 : i32
      %ne3A_825 = arith.xori %lt3A_822, %lt3A_824 : i1
      %and3A = arith.andi %ne3A_825, %ne3A_820 : i1
      %add3A_826 = arith.addi %rem3A, %select_n3A : i32
      %select_n3A_827 = arith.select %and3A, %add3A_826, %rem3A : i32
      %jit3A_828 = arith.constant 12 : i32
      %eq3A_829 = arith.constant 0 : i32
      %eq3A_830 = arith.cmpi eq, %jit3A_828, %eq3A_829 : i32
      %jit3A_831 = arith.constant 1 : i32
      %select_n3A_832 = arith.select %eq3A_830, %jit3A_831, %jit3A_828 : i32
      %rem3A_833 = arith.remsi %scan3A_812, %select_n3A_832 : i32
      %ne3A_834 = arith.constant 0 : i32
      %ne3A_835 = arith.cmpi ne, %rem3A_833, %ne3A_834 : i32
      %lt3A_836 = arith.constant 0 : i32
      %lt3A_837 = arith.cmpi slt, %rem3A_833, %lt3A_836 : i32
      %lt3A_838 = arith.constant 0 : i32
      %lt3A_839 = arith.cmpi slt, %select_n3A_832, %lt3A_838 : i32
      %ne3A_840 = arith.xori %lt3A_837, %lt3A_839 : i1
      %and3A_841 = arith.andi %ne3A_840, %ne3A_835 : i1
      %add3A_842 = arith.addi %rem3A_833, %select_n3A_832 : i32
      %select_n3A_843 = arith.select %and3A_841, %add3A_842, %rem3A_833 : i32
      %dma_wait3A_844 = arith.constant 0 : i32
      %dma_wait3A_845 = arith.constant 0 : i32
      %dma_wait3A_846 = tpu.memref_slice %arg12[%select_n3A_827, %dma_wait3A_844, %dma_wait3A_845] : memref<12x80x32xf32, #tpu.memory_space<vmem>> -> memref<1x80x32xf32, #tpu.memory_space<vmem>>
      %dma_wait3A_847 = tpu.memref_squeeze %dma_wait3A_846 : memref<1x80x32xf32, #tpu.memory_space<vmem>> -> memref<80x32xf32, #tpu.memory_space<vmem>>
      %dma_wait3A_848 = arith.constant 0 : i32
      %dma_wait3A_849 = tpu.memref_slice %arg10[%scan3A_812, %dma_wait3A_848] : memref<250x80xi32, #tpu.memory_space<vmem>> -> memref<1x80xi32, #tpu.memory_space<vmem>>
      %dma_wait3A_850 = tpu.memref_squeeze %dma_wait3A_849 : memref<1x80xi32, #tpu.memory_space<vmem>> -> memref<80xi32, #tpu.memory_space<vmem>>
      %dma_wait3A_851 = arith.constant 0 : i32
      %dma_wait3A_852 = arith.constant 0 : i32
      %dma_wait3A_853 = tpu.memref_slice %arg2[%add3A_410, %dma_wait3A_851, %dma_wait3A_852] : memref<4x10000x32xf32, #tpu.memory_space<hbm>> -> memref<1x10000x32xf32, #tpu.memory_space<hbm>>
      %dma_wait3A_854 = tpu.memref_squeeze %dma_wait3A_853 : memref<1x10000x32xf32, #tpu.memory_space<hbm>> -> memref<10000x32xf32, #tpu.memory_space<hbm>>
      %dma_wait3A_855 = arith.constant 0 : i32
      %dma_wait3A_856 = arith.constant 0 : i32
      %dma_wait3A_857 = tpu.memref_slice %dma_wait3A_854[%dma_wait3A_855, %dma_wait3A_856] : memref<10000x32xf32, #tpu.memory_space<hbm>> -> memref<10000x32xf32, #tpu.memory_space<hbm>>
      %dma_wait3A_858 = tpu.memref_slice %arg16[%select_n3A_843] : memref<12x!tpu.dma_semaphore, #tpu.memory_space<semaphore_mem>> -> memref<1x!tpu.dma_semaphore, #tpu.memory_space<semaphore_mem>>
      %dma_wait3A_859 = tpu.memref_squeeze %dma_wait3A_858 : memref<1x!tpu.dma_semaphore, #tpu.memory_space<semaphore_mem>> -> memref<!tpu.dma_semaphore, #tpu.memory_space<semaphore_mem>>
      tpu.wait_indirect_dma semaphore(%dma_wait3A_859 : memref<!tpu.dma_semaphore, #tpu.memory_space<semaphore_mem>>) src(%dma_wait3A_857 : memref<10000x32xf32, #tpu.memory_space<hbm>>) dst(%dma_wait3A_847 : memref<80x32xf32, #tpu.memory_space<vmem>>)
      %jit3A_860 = arith.constant 12 : i32
      %eq3A_861 = arith.constant 0 : i32
      %eq3A_862 = arith.cmpi eq, %jit3A_860, %eq3A_861 : i32
      %jit3A_863 = arith.constant 1 : i32
      %select_n3A_864 = arith.select %eq3A_862, %jit3A_863, %jit3A_860 : i32
      %rem3A_865 = arith.remsi %scan3A_812, %select_n3A_864 : i32
      %ne3A_866 = arith.constant 0 : i32
      %ne3A_867 = arith.cmpi ne, %rem3A_865, %ne3A_866 : i32
      %lt3A_868 = arith.constant 0 : i32
      %lt3A_869 = arith.cmpi slt, %rem3A_865, %lt3A_868 : i32
      %lt3A_870 = arith.constant 0 : i32
      %lt3A_871 = arith.cmpi slt, %select_n3A_864, %lt3A_870 : i32
      %ne3A_872 = arith.xori %lt3A_869, %lt3A_871 : i1
      %and3A_873 = arith.andi %ne3A_872, %ne3A_867 : i1
      %add3A_874 = arith.addi %rem3A_865, %select_n3A_864 : i32
      %select_n3A_875 = arith.select %and3A_873, %add3A_874, %rem3A_865 : i32
      %jit3A_876 = arith.constant 12 : i32
      %eq3A_877 = arith.constant 0 : i32
      %eq3A_878 = arith.cmpi eq, %jit3A_876, %eq3A_877 : i32
      %jit3A_879 = arith.constant 1 : i32
      %select_n3A_880 = arith.select %eq3A_878, %jit3A_879, %jit3A_876 : i32
      %rem3A_881 = arith.remsi %scan3A_812, %select_n3A_880 : i32
      %ne3A_882 = arith.constant 0 : i32
      %ne3A_883 = arith.cmpi ne, %rem3A_881, %ne3A_882 : i32
      %lt3A_884 = arith.constant 0 : i32
      %lt3A_885 = arith.cmpi slt, %rem3A_881, %lt3A_884 : i32
      %lt3A_886 = arith.constant 0 : i32
      %lt3A_887 = arith.cmpi slt, %select_n3A_880, %lt3A_886 : i32
      %ne3A_888 = arith.xori %lt3A_885, %lt3A_887 : i1
      %and3A_889 = arith.andi %ne3A_888, %ne3A_883 : i1
      %add3A_890 = arith.addi %rem3A_881, %select_n3A_880 : i32
      %select_n3A_891 = arith.select %and3A_889, %add3A_890, %rem3A_881 : i32
      %dma_start3A_892 = arith.constant 0 : i32
      %dma_start3A_893 = arith.constant 0 : i32
      %dma_start3A_894 = tpu.memref_slice %arg12[%select_n3A_875, %dma_start3A_892, %dma_start3A_893] : memref<12x80x32xf32, #tpu.memory_space<vmem>> -> memref<1x80x32xf32, #tpu.memory_space<vmem>>
      %dma_start3A_895 = tpu.memref_squeeze %dma_start3A_894 : memref<1x80x32xf32, #tpu.memory_space<vmem>> -> memref<80x32xf32, #tpu.memory_space<vmem>>
      %dma_start3A_896 = arith.constant 0 : i32
      %dma_start3A_897 = tpu.memref_slice %arg11[%scan3A_812, %dma_start3A_896] : memref<250x80xi32, #tpu.memory_space<vmem>> -> memref<1x80xi32, #tpu.memory_space<vmem>>
      %dma_start3A_898 = tpu.memref_squeeze %dma_start3A_897 : memref<1x80xi32, #tpu.memory_space<vmem>> -> memref<80xi32, #tpu.memory_space<vmem>>
      %dma_start3A_899 = arith.constant 0 : i32
      %dma_start3A_900 = arith.constant 0 : i32
      %dma_start3A_901 = tpu.memref_slice %arg14[%dma_start3A_899, %dma_start3A_900] : memref<20000x32xf32, #tpu.memory_space<vmem_shared>> -> memref<20000x32xf32, #tpu.memory_space<vmem_shared>>
      %dma_start3A_902 = tpu.memref_slice %arg17[%select_n3A_891] : memref<12x!tpu.dma_semaphore, #tpu.memory_space<semaphore_mem>> -> memref<1x!tpu.dma_semaphore, #tpu.memory_space<semaphore_mem>>
      %dma_start3A_903 = tpu.memref_squeeze %dma_start3A_902 : memref<1x!tpu.dma_semaphore, #tpu.memory_space<semaphore_mem>> -> memref<!tpu.dma_semaphore, #tpu.memory_space<semaphore_mem>>
      tpu.enqueue_indirect_dma source(%dma_start3A_895 : memref<80x32xf32, #tpu.memory_space<vmem>>) target(%dma_start3A_901 : memref<20000x32xf32, #tpu.memory_space<vmem_shared>>) offsets(%dma_start3A_898 : memref<80xi32, #tpu.memory_space<vmem>>) semaphore(%dma_start3A_903 : memref<!tpu.dma_semaphore, #tpu.memory_space<semaphore_mem>>) {add = true}
    }
    %scan3A_628 = arith.constant 250 : i32
    %dma_wait3A_629 = arith.constant 0 : i32
    %dma_wait3A_630 = arith.constant 249 : i32
    %dma_wait3A_631 = arith.constant 0 : i32
    %dma_wait3A_632 = arith.constant 0 : i32
    %dma_wait3A_633 = arith.constant 0 : i32
    %dma_wait3A_634 = tpu.memref_slice %arg12[%dma_wait3A_629, %dma_wait3A_632, %dma_wait3A_633] : memref<12x80x32xf32, #tpu.memory_space<vmem>> -> memref<1x80x32xf32, #tpu.memory_space<vmem>>
    %dma_wait3A_635 = tpu.memref_squeeze %dma_wait3A_634 : memref<1x80x32xf32, #tpu.memory_space<vmem>> -> memref<80x32xf32, #tpu.memory_space<vmem>>
    %dma_wait3A_636 = arith.constant 0 : i32
    %dma_wait3A_637 = tpu.memref_slice %arg11[%dma_wait3A_630, %dma_wait3A_636] : memref<250x80xi32, #tpu.memory_space<vmem>> -> memref<1x80xi32, #tpu.memory_space<vmem>>
    %dma_wait3A_638 = tpu.memref_squeeze %dma_wait3A_637 : memref<1x80xi32, #tpu.memory_space<vmem>> -> memref<80xi32, #tpu.memory_space<vmem>>
    %dma_wait3A_639 = arith.constant 0 : i32
    %dma_wait3A_640 = arith.constant 0 : i32
    %dma_wait3A_641 = tpu.memref_slice %arg14[%dma_wait3A_639, %dma_wait3A_640] : memref<20000x32xf32, #tpu.memory_space<vmem_shared>> -> memref<20000x32xf32, #tpu.memory_space<vmem_shared>>
    %dma_wait3A_642 = tpu.memref_slice %arg17[%dma_wait3A_631] : memref<12x!tpu.dma_semaphore, #tpu.memory_space<semaphore_mem>> -> memref<1x!tpu.dma_semaphore, #tpu.memory_space<semaphore_mem>>
    %dma_wait3A_643 = tpu.memref_squeeze %dma_wait3A_642 : memref<1x!tpu.dma_semaphore, #tpu.memory_space<semaphore_mem>> -> memref<!tpu.dma_semaphore, #tpu.memory_space<semaphore_mem>>
    tpu.wait_indirect_dma semaphore(%dma_wait3A_643 : memref<!tpu.dma_semaphore, #tpu.memory_space<semaphore_mem>>) src(%dma_wait3A_635 : memref<80x32xf32, #tpu.memory_space<vmem>>) dst(%dma_wait3A_641 : memref<20000x32xf32, #tpu.memory_space<vmem_shared>>)
    %dma_wait3A_644 = arith.constant 1 : i32
    %dma_wait3A_645 = arith.constant 249 : i32
    %dma_wait3A_646 = arith.constant 1 : i32
    %dma_wait3A_647 = arith.constant 0 : i32
    %dma_wait3A_648 = arith.constant 0 : i32
    %dma_wait3A_649 = tpu.memref_slice %arg12[%dma_wait3A_644, %dma_wait3A_647, %dma_wait3A_648] : memref<12x80x32xf32, #tpu.memory_space<vmem>> -> memref<1x80x32xf32, #tpu.memory_space<vmem>>
    %dma_wait3A_650 = tpu.memref_squeeze %dma_wait3A_649 : memref<1x80x32xf32, #tpu.memory_space<vmem>> -> memref<80x32xf32, #tpu.memory_space<vmem>>
    %dma_wait3A_651 = arith.constant 0 : i32
    %dma_wait3A_652 = tpu.memref_slice %arg11[%dma_wait3A_645, %dma_wait3A_651] : memref<250x80xi32, #tpu.memory_space<vmem>> -> memref<1x80xi32, #tpu.memory_space<vmem>>
    %dma_wait3A_653 = tpu.memref_squeeze %dma_wait3A_652 : memref<1x80xi32, #tpu.memory_space<vmem>> -> memref<80xi32, #tpu.memory_space<vmem>>
    %dma_wait3A_654 = arith.constant 0 : i32
    %dma_wait3A_655 = arith.constant 0 : i32
    %dma_wait3A_656 = tpu.memref_slice %arg14[%dma_wait3A_654, %dma_wait3A_655] : memref<20000x32xf32, #tpu.memory_space<vmem_shared>> -> memref<20000x32xf32, #tpu.memory_space<vmem_shared>>
    %dma_wait3A_657 = tpu.memref_slice %arg17[%dma_wait3A_646] : memref<12x!tpu.dma_semaphore, #tpu.memory_space<semaphore_mem>> -> memref<1x!tpu.dma_semaphore, #tpu.memory_space<semaphore_mem>>
    %dma_wait3A_658 = tpu.memref_squeeze %dma_wait3A_657 : memref<1x!tpu.dma_semaphore, #tpu.memory_space<semaphore_mem>> -> memref<!tpu.dma_semaphore, #tpu.memory_space<semaphore_mem>>
    tpu.wait_indirect_dma semaphore(%dma_wait3A_658 : memref<!tpu.dma_semaphore, #tpu.memory_space<semaphore_mem>>) src(%dma_wait3A_650 : memref<80x32xf32, #tpu.memory_space<vmem>>) dst(%dma_wait3A_656 : memref<20000x32xf32, #tpu.memory_space<vmem_shared>>)
    %dma_wait3A_659 = arith.constant 2 : i32
    %dma_wait3A_660 = arith.constant 249 : i32
    %dma_wait3A_661 = arith.constant 2 : i32
    %dma_wait3A_662 = arith.constant 0 : i32
    %dma_wait3A_663 = arith.constant 0 : i32
    %dma_wait3A_664 = tpu.memref_slice %arg12[%dma_wait3A_659, %dma_wait3A_662, %dma_wait3A_663] : memref<12x80x32xf32, #tpu.memory_space<vmem>> -> memref<1x80x32xf32, #tpu.memory_space<vmem>>
    %dma_wait3A_665 = tpu.memref_squeeze %dma_wait3A_664 : memref<1x80x32xf32, #tpu.memory_space<vmem>> -> memref<80x32xf32, #tpu.memory_space<vmem>>
    %dma_wait3A_666 = arith.constant 0 : i32
    %dma_wait3A_667 = tpu.memref_slice %arg11[%dma_wait3A_660, %dma_wait3A_666] : memref<250x80xi32, #tpu.memory_space<vmem>> -> memref<1x80xi32, #tpu.memory_space<vmem>>
    %dma_wait3A_668 = tpu.memref_squeeze %dma_wait3A_667 : memref<1x80xi32, #tpu.memory_space<vmem>> -> memref<80xi32, #tpu.memory_space<vmem>>
    %dma_wait3A_669 = arith.constant 0 : i32
    %dma_wait3A_670 = arith.constant 0 : i32
    %dma_wait3A_671 = tpu.memref_slice %arg14[%dma_wait3A_669, %dma_wait3A_670] : memref<20000x32xf32, #tpu.memory_space<vmem_shared>> -> memref<20000x32xf32, #tpu.memory_space<vmem_shared>>
    %dma_wait3A_672 = tpu.memref_slice %arg17[%dma_wait3A_661] : memref<12x!tpu.dma_semaphore, #tpu.memory_space<semaphore_mem>> -> memref<1x!tpu.dma_semaphore, #tpu.memory_space<semaphore_mem>>
    %dma_wait3A_673 = tpu.memref_squeeze %dma_wait3A_672 : memref<1x!tpu.dma_semaphore, #tpu.memory_space<semaphore_mem>> -> memref<!tpu.dma_semaphore, #tpu.memory_space<semaphore_mem>>
    tpu.wait_indirect_dma semaphore(%dma_wait3A_673 : memref<!tpu.dma_semaphore, #tpu.memory_space<semaphore_mem>>) src(%dma_wait3A_665 : memref<80x32xf32, #tpu.memory_space<vmem>>) dst(%dma_wait3A_671 : memref<20000x32xf32, #tpu.memory_space<vmem_shared>>)
    %dma_wait3A_674 = arith.constant 3 : i32
    %dma_wait3A_675 = arith.constant 249 : i32
    %dma_wait3A_676 = arith.constant 3 : i32
    %dma_wait3A_677 = arith.constant 0 : i32
    %dma_wait3A_678 = arith.constant 0 : i32
    %dma_wait3A_679 = tpu.memref_slice %arg12[%dma_wait3A_674, %dma_wait3A_677, %dma_wait3A_678] : memref<12x80x32xf32, #tpu.memory_space<vmem>> -> memref<1x80x32xf32, #tpu.memory_space<vmem>>
    %dma_wait3A_680 = tpu.memref_squeeze %dma_wait3A_679 : memref<1x80x32xf32, #tpu.memory_space<vmem>> -> memref<80x32xf32, #tpu.memory_space<vmem>>
    %dma_wait3A_681 = arith.constant 0 : i32
    %dma_wait3A_682 = tpu.memref_slice %arg11[%dma_wait3A_675, %dma_wait3A_681] : memref<250x80xi32, #tpu.memory_space<vmem>> -> memref<1x80xi32, #tpu.memory_space<vmem>>
    %dma_wait3A_683 = tpu.memref_squeeze %dma_wait3A_682 : memref<1x80xi32, #tpu.memory_space<vmem>> -> memref<80xi32, #tpu.memory_space<vmem>>
    %dma_wait3A_684 = arith.constant 0 : i32
    %dma_wait3A_685 = arith.constant 0 : i32
    %dma_wait3A_686 = tpu.memref_slice %arg14[%dma_wait3A_684, %dma_wait3A_685] : memref<20000x32xf32, #tpu.memory_space<vmem_shared>> -> memref<20000x32xf32, #tpu.memory_space<vmem_shared>>
    %dma_wait3A_687 = tpu.memref_slice %arg17[%dma_wait3A_676] : memref<12x!tpu.dma_semaphore, #tpu.memory_space<semaphore_mem>> -> memref<1x!tpu.dma_semaphore, #tpu.memory_space<semaphore_mem>>
    %dma_wait3A_688 = tpu.memref_squeeze %dma_wait3A_687 : memref<1x!tpu.dma_semaphore, #tpu.memory_space<semaphore_mem>> -> memref<!tpu.dma_semaphore, #tpu.memory_space<semaphore_mem>>
    tpu.wait_indirect_dma semaphore(%dma_wait3A_688 : memref<!tpu.dma_semaphore, #tpu.memory_space<semaphore_mem>>) src(%dma_wait3A_680 : memref<80x32xf32, #tpu.memory_space<vmem>>) dst(%dma_wait3A_686 : memref<20000x32xf32, #tpu.memory_space<vmem_shared>>)
    %dma_wait3A_689 = arith.constant 4 : i32
    %dma_wait3A_690 = arith.constant 249 : i32
    %dma_wait3A_691 = arith.constant 4 : i32
    %dma_wait3A_692 = arith.constant 0 : i32
    %dma_wait3A_693 = arith.constant 0 : i32
    %dma_wait3A_694 = tpu.memref_slice %arg12[%dma_wait3A_689, %dma_wait3A_692, %dma_wait3A_693] : memref<12x80x32xf32, #tpu.memory_space<vmem>> -> memref<1x80x32xf32, #tpu.memory_space<vmem>>
    %dma_wait3A_695 = tpu.memref_squeeze %dma_wait3A_694 : memref<1x80x32xf32, #tpu.memory_space<vmem>> -> memref<80x32xf32, #tpu.memory_space<vmem>>
    %dma_wait3A_696 = arith.constant 0 : i32
    %dma_wait3A_697 = tpu.memref_slice %arg11[%dma_wait3A_690, %dma_wait3A_696] : memref<250x80xi32, #tpu.memory_space<vmem>> -> memref<1x80xi32, #tpu.memory_space<vmem>>
    %dma_wait3A_698 = tpu.memref_squeeze %dma_wait3A_697 : memref<1x80xi32, #tpu.memory_space<vmem>> -> memref<80xi32, #tpu.memory_space<vmem>>
    %dma_wait3A_699 = arith.constant 0 : i32
    %dma_wait3A_700 = arith.constant 0 : i32
    %dma_wait3A_701 = tpu.memref_slice %arg14[%dma_wait3A_699, %dma_wait3A_700] : memref<20000x32xf32, #tpu.memory_space<vmem_shared>> -> memref<20000x32xf32, #tpu.memory_space<vmem_shared>>
    %dma_wait3A_702 = tpu.memref_slice %arg17[%dma_wait3A_691] : memref<12x!tpu.dma_semaphore, #tpu.memory_space<semaphore_mem>> -> memref<1x!tpu.dma_semaphore, #tpu.memory_space<semaphore_mem>>
    %dma_wait3A_703 = tpu.memref_squeeze %dma_wait3A_702 : memref<1x!tpu.dma_semaphore, #tpu.memory_space<semaphore_mem>> -> memref<!tpu.dma_semaphore, #tpu.memory_space<semaphore_mem>>
    tpu.wait_indirect_dma semaphore(%dma_wait3A_703 : memref<!tpu.dma_semaphore, #tpu.memory_space<semaphore_mem>>) src(%dma_wait3A_695 : memref<80x32xf32, #tpu.memory_space<vmem>>) dst(%dma_wait3A_701 : memref<20000x32xf32, #tpu.memory_space<vmem_shared>>)
    %dma_wait3A_704 = arith.constant 5 : i32
    %dma_wait3A_705 = arith.constant 249 : i32
    %dma_wait3A_706 = arith.constant 5 : i32
    %dma_wait3A_707 = arith.constant 0 : i32
    %dma_wait3A_708 = arith.constant 0 : i32
    %dma_wait3A_709 = tpu.memref_slice %arg12[%dma_wait3A_704, %dma_wait3A_707, %dma_wait3A_708] : memref<12x80x32xf32, #tpu.memory_space<vmem>> -> memref<1x80x32xf32, #tpu.memory_space<vmem>>
    %dma_wait3A_710 = tpu.memref_squeeze %dma_wait3A_709 : memref<1x80x32xf32, #tpu.memory_space<vmem>> -> memref<80x32xf32, #tpu.memory_space<vmem>>
    %dma_wait3A_711 = arith.constant 0 : i32
    %dma_wait3A_712 = tpu.memref_slice %arg11[%dma_wait3A_705, %dma_wait3A_711] : memref<250x80xi32, #tpu.memory_space<vmem>> -> memref<1x80xi32, #tpu.memory_space<vmem>>
    %dma_wait3A_713 = tpu.memref_squeeze %dma_wait3A_712 : memref<1x80xi32, #tpu.memory_space<vmem>> -> memref<80xi32, #tpu.memory_space<vmem>>
    %dma_wait3A_714 = arith.constant 0 : i32
    %dma_wait3A_715 = arith.constant 0 : i32
    %dma_wait3A_716 = tpu.memref_slice %arg14[%dma_wait3A_714, %dma_wait3A_715] : memref<20000x32xf32, #tpu.memory_space<vmem_shared>> -> memref<20000x32xf32, #tpu.memory_space<vmem_shared>>
    %dma_wait3A_717 = tpu.memref_slice %arg17[%dma_wait3A_706] : memref<12x!tpu.dma_semaphore, #tpu.memory_space<semaphore_mem>> -> memref<1x!tpu.dma_semaphore, #tpu.memory_space<semaphore_mem>>
    %dma_wait3A_718 = tpu.memref_squeeze %dma_wait3A_717 : memref<1x!tpu.dma_semaphore, #tpu.memory_space<semaphore_mem>> -> memref<!tpu.dma_semaphore, #tpu.memory_space<semaphore_mem>>
    tpu.wait_indirect_dma semaphore(%dma_wait3A_718 : memref<!tpu.dma_semaphore, #tpu.memory_space<semaphore_mem>>) src(%dma_wait3A_710 : memref<80x32xf32, #tpu.memory_space<vmem>>) dst(%dma_wait3A_716 : memref<20000x32xf32, #tpu.memory_space<vmem_shared>>)
    %dma_wait3A_719 = arith.constant 6 : i32
    %dma_wait3A_720 = arith.constant 249 : i32
    %dma_wait3A_721 = arith.constant 6 : i32
    %dma_wait3A_722 = arith.constant 0 : i32
    %dma_wait3A_723 = arith.constant 0 : i32
    %dma_wait3A_724 = tpu.memref_slice %arg12[%dma_wait3A_719, %dma_wait3A_722, %dma_wait3A_723] : memref<12x80x32xf32, #tpu.memory_space<vmem>> -> memref<1x80x32xf32, #tpu.memory_space<vmem>>
    %dma_wait3A_725 = tpu.memref_squeeze %dma_wait3A_724 : memref<1x80x32xf32, #tpu.memory_space<vmem>> -> memref<80x32xf32, #tpu.memory_space<vmem>>
    %dma_wait3A_726 = arith.constant 0 : i32
    %dma_wait3A_727 = tpu.memref_slice %arg11[%dma_wait3A_720, %dma_wait3A_726] : memref<250x80xi32, #tpu.memory_space<vmem>> -> memref<1x80xi32, #tpu.memory_space<vmem>>
    %dma_wait3A_728 = tpu.memref_squeeze %dma_wait3A_727 : memref<1x80xi32, #tpu.memory_space<vmem>> -> memref<80xi32, #tpu.memory_space<vmem>>
    %dma_wait3A_729 = arith.constant 0 : i32
    %dma_wait3A_730 = arith.constant 0 : i32
    %dma_wait3A_731 = tpu.memref_slice %arg14[%dma_wait3A_729, %dma_wait3A_730] : memref<20000x32xf32, #tpu.memory_space<vmem_shared>> -> memref<20000x32xf32, #tpu.memory_space<vmem_shared>>
    %dma_wait3A_732 = tpu.memref_slice %arg17[%dma_wait3A_721] : memref<12x!tpu.dma_semaphore, #tpu.memory_space<semaphore_mem>> -> memref<1x!tpu.dma_semaphore, #tpu.memory_space<semaphore_mem>>
    %dma_wait3A_733 = tpu.memref_squeeze %dma_wait3A_732 : memref<1x!tpu.dma_semaphore, #tpu.memory_space<semaphore_mem>> -> memref<!tpu.dma_semaphore, #tpu.memory_space<semaphore_mem>>
    tpu.wait_indirect_dma semaphore(%dma_wait3A_733 : memref<!tpu.dma_semaphore, #tpu.memory_space<semaphore_mem>>) src(%dma_wait3A_725 : memref<80x32xf32, #tpu.memory_space<vmem>>) dst(%dma_wait3A_731 : memref<20000x32xf32, #tpu.memory_space<vmem_shared>>)
    %dma_wait3A_734 = arith.constant 7 : i32
    %dma_wait3A_735 = arith.constant 249 : i32
    %dma_wait3A_736 = arith.constant 7 : i32
    %dma_wait3A_737 = arith.constant 0 : i32
    %dma_wait3A_738 = arith.constant 0 : i32
    %dma_wait3A_739 = tpu.memref_slice %arg12[%dma_wait3A_734, %dma_wait3A_737, %dma_wait3A_738] : memref<12x80x32xf32, #tpu.memory_space<vmem>> -> memref<1x80x32xf32, #tpu.memory_space<vmem>>
    %dma_wait3A_740 = tpu.memref_squeeze %dma_wait3A_739 : memref<1x80x32xf32, #tpu.memory_space<vmem>> -> memref<80x32xf32, #tpu.memory_space<vmem>>
    %dma_wait3A_741 = arith.constant 0 : i32
    %dma_wait3A_742 = tpu.memref_slice %arg11[%dma_wait3A_735, %dma_wait3A_741] : memref<250x80xi32, #tpu.memory_space<vmem>> -> memref<1x80xi32, #tpu.memory_space<vmem>>
    %dma_wait3A_743 = tpu.memref_squeeze %dma_wait3A_742 : memref<1x80xi32, #tpu.memory_space<vmem>> -> memref<80xi32, #tpu.memory_space<vmem>>
    %dma_wait3A_744 = arith.constant 0 : i32
    %dma_wait3A_745 = arith.constant 0 : i32
    %dma_wait3A_746 = tpu.memref_slice %arg14[%dma_wait3A_744, %dma_wait3A_745] : memref<20000x32xf32, #tpu.memory_space<vmem_shared>> -> memref<20000x32xf32, #tpu.memory_space<vmem_shared>>
    %dma_wait3A_747 = tpu.memref_slice %arg17[%dma_wait3A_736] : memref<12x!tpu.dma_semaphore, #tpu.memory_space<semaphore_mem>> -> memref<1x!tpu.dma_semaphore, #tpu.memory_space<semaphore_mem>>
    %dma_wait3A_748 = tpu.memref_squeeze %dma_wait3A_747 : memref<1x!tpu.dma_semaphore, #tpu.memory_space<semaphore_mem>> -> memref<!tpu.dma_semaphore, #tpu.memory_space<semaphore_mem>>
    tpu.wait_indirect_dma semaphore(%dma_wait3A_748 : memref<!tpu.dma_semaphore, #tpu.memory_space<semaphore_mem>>) src(%dma_wait3A_740 : memref<80x32xf32, #tpu.memory_space<vmem>>) dst(%dma_wait3A_746 : memref<20000x32xf32, #tpu.memory_space<vmem_shared>>)
    %dma_wait3A_749 = arith.constant 8 : i32
    %dma_wait3A_750 = arith.constant 249 : i32
    %dma_wait3A_751 = arith.constant 8 : i32
    %dma_wait3A_752 = arith.constant 0 : i32
    %dma_wait3A_753 = arith.constant 0 : i32
    %dma_wait3A_754 = tpu.memref_slice %arg12[%dma_wait3A_749, %dma_wait3A_752, %dma_wait3A_753] : memref<12x80x32xf32, #tpu.memory_space<vmem>> -> memref<1x80x32xf32, #tpu.memory_space<vmem>>
    %dma_wait3A_755 = tpu.memref_squeeze %dma_wait3A_754 : memref<1x80x32xf32, #tpu.memory_space<vmem>> -> memref<80x32xf32, #tpu.memory_space<vmem>>
    %dma_wait3A_756 = arith.constant 0 : i32
    %dma_wait3A_757 = tpu.memref_slice %arg11[%dma_wait3A_750, %dma_wait3A_756] : memref<250x80xi32, #tpu.memory_space<vmem>> -> memref<1x80xi32, #tpu.memory_space<vmem>>
    %dma_wait3A_758 = tpu.memref_squeeze %dma_wait3A_757 : memref<1x80xi32, #tpu.memory_space<vmem>> -> memref<80xi32, #tpu.memory_space<vmem>>
    %dma_wait3A_759 = arith.constant 0 : i32
    %dma_wait3A_760 = arith.constant 0 : i32
    %dma_wait3A_761 = tpu.memref_slice %arg14[%dma_wait3A_759, %dma_wait3A_760] : memref<20000x32xf32, #tpu.memory_space<vmem_shared>> -> memref<20000x32xf32, #tpu.memory_space<vmem_shared>>
    %dma_wait3A_762 = tpu.memref_slice %arg17[%dma_wait3A_751] : memref<12x!tpu.dma_semaphore, #tpu.memory_space<semaphore_mem>> -> memref<1x!tpu.dma_semaphore, #tpu.memory_space<semaphore_mem>>
    %dma_wait3A_763 = tpu.memref_squeeze %dma_wait3A_762 : memref<1x!tpu.dma_semaphore, #tpu.memory_space<semaphore_mem>> -> memref<!tpu.dma_semaphore, #tpu.memory_space<semaphore_mem>>
    tpu.wait_indirect_dma semaphore(%dma_wait3A_763 : memref<!tpu.dma_semaphore, #tpu.memory_space<semaphore_mem>>) src(%dma_wait3A_755 : memref<80x32xf32, #tpu.memory_space<vmem>>) dst(%dma_wait3A_761 : memref<20000x32xf32, #tpu.memory_space<vmem_shared>>)
    %dma_wait3A_764 = arith.constant 9 : i32
    %dma_wait3A_765 = arith.constant 249 : i32
    %dma_wait3A_766 = arith.constant 9 : i32
    %dma_wait3A_767 = arith.constant 0 : i32
    %dma_wait3A_768 = arith.constant 0 : i32
    %dma_wait3A_769 = tpu.memref_slice %arg12[%dma_wait3A_764, %dma_wait3A_767, %dma_wait3A_768] : memref<12x80x32xf32, #tpu.memory_space<vmem>> -> memref<1x80x32xf32, #tpu.memory_space<vmem>>
    %dma_wait3A_770 = tpu.memref_squeeze %dma_wait3A_769 : memref<1x80x32xf32, #tpu.memory_space<vmem>> -> memref<80x32xf32, #tpu.memory_space<vmem>>
    %dma_wait3A_771 = arith.constant 0 : i32
    %dma_wait3A_772 = tpu.memref_slice %arg11[%dma_wait3A_765, %dma_wait3A_771] : memref<250x80xi32, #tpu.memory_space<vmem>> -> memref<1x80xi32, #tpu.memory_space<vmem>>
    %dma_wait3A_773 = tpu.memref_squeeze %dma_wait3A_772 : memref<1x80xi32, #tpu.memory_space<vmem>> -> memref<80xi32, #tpu.memory_space<vmem>>
    %dma_wait3A_774 = arith.constant 0 : i32
    %dma_wait3A_775 = arith.constant 0 : i32
    %dma_wait3A_776 = tpu.memref_slice %arg14[%dma_wait3A_774, %dma_wait3A_775] : memref<20000x32xf32, #tpu.memory_space<vmem_shared>> -> memref<20000x32xf32, #tpu.memory_space<vmem_shared>>
    %dma_wait3A_777 = tpu.memref_slice %arg17[%dma_wait3A_766] : memref<12x!tpu.dma_semaphore, #tpu.memory_space<semaphore_mem>> -> memref<1x!tpu.dma_semaphore, #tpu.memory_space<semaphore_mem>>
    %dma_wait3A_778 = tpu.memref_squeeze %dma_wait3A_777 : memref<1x!tpu.dma_semaphore, #tpu.memory_space<semaphore_mem>> -> memref<!tpu.dma_semaphore, #tpu.memory_space<semaphore_mem>>
    tpu.wait_indirect_dma semaphore(%dma_wait3A_778 : memref<!tpu.dma_semaphore, #tpu.memory_space<semaphore_mem>>) src(%dma_wait3A_770 : memref<80x32xf32, #tpu.memory_space<vmem>>) dst(%dma_wait3A_776 : memref<20000x32xf32, #tpu.memory_space<vmem_shared>>)
    %dma_wait3A_779 = arith.constant 10 : i32
    %dma_wait3A_780 = arith.constant 249 : i32
    %dma_wait3A_781 = arith.constant 10 : i32
    %dma_wait3A_782 = arith.constant 0 : i32
    %dma_wait3A_783 = arith.constant 0 : i32
    %dma_wait3A_784 = tpu.memref_slice %arg12[%dma_wait3A_779, %dma_wait3A_782, %dma_wait3A_783] : memref<12x80x32xf32, #tpu.memory_space<vmem>> -> memref<1x80x32xf32, #tpu.memory_space<vmem>>
    %dma_wait3A_785 = tpu.memref_squeeze %dma_wait3A_784 : memref<1x80x32xf32, #tpu.memory_space<vmem>> -> memref<80x32xf32, #tpu.memory_space<vmem>>
    %dma_wait3A_786 = arith.constant 0 : i32
    %dma_wait3A_787 = tpu.memref_slice %arg11[%dma_wait3A_780, %dma_wait3A_786] : memref<250x80xi32, #tpu.memory_space<vmem>> -> memref<1x80xi32, #tpu.memory_space<vmem>>
    %dma_wait3A_788 = tpu.memref_squeeze %dma_wait3A_787 : memref<1x80xi32, #tpu.memory_space<vmem>> -> memref<80xi32, #tpu.memory_space<vmem>>
    %dma_wait3A_789 = arith.constant 0 : i32
    %dma_wait3A_790 = arith.constant 0 : i32
    %dma_wait3A_791 = tpu.memref_slice %arg14[%dma_wait3A_789, %dma_wait3A_790] : memref<20000x32xf32, #tpu.memory_space<vmem_shared>> -> memref<20000x32xf32, #tpu.memory_space<vmem_shared>>
    %dma_wait3A_792 = tpu.memref_slice %arg17[%dma_wait3A_781] : memref<12x!tpu.dma_semaphore, #tpu.memory_space<semaphore_mem>> -> memref<1x!tpu.dma_semaphore, #tpu.memory_space<semaphore_mem>>
    %dma_wait3A_793 = tpu.memref_squeeze %dma_wait3A_792 : memref<1x!tpu.dma_semaphore, #tpu.memory_space<semaphore_mem>> -> memref<!tpu.dma_semaphore, #tpu.memory_space<semaphore_mem>>
    tpu.wait_indirect_dma semaphore(%dma_wait3A_793 : memref<!tpu.dma_semaphore, #tpu.memory_space<semaphore_mem>>) src(%dma_wait3A_785 : memref<80x32xf32, #tpu.memory_space<vmem>>) dst(%dma_wait3A_791 : memref<20000x32xf32, #tpu.memory_space<vmem_shared>>)
    %dma_wait3A_794 = arith.constant 11 : i32
    %dma_wait3A_795 = arith.constant 249 : i32
    %dma_wait3A_796 = arith.constant 11 : i32
    %dma_wait3A_797 = arith.constant 0 : i32
    %dma_wait3A_798 = arith.constant 0 : i32
    %dma_wait3A_799 = tpu.memref_slice %arg12[%dma_wait3A_794, %dma_wait3A_797, %dma_wait3A_798] : memref<12x80x32xf32, #tpu.memory_space<vmem>> -> memref<1x80x32xf32, #tpu.memory_space<vmem>>
    %dma_wait3A_800 = tpu.memref_squeeze %dma_wait3A_799 : memref<1x80x32xf32, #tpu.memory_space<vmem>> -> memref<80x32xf32, #tpu.memory_space<vmem>>
    %dma_wait3A_801 = arith.constant 0 : i32
    %dma_wait3A_802 = tpu.memref_slice %arg11[%dma_wait3A_795, %dma_wait3A_801] : memref<250x80xi32, #tpu.memory_space<vmem>> -> memref<1x80xi32, #tpu.memory_space<vmem>>
    %dma_wait3A_803 = tpu.memref_squeeze %dma_wait3A_802 : memref<1x80xi32, #tpu.memory_space<vmem>> -> memref<80xi32, #tpu.memory_space<vmem>>
    %dma_wait3A_804 = arith.constant 0 : i32
    %dma_wait3A_805 = arith.constant 0 : i32
    %dma_wait3A_806 = tpu.memref_slice %arg14[%dma_wait3A_804, %dma_wait3A_805] : memref<20000x32xf32, #tpu.memory_space<vmem_shared>> -> memref<20000x32xf32, #tpu.memory_space<vmem_shared>>
    %dma_wait3A_807 = tpu.memref_slice %arg17[%dma_wait3A_796] : memref<12x!tpu.dma_semaphore, #tpu.memory_space<semaphore_mem>> -> memref<1x!tpu.dma_semaphore, #tpu.memory_space<semaphore_mem>>
    %dma_wait3A_808 = tpu.memref_squeeze %dma_wait3A_807 : memref<1x!tpu.dma_semaphore, #tpu.memory_space<semaphore_mem>> -> memref<!tpu.dma_semaphore, #tpu.memory_space<semaphore_mem>>
    tpu.wait_indirect_dma semaphore(%dma_wait3A_808 : memref<!tpu.dma_semaphore, #tpu.memory_space<semaphore_mem>>) src(%dma_wait3A_800 : memref<80x32xf32, #tpu.memory_space<vmem>>) dst(%dma_wait3A_806 : memref<20000x32xf32, #tpu.memory_space<vmem_shared>>)
    %barrier3A_809 = arith.constant 0 : index
    tpu.barrier barrier_id(%barrier3A_809)
    "tpu.region"() ({
      %run_scoped3A = tpu.sem_alloc : memref<!tpu.dma_semaphore, #tpu.memory_space<semaphore_mem>>
      %dma_start3A_812 = arith.constant 0 : i32
      %dma_start3A_813 = arith.constant 32 : i32
      %dma_start3A_814 = tpu.memref_slice %arg8[%arg0, %arg1, %dma_start3A_812, %dma_start3A_813] : memref<2x16x1250x64xf32, #tpu.memory_space<hbm>> -> memref<1x1x1250x32xf32, #tpu.memory_space<hbm>>
      %dma_start3A_815 = tpu.memref_squeeze %dma_start3A_814 : memref<1x1x1250x32xf32, #tpu.memory_space<hbm>> -> memref<1250x32xf32, #tpu.memory_space<hbm>>
      %dma_start3A_816 = arith.constant 0 : i32
      %dma_start3A_817 = tpu.memref_slice %arg14[%mul3A_2, %dma_start3A_816] : memref<20000x32xf32, #tpu.memory_space<vmem_shared>> -> memref<1250x32xf32, #tpu.memory_space<vmem_shared>>
      tpu.enqueue_dma source(%dma_start3A_817 : memref<1250x32xf32, #tpu.memory_space<vmem_shared>>) target(%dma_start3A_815 : memref<1250x32xf32, #tpu.memory_space<hbm>>) target_semaphore(%run_scoped3A : memref<!tpu.dma_semaphore, #tpu.memory_space<semaphore_mem>>)
      %dma_wait3A_818 = arith.constant 0 : i32
      %dma_wait3A_819 = arith.constant 32 : i32
      %dma_wait3A_820 = tpu.memref_slice %arg8[%arg0, %arg1, %dma_wait3A_818, %dma_wait3A_819] : memref<2x16x1250x64xf32, #tpu.memory_space<hbm>> -> memref<1x1x1250x32xf32, #tpu.memory_space<hbm>>
      %dma_wait3A_821 = tpu.memref_squeeze %dma_wait3A_820 : memref<1x1x1250x32xf32, #tpu.memory_space<hbm>> -> memref<1250x32xf32, #tpu.memory_space<hbm>>
      %dma_wait3A_822 = arith.constant 0 : i32
      %dma_wait3A_823 = tpu.memref_slice %arg14[%mul3A_2, %dma_wait3A_822] : memref<20000x32xf32, #tpu.memory_space<vmem_shared>> -> memref<1250x32xf32, #tpu.memory_space<vmem_shared>>
      tpu.wait_dma2 semaphore(%run_scoped3A : memref<!tpu.dma_semaphore, #tpu.memory_space<semaphore_mem>>) src(%dma_wait3A_823 : memref<1250x32xf32, #tpu.memory_space<vmem_shared>>) dst(%dma_wait3A_821 : memref<1250x32xf32, #tpu.memory_space<hbm>>)
      tpu.yield
    }) : () -> ()
    %mul3A_810 = arith.constant 625 : i32
    %mul3A_811 = arith.muli %arg1, %mul3A_810 : i32
    "tpu.region"() ({
      %run_scoped3A = tpu.sem_alloc : memref<!tpu.dma_semaphore, #tpu.memory_space<semaphore_mem>>
      %dma_start3A_812 = arith.constant 0 : i32
      %dma_start3A_813 = arith.constant 0 : i32
      %dma_start3A_814 = arith.constant 0 : i32
      %dma_start3A_815 = tpu.memref_slice %arg9[%arg0, %dma_start3A_812, %dma_start3A_813, %dma_start3A_814] : memref<2x16x625x16xf32, #tpu.memory_space<hbm>> -> memref<1x16x625x16xf32, #tpu.memory_space<hbm>>
      %dma_start3A_816 = tpu.memref_squeeze %dma_start3A_815 : memref<1x16x625x16xf32, #tpu.memory_space<hbm>> -> memref<16x625x16xf32, #tpu.memory_space<hbm>>
      %dma_start3A_817 = arith.constant 0 : i32
      %dma_start3A_818 = arith.constant 0 : i32
      %dma_start3A_819 = tpu.memref_slice %dma_start3A_816[%arg1, %dma_start3A_817, %dma_start3A_818] : memref<16x625x16xf32, #tpu.memory_space<hbm>> -> memref<1x625x16xf32, #tpu.memory_space<hbm>>
      %dma_start3A_820 = tpu.memref_squeeze %dma_start3A_819 : memref<1x625x16xf32, #tpu.memory_space<hbm>> -> memref<625x16xf32, #tpu.memory_space<hbm>>
      %dma_start3A_821 = arith.constant 0 : i32
      %dma_start3A_822 = tpu.memref_slice %arg15[%mul3A_811, %dma_start3A_821] : memref<10000x16xf32, #tpu.memory_space<vmem_shared>> -> memref<625x16xf32, #tpu.memory_space<vmem_shared>>
      tpu.enqueue_dma source(%dma_start3A_822 : memref<625x16xf32, #tpu.memory_space<vmem_shared>>) target(%dma_start3A_820 : memref<625x16xf32, #tpu.memory_space<hbm>>) target_semaphore(%run_scoped3A : memref<!tpu.dma_semaphore, #tpu.memory_space<semaphore_mem>>)
      %dma_wait3A_823 = arith.constant 0 : i32
      %dma_wait3A_824 = arith.constant 0 : i32
      %dma_wait3A_825 = arith.constant 0 : i32
      %dma_wait3A_826 = tpu.memref_slice %arg9[%arg0, %dma_wait3A_823, %dma_wait3A_824, %dma_wait3A_825] : memref<2x16x625x16xf32, #tpu.memory_space<hbm>> -> memref<1x16x625x16xf32, #tpu.memory_space<hbm>>
      %dma_wait3A_827 = tpu.memref_squeeze %dma_wait3A_826 : memref<1x16x625x16xf32, #tpu.memory_space<hbm>> -> memref<16x625x16xf32, #tpu.memory_space<hbm>>
      %dma_wait3A_828 = arith.constant 0 : i32
      %dma_wait3A_829 = arith.constant 0 : i32
      %dma_wait3A_830 = tpu.memref_slice %dma_wait3A_827[%arg1, %dma_wait3A_828, %dma_wait3A_829] : memref<16x625x16xf32, #tpu.memory_space<hbm>> -> memref<1x625x16xf32, #tpu.memory_space<hbm>>
      %dma_wait3A_831 = tpu.memref_squeeze %dma_wait3A_830 : memref<1x625x16xf32, #tpu.memory_space<hbm>> -> memref<625x16xf32, #tpu.memory_space<hbm>>
      %dma_wait3A_832 = arith.constant 0 : i32
      %dma_wait3A_833 = tpu.memref_slice %arg15[%mul3A_811, %dma_wait3A_832] : memref<10000x16xf32, #tpu.memory_space<vmem_shared>> -> memref<625x16xf32, #tpu.memory_space<vmem_shared>>
      tpu.wait_dma2 semaphore(%run_scoped3A : memref<!tpu.dma_semaphore, #tpu.memory_space<semaphore_mem>>) src(%dma_wait3A_833 : memref<625x16xf32, #tpu.memory_space<vmem_shared>>) dst(%dma_wait3A_831 : memref<625x16xf32, #tpu.memory_space<hbm>>)
      tpu.yield
    }) : () -> ()
    return
  }
}

module attributes {stable_mosaic.version = 14 : i64} {
  func.func @_dense_body(%arg0: i32, %arg1: memref<1000x128xf32, #tpu.memory_space<vmem>>, %arg2: memref<2x1000x16xf32, #tpu.memory_space<vmem>>, %arg3: memref<1000x64xf32, #tpu.memory_space<vmem>>, %arg4: memref<1000x64xf32, #tpu.memory_space<vmem>>, %arg5: memref<256x128xf32, #tpu.memory_space<vmem>>, %arg6: memref<256x128xf32, #tpu.memory_space<vmem>>, %arg7: memref<256x128xf32, #tpu.memory_space<vmem>>, %arg8: memref<1x128xf32, #tpu.memory_space<vmem>>, %arg9: memref<1x128xf32, #tpu.memory_space<vmem>>, %arg10: memref<1x128xf32, #tpu.memory_space<vmem>>, %arg11: memref<1000x128xf32, #tpu.memory_space<vmem>>, %arg12: memref<1000x128xf32, #tpu.memory_space<vmem>>, %arg13: memref<1000x128xf32, #tpu.memory_space<vmem>>) attributes {dimension_semantics = [#tpu.dimension_semantics<arbitrary>], iteration_bounds = array<i64: 10>, scalar_prefetch = 0 : i64, scratch_operands = 0 : i64, tpu.core_type = #tpu.core_type<tc>, window_params = [{transform_indices = @transform_0, window_bounds = array<i64: 1000, 128>}, {transform_indices = @transform_1, window_bounds = array<i64: 2, 1000, 16>}, {transform_indices = @transform_2, window_bounds = array<i64: 1000, 64>}, {transform_indices = @transform_3, window_bounds = array<i64: 1000, 64>}, {pipeline_mode = #tpu.pipeline_mode<synchronous>, transform_indices = @transform_4, window_bounds = array<i64: 256, 128>}, {pipeline_mode = #tpu.pipeline_mode<synchronous>, transform_indices = @transform_5, window_bounds = array<i64: 256, 128>}, {pipeline_mode = #tpu.pipeline_mode<synchronous>, transform_indices = @transform_6, window_bounds = array<i64: 256, 128>}, {pipeline_mode = #tpu.pipeline_mode<synchronous>, transform_indices = @transform_7, window_bounds = array<i64: 1, 128>}, {pipeline_mode = #tpu.pipeline_mode<synchronous>, transform_indices = @transform_8, window_bounds = array<i64: 1, 128>}, {pipeline_mode = #tpu.pipeline_mode<synchronous>, transform_indices = @transform_9, window_bounds = array<i64: 1, 128>}, {transform_indices = @transform_10, window_bounds = array<i64: 1000, 128>}, {transform_indices = @transform_11, window_bounds = array<i64: 1000, 128>}, {transform_indices = @transform_12, window_bounds = array<i64: 1000, 128>}]} {
    %get3A = arith.constant 0 : index
    %get3A_0 = arith.constant 0 : index
    %get3A_1 = arith.constant 0 : index
    %get3A_2 = vector.load %arg2[%get3A, %get3A_0, %get3A_1] : memref<2x1000x16xf32, #tpu.memory_space<vmem>>, vector<1x1000x1xf32>
    %get3A_3 = vector.shape_cast %get3A_2 : vector<1x1000x1xf32> to vector<1000x1xf32>
    %get3A_4 = arith.constant 1 : index
    %get3A_5 = arith.constant 0 : index
    %get3A_6 = arith.constant 0 : index
    %get3A_7 = vector.load %arg2[%get3A_4, %get3A_5, %get3A_6] : memref<2x1000x16xf32, #tpu.memory_space<vmem>>, vector<1x1000x1xf32>
    %get3A_8 = vector.shape_cast %get3A_7 : vector<1x1000x1xf32> to vector<1000x1xf32>
    %add3A = arith.addf %get3A_3, %get3A_8 : vector<1000x1xf32>
    %get3A_9 = arith.constant 0 : index
    %get3A_10 = arith.constant 0 : index
    %get3A_11 = vector.load %arg1[%get3A_9, %get3A_10] : memref<1000x128xf32, #tpu.memory_space<vmem>>, vector<1000x128xf32>
    %mul3A = vector.broadcast %add3A : vector<1000x1xf32> to vector<1000x128xf32>
    %mul3A_12 = arith.mulf %get3A_11, %mul3A : vector<1000x128xf32>
    %get3A_13 = arith.constant 0 : index
    %get3A_14 = arith.constant 0 : index
    %get3A_15 = vector.load %arg3[%get3A_13, %get3A_14] : memref<1000x64xf32, #tpu.memory_space<vmem>>, vector<1000x64xf32>
    %get3A_16 = arith.constant 0 : index
    %get3A_17 = arith.constant 0 : index
    %get3A_18 = vector.load %arg4[%get3A_16, %get3A_17] : memref<1000x64xf32, #tpu.memory_space<vmem>>, vector<1000x64xf32>
    %concatenate3A = tpu.concatenate %get3A_15, %get3A_18 in 1 : vector<1000x64xf32>, vector<1000x64xf32> -> vector<1000x128xf32>
    %get3A_19 = arith.constant 0 : index
    %get3A_20 = arith.constant 0 : index
    %get3A_21 = vector.load %arg5[%get3A_19, %get3A_20] : memref<256x128xf32, #tpu.memory_space<vmem>>, vector<256x128xf32>
    %get3A_22 = arith.constant 0 : index
    %get3A_23 = arith.constant 0 : index
    %get3A_24 = vector.load %arg6[%get3A_22, %get3A_23] : memref<256x128xf32, #tpu.memory_space<vmem>>, vector<256x128xf32>
    %get3A_25 = arith.constant 0 : index
    %get3A_26 = arith.constant 0 : index
    %get3A_27 = vector.load %arg7[%get3A_25, %get3A_26] : memref<256x128xf32, #tpu.memory_space<vmem>>, vector<256x128xf32>
    %slice3A = vector.extract_strided_slice %get3A_21 {offsets = [0, 0], sizes = [128, 128], strides = [1, 1]} : vector<256x128xf32> to vector<128x128xf32>
    %dot_general3A = arith.constant dense<0.000000e+00> : vector<1000x128xf32>
    %dot_general3A_28 = tpu.matmul %mul3A_12, %slice3A, %dot_general3A {dimension_numbers = #tpu.dot_dimension_numbers<[1], [0], [0], [1], [0, 0, 1, 1], [], []>, transpose_lhs_hint = false} : vector<1000x128xf32>, vector<128x128xf32>, vector<1000x128xf32> -> vector<1000x128xf32>
    %slice3A_29 = vector.extract_strided_slice %get3A_21 {offsets = [128, 0], sizes = [128, 128], strides = [1, 1]} : vector<256x128xf32> to vector<128x128xf32>
    %dot_general3A_30 = arith.constant dense<0.000000e+00> : vector<1000x128xf32>
    %dot_general3A_31 = tpu.matmul %concatenate3A, %slice3A_29, %dot_general3A_30 {dimension_numbers = #tpu.dot_dimension_numbers<[1], [0], [0], [1], [0, 0, 1, 1], [], []>, transpose_lhs_hint = false} : vector<1000x128xf32>, vector<128x128xf32>, vector<1000x128xf32> -> vector<1000x128xf32>
    %add3A_32 = arith.addf %dot_general3A_28, %dot_general3A_31 : vector<1000x128xf32>
    %get3A_33 = arith.constant 0 : index
    %get3A_34 = arith.constant 0 : index
    %get3A_35 = vector.load %arg8[%get3A_33, %get3A_34] : memref<1x128xf32, #tpu.memory_space<vmem>>, vector<1x128xf32>
    %add3A_36 = vector.broadcast %get3A_35 : vector<1x128xf32> to vector<1000x128xf32>
    %add3A_37 = arith.addf %add3A_32, %add3A_36 : vector<1000x128xf32>
    %abs3A = math.absf %mul3A_12 : vector<1000x128xf32>
    %abs3A_38 = math.absf %concatenate3A : vector<1000x128xf32>
    %slice3A_39 = vector.extract_strided_slice %get3A_24 {offsets = [0, 0], sizes = [128, 128], strides = [1, 1]} : vector<256x128xf32> to vector<128x128xf32>
    %dot_general3A_40 = arith.constant dense<0.000000e+00> : vector<1000x128xf32>
    %dot_general3A_41 = tpu.matmul %abs3A, %slice3A_39, %dot_general3A_40 {dimension_numbers = #tpu.dot_dimension_numbers<[1], [0], [0], [1], [0, 0, 1, 1], [], []>, transpose_lhs_hint = false} : vector<1000x128xf32>, vector<128x128xf32>, vector<1000x128xf32> -> vector<1000x128xf32>
    %slice3A_42 = vector.extract_strided_slice %get3A_24 {offsets = [128, 0], sizes = [128, 128], strides = [1, 1]} : vector<256x128xf32> to vector<128x128xf32>
    %dot_general3A_43 = arith.constant dense<0.000000e+00> : vector<1000x128xf32>
    %dot_general3A_44 = tpu.matmul %abs3A_38, %slice3A_42, %dot_general3A_43 {dimension_numbers = #tpu.dot_dimension_numbers<[1], [0], [0], [1], [0, 0, 1, 1], [], []>, transpose_lhs_hint = false} : vector<1000x128xf32>, vector<128x128xf32>, vector<1000x128xf32> -> vector<1000x128xf32>
    %add3A_45 = arith.addf %dot_general3A_41, %dot_general3A_44 : vector<1000x128xf32>
    %get3A_46 = arith.constant 0 : index
    %get3A_47 = arith.constant 0 : index
    %get3A_48 = vector.load %arg9[%get3A_46, %get3A_47] : memref<1x128xf32, #tpu.memory_space<vmem>>, vector<1x128xf32>
    %add3A_49 = vector.broadcast %get3A_48 : vector<1x128xf32> to vector<1000x128xf32>
    %add3A_50 = arith.addf %add3A_45, %add3A_49 : vector<1000x128xf32>
    %slice3A_51 = vector.extract_strided_slice %get3A_27 {offsets = [0, 0], sizes = [128, 128], strides = [1, 1]} : vector<256x128xf32> to vector<128x128xf32>
    %dot_general3A_52 = arith.constant dense<0.000000e+00> : vector<1000x128xf32>
    %dot_general3A_53 = tpu.matmul %abs3A, %slice3A_51, %dot_general3A_52 {dimension_numbers = #tpu.dot_dimension_numbers<[1], [0], [0], [1], [0, 0, 1, 1], [], []>, transpose_lhs_hint = false} : vector<1000x128xf32>, vector<128x128xf32>, vector<1000x128xf32> -> vector<1000x128xf32>
    %slice3A_54 = vector.extract_strided_slice %get3A_27 {offsets = [128, 0], sizes = [128, 128], strides = [1, 1]} : vector<256x128xf32> to vector<128x128xf32>
    %dot_general3A_55 = arith.constant dense<0.000000e+00> : vector<1000x128xf32>
    %dot_general3A_56 = tpu.matmul %abs3A_38, %slice3A_54, %dot_general3A_55 {dimension_numbers = #tpu.dot_dimension_numbers<[1], [0], [0], [1], [0, 0, 1, 1], [], []>, transpose_lhs_hint = false} : vector<1000x128xf32>, vector<128x128xf32>, vector<1000x128xf32> -> vector<1000x128xf32>
    %add3A_57 = arith.addf %dot_general3A_53, %dot_general3A_56 : vector<1000x128xf32>
    %get3A_58 = arith.constant 0 : index
    %get3A_59 = arith.constant 0 : index
    %get3A_60 = vector.load %arg10[%get3A_58, %get3A_59] : memref<1x128xf32, #tpu.memory_space<vmem>>, vector<1x128xf32>
    %add3A_61 = vector.broadcast %get3A_60 : vector<1x128xf32> to vector<1000x128xf32>
    %add3A_62 = arith.addf %add3A_57, %add3A_61 : vector<1000x128xf32>
    %swap3A = arith.constant 0 : index
    %swap3A_63 = arith.constant 0 : index
    %swap3A_64 = vector.load %arg11[%swap3A, %swap3A_63] : memref<1000x128xf32, #tpu.memory_space<vmem>>, vector<1000x128xf32>
    tpu.vector_store %arg11[%swap3A, %swap3A_63], %add3A_37 {strides = array<i32>} : memref<1000x128xf32, #tpu.memory_space<vmem>>, vector<1000x128xf32>,
    %sub3A = arith.subf %add3A_37, %add3A_50 : vector<1000x128xf32>
    %swap3A_65 = arith.constant 0 : index
    %swap3A_66 = arith.constant 0 : index
    %swap3A_67 = vector.load %arg12[%swap3A_65, %swap3A_66] : memref<1000x128xf32, #tpu.memory_space<vmem>>, vector<1000x128xf32>
    tpu.vector_store %arg12[%swap3A_65, %swap3A_66], %sub3A {strides = array<i32>} : memref<1000x128xf32, #tpu.memory_space<vmem>>, vector<1000x128xf32>,
    %add3A_68 = arith.addf %add3A_37, %add3A_62 : vector<1000x128xf32>
    %swap3A_69 = arith.constant 0 : index
    %swap3A_70 = arith.constant 0 : index
    %swap3A_71 = vector.load %arg13[%swap3A_69, %swap3A_70] : memref<1000x128xf32, #tpu.memory_space<vmem>>, vector<1000x128xf32>
    tpu.vector_store %arg13[%swap3A_69, %swap3A_70], %add3A_68 {strides = array<i32>} : memref<1000x128xf32, #tpu.memory_space<vmem>>, vector<1000x128xf32>,
    return
  }
  func.func @transform_0(%arg0: i32) -> (i32, i32) {
    %c0_i32 = arith.constant 0 : i32
    %c0_i32_0 = arith.constant 0 : i32
    return %arg0, %c0_i32 : i32, i32
  }
  func.func @transform_1(%arg0: i32) -> (i32, i32, i32) {
    %c0_i32 = arith.constant 0 : i32
    %c0_i32_0 = arith.constant 0 : i32
    %c0_i32_1 = arith.constant 0 : i32
    return %c0_i32, %arg0, %c0_i32_0 : i32, i32, i32
  }
  func.func @transform_2(%arg0: i32) -> (i32, i32) {
    %c0_i32 = arith.constant 0 : i32
    %c0_i32_0 = arith.constant 0 : i32
    return %arg0, %c0_i32 : i32, i32
  }
  func.func @transform_3(%arg0: i32) -> (i32, i32) {
    %c0_i32 = arith.constant 0 : i32
    %c0_i32_0 = arith.constant 0 : i32
    return %arg0, %c0_i32 : i32, i32
  }
  func.func @transform_4(%arg0: i32) -> (i32, i32) {
    %c0_i32 = arith.constant 0 : i32
    %c0_i32_0 = arith.constant 0 : i32
    %c0_i32_1 = arith.constant 0 : i32
    return %c0_i32, %c0_i32_0 : i32, i32
  }
  func.func @transform_5(%arg0: i32) -> (i32, i32) {
    %c0_i32 = arith.constant 0 : i32
    %c0_i32_0 = arith.constant 0 : i32
    %c0_i32_1 = arith.constant 0 : i32
    return %c0_i32, %c0_i32_0 : i32, i32
  }
  func.func @transform_6(%arg0: i32) -> (i32, i32) {
    %c0_i32 = arith.constant 0 : i32
    %c0_i32_0 = arith.constant 0 : i32
    %c0_i32_1 = arith.constant 0 : i32
    return %c0_i32, %c0_i32_0 : i32, i32
  }
  func.func @transform_7(%arg0: i32) -> (i32, i32) {
    %c0_i32 = arith.constant 0 : i32
    %c0_i32_0 = arith.constant 0 : i32
    %c0_i32_1 = arith.constant 0 : i32
    return %c0_i32, %c0_i32_0 : i32, i32
  }
  func.func @transform_8(%arg0: i32) -> (i32, i32) {
    %c0_i32 = arith.constant 0 : i32
    %c0_i32_0 = arith.constant 0 : i32
    %c0_i32_1 = arith.constant 0 : i32
    return %c0_i32, %c0_i32_0 : i32, i32
  }
  func.func @transform_9(%arg0: i32) -> (i32, i32) {
    %c0_i32 = arith.constant 0 : i32
    %c0_i32_0 = arith.constant 0 : i32
    %c0_i32_1 = arith.constant 0 : i32
    return %c0_i32, %c0_i32_0 : i32, i32
  }
  func.func @transform_10(%arg0: i32) -> (i32, i32) {
    %c0_i32 = arith.constant 0 : i32
    %c0_i32_0 = arith.constant 0 : i32
    return %arg0, %c0_i32 : i32, i32
  }
  func.func @transform_11(%arg0: i32) -> (i32, i32) {
    %c0_i32 = arith.constant 0 : i32
    %c0_i32_0 = arith.constant 0 : i32
    return %arg0, %c0_i32 : i32, i32
  }
  func.func @transform_12(%arg0: i32) -> (i32, i32) {
    %c0_i32 = arith.constant 0 : i32
    %c0_i32_0 = arith.constant 0 : i32
    return %arg0, %c0_i32 : i32, i32
  }
}

</mosaic_0001>

<sc_bundles>
// kernel: kernel.5.cloned.1.call-start
scs
__scs_entry_jumppad:
0x0: {  	(pc) =	sbr.rel $0x88, $3  }
0x1: {  	(tag) =	ssettag $0x0;
	lr =	simm.s32 $0x1  }
0x2: {  	[smem:$0x3F98] =	sst lr;
	_ =	strace $0xD0000000  }
0x3: {  	_ = 	snop  }
0x4: {  	_ = 	snop  }
0x5: {  	_ = 	snop  }
0x6: {  	_ = 	snop  }
0x7: {  	_ = 	snop  }
__scs_overlays_trampoline_lowered:
0x8: {  	[smem:$0x3FA7] =	sst s0  }
0x9: {  	[smem:$0x3FA8] =	sst s1  }
0xa: {  	[smem:$0x3FA9] =	sst s2  }
0xb: {  	[smem:$0x3FAA] =	sst s3  }
0xc: {  	[smem:$0x3FAB] =	sst s4  }
0xd: {  	[smem:$0x3FAC] =	sst s5  }
0xe: {  	[smem:$0x3FAD] =	sst s6  }
0xf: {  	[smem:$0x3FAE] =	sst s7  }
0x10: {  	[smem:$0x3FAF] =	sst s8  }
0x11: {  	[smem:$0x3FB0] =	sst s9;
	s0 =	simm.s32 @!p0 $0x0  }
0x12: {  	s1 =	sld [smem:$0x3F96];
	s0 =	simm.s32 @p0 $0x1  }
0x13: {  	[smem:$0x3FB1] =	sst s0;
	s0 =	simm.s32 @!p1 $0x0  }
0x14: {  	s2 =	sld [smem:$0x3F95];
	s0 =	simm.s32 @p1 $0x1  }
0x15: {  	[smem:$0x3FB2] =	sst s0;
	s0 =	simm.s32 @!p2 $0x0  }
0x16: {  	s3 =	sld [smem:$0x3FDB];
	s0 =	simm.s32 @p2 $0x1  }
0x17: {  	s4 =	simm.s32 $0x1BF5;
	[smem:$0x3FB4] =	sst s0  }
0x18: {  	s0 =	sld [smem:$0x3F97];
	_ =	swait.ge [sflag:s4], $0x0  }
0x19: {  	s7 =	sld [smem:$0x3F98]  }
0x1a: {  	s8 =	sadd.s32 $0xFFFFE003, lr  }
0x1b: {  	s9 =	sadd.s32 $0xFFFFFEF7, lr;
	s5 =	simm.s32 $0xFFFFFFFF;
	p2 =	slt.u32 s8, $0xFFFFF086  }
0x1c: {  	p1 =	slt.u32 s9, $0xF7A;
	s5 =	simm.s32 @!p2 $0x0  }
0x1d: {  	s5 =	simm.s32 @p1 $0x1;
	p0 =	seq.s32 s7, s2  }
0x1e: {  	s7 =	smul.u32 @!p0 $0xF7A, s2;
	p2 =	seq.s32 @!p0 s5, $0x0  }
0x1f: {  	s9 =	smul.u32 $0xF7A, s1;
	s8 =	simm.s32 @!p0 $0x1BF5;
	p2 =	por !p2, p0  }
0x20: {  	[sflag:s8] =	ssyncset.s32 @!p0 $0xFFFFF086;
	s6 =	sadd.s32 @!p0 s3, s7;
	s7 =	simm.s32 @!p0 $0x108  }
0x21: {  	s3 =	sadd.s32 s3, s9;
	s6 =	sadd.s32 @!p0 $0x88, s6;
	s7 =	simm.s32 @p2 $0x1082  }
0x22: {  	[simem:s7], [sflag:s8] =	dma.local @!p0 [hbm:s6], $0xF7A  }
0x23: {  	s9 =	sor.u32 $0xD0000000, s2;
	s6 =	simm.s32 $0x108;
	_ =	swait.ge @!p0 [sflag:s8], $0x0  }
0x24: {  	s3 =	sadd.s32 $0x88, s3;
	s6 =	simm.s32 @!p1 $0x1082;
	[sflag:s4] =	ssyncset.s32 $0xFFFFF086  }
0x25: {  	[simem:s6], [sflag:s4] =	dma.local [hbm:s3], $0xF7A  }
0x26: {  	[smem:$0x3F98] =	sst s1;
	(tag) =	ssettag s2;
	_ =	strace s9  }
0x27: {  	s1 =	sld [smem:$0x3FA8]  }
0x28: {  	s2 =	sld [smem:$0x3FA9]  }
0x29: {  	s4 =	sld [smem:$0x3FAB]  }
0x2a: {  	p0 =	seq.s32 s5, $0x0;
	s5 =	sld [smem:$0x3FAC]  }
0x2b: {  	s6 =	sld [smem:$0x3FAD]  }
0x2c: {  	s7 =	sld [smem:$0x3FAE]  }
0x2d: {  	s3 =	simm.s32 $0x108;
	s8 =	sld [smem:$0x3FAF]  }
0x2e: {  	s3 =	simm.s32 @!p0 $0x1082;
	s9 =	sld [smem:$0x3FB0]  }
0x2f: {  	lr =	sadd.s32 s0, s3;
	s0 =	sld [smem:$0x3FA7]  }
0x30: {  	s3 =	sld [smem:$0x3FAA]  }
0x31: {  	[smem:$0x3FB3] =	sst s10  }
0x32: {  	s10 =	sld [smem:$0x3FB1];
	_ =	sdelay $0x3  }
0x33: {  	p0 =	seq.s32 s10, $0x1;
	s10 =	sld [smem:$0x3FB3];
	_ =	sdelay $0x3  }
0x34: {  	[smem:$0x3FB3] =	sst s10  }
0x35: {  	s10 =	sld [smem:$0x3FB2];
	_ =	sdelay $0x3  }
0x36: {  	p1 =	seq.s32 s10, $0x1;
	s10 =	sld [smem:$0x3FB3];
	_ =	sdelay $0x3  }
0x37: {  	[smem:$0x3FB3] =	sst s10  }
0x38: {  	s10 =	sld [smem:$0x3FB4]  }
0x39: {  	_ = 	snop;
	(pc) =	sbr.ind lr, $3  }
0x3a: {  	_ = 	snop  }
0x3b: {  	_ = 	snop  }
0x3c: {  	p2 =	seq.s32 s10, $0x1;
	s10 =	sld [smem:$0x3FB3]  }
0x3d: {  	_ =	shalt  }
0x3e: {  	_ =	shalt  }
0x3f: {  	_ =	shalt  }
0x40: {  	_ =	shalt  }
0x41: {  	_ =	shalt  }
0x42: {  	_ =	shalt  }
0x43: {  	_ =	shalt  }
0x44: {  	_ =	shalt  }
0x45: {  	_ =	shalt  }
0x46: {  	_ =	shalt  }
0x47: {  	_ =	shalt  }
0x48: {  	_ =	shalt  }
0x49: {  	_ =	shalt  }
0x4a: {  	_ =	shalt  }
0x4b: {  	_ =	shalt  }
0x4c: {  	_ =	shalt  }
0x4d: {  	_ =	shalt  }
0x4e: {  	_ =	shalt  }
0x4f: {  	_ =	shalt  }
0x50: {  	_ =	shalt  }
0x51: {  	_ =	shalt  }
0x52: {  	_ =	shalt  }
0x53: {  	_ =	shalt  }
0x54: {  	_ =	shalt  }
0x55: {  	_ =	shalt  }
0x56: {  	_ =	shalt  }
0x57: {  	_ =	shalt  }
0x58: {  	_ =	shalt  }
0x59: {  	_ =	shalt  }
0x5a: {  	_ =	shalt  }
0x5b: {  	_ =	shalt  }
0x5c: {  	_ =	shalt  }
0x5d: {  	_ =	shalt  }
0x5e: {  	_ =	shalt  }
0x5f: {  	_ =	shalt  }
0x60: {  	_ =	shalt  }
0x61: {  	_ =	shalt  }
0x62: {  	_ =	shalt  }
0x63: {  	_ =	shalt  }
0x64: {  	_ =	shalt  }
0x65: {  	_ =	shalt  }
0x66: {  	_ =	shalt  }
0x67: {  	_ =	shalt  }
0x68: {  	_ =	shalt  }
0x69: {  	_ =	shalt  }
0x6a: {  	_ =	shalt  }
0x6b: {  	_ =	shalt  }
0x6c: {  	_ =	shalt  }
0x6d: {  	_ =	shalt  }
0x6e: {  	_ =	shalt  }
0x6f: {  	_ =	shalt  }
0x70: {  	_ =	shalt  }
0x71: {  	_ =	shalt  }
0x72: {  	_ =	shalt  }
0x73: {  	_ =	shalt  }
0x74: {  	_ =	shalt  }
0x75: {  	_ =	shalt  }
0x76: {  	_ =	shalt  }
0x77: {  	_ =	shalt  }
0x78: {  	_ =	shalt  }
0x79: {  	_ =	shalt  }
0x7a: {  	_ =	shalt  }
0x7b: {  	_ =	shalt  }
0x7c: {  	_ =	shalt  }
0x7d: {  	_ =	shalt  }
0x7e: {  	_ =	shalt  }
0x7f: {  	_ =	shalt  }
0x80: {  	_ =	shalt  }
0x81: {  	_ =	shalt  }
0x82: {  	_ =	shalt  }
0x83: {  	_ =	shalt  }
0x84: {  	_ =	shalt  }
0x85: {  	_ =	shalt  }
0x86: {  	_ =	shalt  }
0x87: {  	_ =	shalt  }
.Lfunc_end0:
.L_simem_size_0:
called_computation_lowered:
.L_overlay_start_0:
0x88: {  	s2 =	sld [smem:$0x3FD9]  }
0x89: {  	s3 =	sld [smem:$0x3FFE];
	_ =	sdelay $0x1  }
0x8a: {  	s1 =	srdreg.scid  }
0x8b: {  	s0 =	sand.u32 $0x1, s1  }
0x8c: {  	s14 =	sshll.u32 s0, $0xA;
	s2 =	sadd.s32 s3, s2  }
0x8d: {  	s2 =	sadd.s32 s2, s14  }
0x8e: {  	[smem:$0x3FBF] =	sst s2  }
0x8f: {  	_ = 	snop  }
0x90: {  	s2 =	sld [smem:$0x3FD0];
	_ =	sdelay $0x1  }
0x91: {  	s15 =	sld [smem:$0x3FC8]  }
0x92: {  	s5 =	simm.s32 $0xA;
	s6 =	simm.s32 $0x10;
	s4 =	sld [smem:$0x3FC7]  }
0x93: {  	[smem:s6], [sflag:s5] =	dma.local [hbm:s2], $0x1  }
0x94: {  	_ =	swait.eq [sflag:s5], $0x1  }
0x95: {  	s16 =	sld [smem:$0x10];
	[sflag:s5] =	ssyncset.done $0x0  }
0x96: {  	s17 =	sld [smem:$0x11];
	[sflag:s5] =	ssyncadd.s32 $0xFFFFFFFF  }
0x97: {  	s18 =	sld [smem:$0x12];
	(tm) =	ssettm $0x1  }
0x98: {  	s7 =	sld [smem:$0x3FFB];
	_ =	sdelay $0x3  }
0x99: {  	_ =	strace s7  }
0x9a: {  	s7 =	sld [smem:$0x3FFC];
	_ =	sdelay $0x3  }
0x9b: {  	_ =	strace s7  }
0x9c: {  	s7 =	sld [smem:$0x3FFD];
	_ =	sdelay $0x3  }
0x9d: {  	_ =	strace s7  }
0x9e: {  	_ =	strace $0x8FFFFFFF  }
0x9f: {  	s19 =	sld [smem:$0x3FDB];
	_ =	sdelay $0x1  }
0xa0: {  	s8 =	simm.s32 $_scs_section_size  }
0xa1: {  	s9 =	simm.s32 $_size__tile_overlayer_lowered;
	s10 =	simm.s32 $_tile_overlayer_lowered  }
0xa2: {  	s22 =	simm.s32 $0x1BFF;
	s21 =	sshll.u32 s10, $0x1;
	s7 =	sadd.s32 s8, s19  }
0xa3: {  	s11 =	simm.s32 $0x0;
	s20 =	sshll.u32 s9, $0x1;
	s9 =	sadd.s32 s21, s7  }
0xa4: {  	[timem:s11], [sflag:s22] =	dma.local [hbm:s9], s20  }
0xa5: {  	_ =	swait.ge [sflag:s22], s20  }
0xa6: {  	s8 =	ssub.s32 $0x0, s20;
	[sflag:s22] =	ssyncset.done $0x0  }
0xa7: {  	[sflag:s22] =	ssyncadd.s32 s8;
	_ =	sdelay $0x1  }
0xa8: {  	s23 =	simm.s32 $0x1B8B  }
0xa9: {  	_ =	swait.ge [sflag:s23], $0x1  }
0xaa: {  	[sflag:s23] =	ssyncset.done $0x0  }
0xab: {  	s25 =	simm.s32 $0x1B8E;
	s24 =	sld [smem:$0x3FFE];
	[sflag:s23] =	ssyncadd.s32 $0xFFFFFFFF  }
0xac: {  	s26 =	simm.s32 $execute0_lowered;
	[smem:$0x3FD2] =	sst s25  }
0xad: {  	s9 =	sshll.u32 s26, $0x1;
	_ =	strace $0x80000046;
	[dreg:$0x1] =	wrdreg $0xFFFFFFFF  }
0xae: {  	s28 =	simm.s32 $_size_execute0_lowered;
	s7 =	sadd.s32 s7, s9;
	[dreg:$0x0] =	wrdreg $0x0  }
0xaf: {  	s9 =	sshll.u32 s28, $0x1;
	[dreg:$0x2] =	wrdreg s7  }
0xb0: {  	[dreg:$0x3] =	wrdreg s9  }
0xb1: {  	[dreg:$0x4] =	wrdreg $0xC0  }
0xb2: {  	_ =	task [dreg:s11], $0x5FFFF  }
0xb3: {  	[dreg:$0x1] =	wrdreg $0xFFFFFFFF  }
0xb4: {  	[dreg:$0x0] =	wrdreg $0x60  }
0xb5: {  	[dreg:$0x2] =	wrdreg s18  }
0xb6: {  	[dreg:$0x3] =	wrdreg s15  }
0xb7: {  	[dreg:$0x4] =	wrdreg s4  }
0xb8: {  	[dreg:$0x5] =	wrdreg s16  }
0xb9: {  	[dreg:$0x6] =	wrdreg s24  }
0xba: {  	[dreg:$0x7] =	wrdreg s17  }
0xbb: {  	[dreg:$0x8] =	wrdreg $0x1B5800  }
0xbc: {  	[dreg:$0x9] =	wrdreg $0x119400  }
0xbd: {  	[dreg:$0xa] =	wrdreg $0x9  }
0xbe: {  	_ =	task.clear_ibuf [dreg:s11], $0xBFFFF;
	_ =	strace $0x90000046  }
0xbf: {  	s29 =	simm.s32 $0x9;
	_ =	strace $0x80000048  }
0xc0: {  	_ =	swait.ge [sflag:s29], $0x1  }
0xc1: {  	[sflag:s29] =	ssyncadd.s32 $0xFFFFFFFF  }
0xc2: {  	_ =	strace $0x90000048  }
0xc3: {  	_ =	sfence  }
0xc4: {  	s30 =	sld [smem:$0x0];
	_ =	sdelay $0x2  }
0xc5: {  	s31 =	sshll.u32 s1, $0xD;
	s1 =	sshrl.u32 s1, $0x2  }
0xc6: {  	s3 =	sand.u32 $0x4000, s31;
	s1 =	sadd.s32 s1, s30  }
0xc7: {  	s0 =	sor.u32 s3, s0;
	s1 =	sshll.u32 s1, $0x11  }
0xc8: {  	s0 =	sor.u32 s1, s0  }
0xc9: {  	s0 =	sadd.s32 $0x8F2B, s0  }
0xca: {  	[sflag:s0] =	ssyncadd.remote.s32 $0x1  }
0xcb: {  	_ =	sfence.sel $0xFFFF  }
0xcc: {  	[dreg:$0x0] =	wrdreg $0xFFFFFFFF;
	(pc) =	sbr.abs _section_cstart, $3  }
0xcd: {  	[dreg:$0x1] =	wrdreg $0xFFFFFFFF  }
0xce: {  	_ =	task.clear_ibuf [dreg:s11], $0x2FFFF;
	_ =	strace $0x9FFFFFFF  }
0xcf: {  	(tm) =	ssettm $0x7FFFFFFF  }
tec
execute0_lowered:
.L_overlay_start_1:
0x0: {  	(tag) =	ssettag $0x1  }
0x1: {  	s0 =	rddreg [dreg:$0x0]  }
0x2: {  	s1 =	rddreg [dreg:$0x1]  }
0x3: {  	s4 =	rddreg [dreg:$0x2]  }
0x4: {  	s29 =	rddreg [dreg:$0x3]  }
0x5: {  	s5 =	rddreg [dreg:$0x4]  }
0x6: {  	s6 =	rddreg [dreg:$0x5];
	s15 =	stileid.u32  }
0x7: {  	s2 =	rddreg [dreg:$0x6];
	s9 =	smul.u32 $0x13880, s15  }
0x8: {  	s3 =	rddreg [dreg:$0x7];
	s26 =	smul.u32 $0x9C4, s15  }
0x9: {  	s7 =	srdreg.scid;
	s11 =	smul.u32 $0x9C40, s15  }
0xa: {  	s8 =	simm.s32 $0x0;
	s7 =	sand.u32 $0x1, s7;
	s13 =	smul.u32 $0x27100, s15  }
0xb: {  	s30 =	simm.s32 $0x9C40;
	[smem:$0x7FF] =	sst s8;
	s24 =	smul.u32 $0x138800, s7  }
0xc: {  	s10 =	sadd.s32 $0x2800, s5;
	s25 =	sadd.s32 $0x2600, s5;
	s17 =	smul.u32 $0x13880, s7  }
0xd: {  	_ =	strace $0x80000047;
	[dreg:$0xa] =	wrdreg s10;
	s19 =	smul.u32 $0x9C400, s7  }
0xe: {  	[dreg:$0xb] =	wrdreg s25;
	s28 =	ssub.s32 $0x2, s7;
	s23 =	smul.u32 $0x4E20, s7  }
0xf: {  	s12 =	sshrl.u32 s28, $0x1;
	s1 =	sadd.s32 s1, s26;
	s18 =	sshrl.u32 s13, $0x2  }
0x10: {  	s11 =	sshrl.u32 s11, $0x2;
	s4 =	sadd.s32 s4, s26;
	s8 =	sadd.s32 s9, s24  }
0x11: {  	s31 =	ssub.s32 s28, s12;
	[dreg:$0xc] =	wrdreg s1;
	s9 =	smul.u32 $0x7D, s7  }
0x12: {  	s13 =	sadd.s32 s18, s3;
	[dreg:$0xe] =	wrdreg s4;
	s20 =	sadd.s32 s11, s2  }
0x13: {  	s14 =	sadd.s32 s0, s17;
	s1 =	sshrl.u32 s19, $0x3;
	s26 =	sadd.s32 s6, s23  }
0x14: {  	s28 =	smul.u32 $0x4E2, s15;
	s19 =	simm.s32 $0x16;
	s4 =	simm.s32 $0x19  }
0x15: {  	s11 =	simm.s32 $0x0;
	s8 =	sshrl.u32 s8, $0x3;
	[dreg:$0xf] =	wrdreg s20  }
0x16: {  	[dreg:$0xd] =	wrdreg s13;
	s21 =	sadd.s32 $0x4E20, s13;
	s0 =	sadd.s32 s0, s1  }
0x17: {  	s31 =	smax.u32 s31, $0x1;
	s20 =	simm.s32 $0x1A;
	[dreg:$0x10] =	wrdreg s21  }
0x18: {  	s5 =	sadd.s32 s8, s5;
	s22 =	sadd.s32 $0x7D, s9;
	[dreg:$0x13] =	wrdreg s31  }
0x19: {  	s16 =	sadd.s32 $0x9C40, s0;
	s0 =	sadd.s32 s28, s26;
	[dreg:$0x9] =	wrdreg s22  }
0x1a: {  	s21 =	simm.s32 $0x18;
	s24 =	sadd.s32 $0x2E00, s5;
	[dreg:$0x14] =	wrdreg s0  }
0x1b: {  	s25 =	sadd.s32 $0x2E04, s5;
	s22 =	simm.s32 $0x50;
	[dreg:$0x11] =	wrdreg s24  }
0x1c: {  	s0 =	simm.s32 $0x15;
	[dreg:$0x12] =	wrdreg s25;
	s24 =	simm.s32 $0x17  }
.LBB2_1:
0x1d: {  	s5 =	simm.s32 $0x0;
	s1 =	rddreg [dreg:$0xb];
	s6 =	simm.s32 $0x11440  }
0x1e: {  	[tilespmem:s6], [sflag:$0x1A] =	stream.linear.gather [hbm4b:s1+s5], $0x500, $0x38;
	[tilespmem:$0x1DC90] =	vst v63  }
0x1f: {  	_ =	swait.ge [sflag:s20], $0x500  }
0x20: {  	[sflag:s20] =	ssyncset.done $0x0  }
0x21: {  	s13 =	rddreg [dreg:$0xc];
	[sflag:s20] =	ssyncadd.s32 $0xFFFFFB00  }
0x22: {  	[tilespmem:s5], [sflag:$0x1A] =	stream.linear.gather [hbm4b:s13+s5], $0x4E20, $0x38;
	[tilespmem:$0x1DC90] =	vst v63  }
0x23: {  	_ =	swait.ge [sflag:s20], $0x4E20  }
0x24: {  	s17 =	simm.s32 $0x4E20;
	[sflag:s20] =	ssyncset.done $0x0  }
0x25: {  	s18 =	stileid.u32;
	s15 =	rddreg [dreg:$0xe];
	[sflag:s20] =	ssyncadd.s32 $0xFFFFB1E0  }
0x26: {  	[tilespmem:s17], [sflag:$0x1A] =	stream.linear.gather [hbm4b:s15+s5], $0x4E20, $0x38;
	[tilespmem:$0x1DC90] =	vst v63  }
0x27: {  	s1 =	sshll.u32 s18, $0x6;
	_ =	swait.ge [sflag:s20], $0x4E20  }
0x28: {  	s12 =	sor.u32 $0x1C1A, s1;
	[sflag:s20] =	ssyncset.done $0x0;
	s23 =	rddreg [dreg:$0xf]  }
0x29: {  	s25 =	rddreg [dreg:$0xa];
	[sflag:s20] =	ssyncadd.s32 $0xFFFFB1E0;
	s13 =	sshrl.u32 s23, $0x3  }
0x2a: {  	[spmem:s13], [sflag:s12] =	dma.local [hbm:s25], $0x4E2  }
0x2b: {  	_ =	swait.ge [sflag:s20], $0x4E2  }
0x2c: {  	[sflag:s20] =	ssyncset.done $0x0;
	s26 =	rddreg [dreg:$0xd]  }
0x2d: {  	p0 =	por $0x0, $0x0;
	[sflag:s20] =	ssyncadd.s32 $0xFFFFFB1E;
	s15 =	sshrl.u32 s26, $0x3  }
0x2e: {  	[spmem:s15], [sflag:s12] =	dma.local [hbm:s29], $0x9C4  }
0x2f: {  	p2 =	por @!p0 $0x1, $0x1;
	s1 =	simm.s32 $0xB;
	_ =	swait.ge [sflag:s20], $0x9C4  }
0x30: {  	p1 =	por p2, p0;
	[sflag:s20] =	ssyncset.done $0x0;
	s28 =	rddreg [dreg:$0x10]  }
0x31: {  	s1 =	smul.u32 @!p1 $0xAB, s1;
	[sflag:s20] =	ssyncadd.s32 $0xFFFFF63C;
	s23 =	sshrl.u32 s28, $0x3  }
0x32: {  	[spmem:s23], [sflag:s12] =	dma.local [hbm:s29], $0x9C4  }
0x33: {  	s31 =	smov.u32 s29;
	_ =	swait.ge [sflag:s20], $0x9C4  }
0x34: {  	s7 =	simm.s32 $0xA0;
	s1 =	sshrl.u32 @!p1 s1, $0xB;
	[sflag:s20] =	ssyncset.done $0x0  }
0x35: {  	s8 =	simm.s32 $0xB040;
	s1 =	sand.u32 @!p1 $0x1F, s1;
	[sflag:s20] =	ssyncadd.s32 $0xFFFFF63C  }
0x36: {  	s10 =	simm.s32 $0xF0;
	s1 =	smul.u32 @!p1 $0xC, s1;
	[bflag:$0x0] =	sbarrier.arrive $0xFFFF  }
0x37: {  	[tilespmem:s30], [sflag:$0x1] =	stream.indirect.gather [hbm4b:s14+s22], $0x20, s5, s22, $0xb8;
	[tilespmem:$0x1DC90] =	vst v63  }
0x38: {  	s6 =	simm.s32 $0xA640;
	s18 =	simm.s32 $0x140;
	s1 =	ssub.s32 @!p1 $0xB, s1  }
0x39: {  	[tilespmem:s6], [sflag:$0x2] =	stream.indirect.gather [hbm4b:s14+s22], $0x20, s22, s22, $0xb8;
	[tilespmem:$0x1DC90] =	vst v63  }
0x3a: {  	p2 =	por !p2, p0;
	s17 =	simm.s32 $0xBA40;
	s1 =	sand.u32 @!p1 $0xFF, s1  }
0x3b: {  	[tilespmem:s8], [sflag:$0x3] =	stream.indirect.gather [hbm4b:s14+s22], $0x20, s7, s22, $0xb8;
	[tilespmem:$0x1DC90] =	vst v63  }
0x3c: {  	s25 =	simm.s32 $0xC440;
	s26 =	simm.s32 $0x190;
	s5 =	smul.u32 $0xAB, s5  }
0x3d: {  	[tilespmem:s17], [sflag:$0x4] =	stream.indirect.gather [hbm4b:s14+s22], $0x20, s10, s22, $0xb8;
	[tilespmem:$0x1DC90] =	vst v63  }
0x3e: {  	s28 =	simm.s32 $0xCE40;
	s29 =	simm.s32 $0x1E0;
	s5 =	sshrl.u32 s5, $0xB  }
0x3f: {  	[tilespmem:s25], [sflag:$0x5] =	stream.indirect.gather [hbm4b:s14+s22], $0x20, s18, s22, $0xb8;
	[tilespmem:$0x1DC90] =	vst v63  }
0x40: {  	s30 =	simm.s32 $0xD840;
	s6 =	simm.s32 $0x230;
	s5 =	sand.u32 $0x1F, s5  }
0x41: {  	[tilespmem:s28], [sflag:$0x6] =	stream.indirect.gather [hbm4b:s14+s22], $0x20, s26, s22, $0xb8;
	[tilespmem:$0x1DC90] =	vst v63  }
0x42: {  	s7 =	simm.s32 $0xE240;
	s8 =	simm.s32 $0x280;
	s5 =	smul.u32 $0xC, s5  }
0x43: {  	[tilespmem:s30], [sflag:$0x7] =	stream.indirect.gather [hbm4b:s14+s22], $0x20, s29, s22, $0xb8;
	[tilespmem:$0x1DC90] =	vst v63  }
0x44: {  	s10 =	simm.s32 $0xEC40;
	s17 =	simm.s32 $0x2D0;
	s5 =	ssub.s32 $0x0, s5  }
0x45: {  	[tilespmem:s7], [sflag:$0x8] =	stream.indirect.gather [hbm4b:s14+s22], $0x20, s6, s22, $0xb8;
	[tilespmem:$0x1DC90] =	vst v63  }
0x46: {  	s5 =	sand.u32 $0xFF, s5;
	s18 =	simm.s32 $0xF640;
	s25 =	simm.s32 $0x320  }
0x47: {  	[tilespmem:s10], [sflag:$0x9] =	stream.indirect.gather [hbm4b:s14+s22], $0x20, s8, s22, $0xb8;
	[tilespmem:$0x1DC90] =	vst v63  }
0x48: {  	s26 =	smul.u32 $0x2800, s5;
	s28 =	sadd.s32 $0x1, s5;
	s5 =	sadd.s32 $0xD, s5  }
0x49: {  	[tilespmem:s18], [sflag:$0xA] =	stream.indirect.gather [hbm4b:s14+s22], $0x20, s17, s22, $0xb8;
	[tilespmem:$0x1DC90] =	vst v63  }
0x4a: {  	s7 =	simm.s32 $0x10040;
	s6 =	sadd.s32 @!p1 $0xD, s1;
	s1 =	simm.s32 @!p2 $0xB  }
0x4b: {  	[tilespmem:s7], [sflag:$0xB] =	stream.indirect.gather [hbm4b:s14+s22], $0x20, s25, s22, $0xb8;
	[tilespmem:$0x1DC90] =	vst v63  }
0x4c: {  	s29 =	simm.s32 $0x4E20;
	s30 =	sshrl.u32 s26, $0x2;
	s25 =	smul.u32 @!p0 $0x2800, s1  }
0x4d: {  	p2 =	sgt.u32 s9, $0x0;
	s8 =	simm.s32 @!p0 $0x370;
	_ =	swait.ge @!p1 [sflag:s6], $0xA00  }
0x4e: {  	s18 =	simm.s32 @!p0 $0x50;
	[sflag:s6] =	ssyncset.done @!p1 $0x0;
	s25 =	sshrl.u32 @!p0 s25, $0x2  }
0x4f: {  	s1 =	sadd.s32 @!p0 $0x1, s1;
	[sflag:s6] =	ssyncadd.s32 @!p1 $0xFFFFF600;
	s6 =	sadd.s32 @!p0 $0x9C40, s25  }
0x50: {  	[tilespmem:s6], [sflag:s1] =	stream.indirect.gather @!p0 [hbm4b:s14+s18], $0x20, s8, s18, $0xb8;
	[tilespmem:$0x1DC90] =	vst v63  }
0x51: {  	s17 =	simm.s32 $0x140;
	s7 =	simm.s32 $0x280;
	s6 =	simm.s32 $0x1  }
0x52: {  	s18 =	sadd.s32 $0x9C40, s30;
	p0 =	por $0x0, $0x0;
	_ =	swait.ge [sflag:s28], $0xA00  }
0x53: {  	s1 =	simm.s32 $0xC;
	[sflag:s28] =	ssyncset.done $0x0;
	s25 =	rddreg [dreg:$0x9]  }
0x54: {  	p4 =	por @!p0 $0x0, $0x0;
	[sflag:s28] =	ssyncadd.s32 $0xFFFFF600;
	p3 =	sle.u32 @!p2 s25, $0x0  }
0x55: {  	[spmem:s3] =	stream.indirect.scatter.add.f32 [tilespmem:s18], [sflag:s5], $0x20, s29, s22, $0xb8;
	[tilespmem:$0x1DC90] =	vst v63  }
0x56: {  	p1 =	por p4, p0;
	s5 =	simm.s32 @!p0 $0x50;
	p5 =	por p3, p2  }
0x57: {  	s18 =	smul.u32 @!p1 $0xAB, s1;
	s25 =	simm.s32 @!p5 $0x0;
	s26 =	simm.s32 @!p5 $0x50  }
.LBB2_2:
0x58: {  	s5 =	sadd.s32 @!p0 $0x370, s5;
	s28 =	simm.s32 @!p5 $0x11440  }
0x59: {  	s8 =	smov.u32 s17;
	s17 =	smov.u32 s7;
	s7 =	sadd.s32 $0x140, s7  }
0x5a: {  	s10 =	smov.u32 s6;
	s29 =	smul.u32 $0xAB, s6;
	s18 =	sshrl.u32 @!p1 s18, $0xB  }
0x5b: {  	p3 =	slt.u32 s6, s9;
	s30 =	simm.s32 @!p0 $0x50;
	s18 =	sand.u32 @!p1 $0x1F, s18  }
0x5c: {  	s6 =	sadd.s32 $0x1, s6;
	p4 =	por !p4, p0;
	s18 =	smul.u32 @!p1 $0xC, s18  }
0x5d: {  	[spmem:s2] =	stream.indirect.scatter.add.f32 @!p5 [tilespmem:s28], [sflag:$0x19], $0x10, s25, s26, $0xb8;
	[tilespmem:$0x1DC90] =	vst v63  }
0x5e: {  	p2 =	sne.s32 s7, $0x13880;
	s28 =	sshrl.u32 s29, $0xB;
	s1 =	ssub.s32 @!p1 s1, s18  }
0x5f: {  	s29 =	sshra.s32 s8, $0x2;
	s18 =	sand.u32 $0x1F, s28;
	s1 =	sand.u32 @!p1 $0xFF, s1  }
0x60: {  	s18 =	smul.u32 $0xC, s18;
	s26 =	sadd.s32 @!p1 $0xD, s1;
	s1 =	simm.s32 @!p4 $0xB  }
0x61: {  	s25 =	sadd.s32 $0x4E20, s29;
	_ =	swait.ge @!p1 [sflag:s26], $0xA00;
	s28 =	smul.u32 @!p0 $0x2800, s1  }
0x62: {  	s1 =	sadd.s32 @!p0 $0x1, s1;
	s18 =	ssub.s32 s10, s18;
	[sflag:s26] =	ssyncset.done @!p1 $0x0  }
0x63: {  	s18 =	sand.u32 $0xFF, s18;
	[sflag:s26] =	ssyncadd.s32 @!p1 $0xFFFFF600;
	s26 =	sshrl.u32 @!p0 s28, $0x2  }
0x64: {  	s28 =	smul.u32 $0x2800, s18;
	s29 =	sadd.s32 $0x1, s18;
	s26 =	sadd.s32 @!p0 $0x9C40, s26  }
0x65: {  	[tilespmem:s26], [sflag:s1] =	stream.indirect.gather @!p0 [hbm4b:s14+s30], $0x20, s5, s30, $0xb8;
	[tilespmem:$0x1DC90] =	vst v63  }
0x66: {  	s28 =	sshrl.u32 s28, $0x2;
	s30 =	sadd.s32 $0xD, s18;
	p0 =	sgt.u32 s6, $0xEE  }
0x67: {  	_ =	swait.ge [sflag:s29], $0xA00;
	s1 =	sadd.s32 $0x9C40, s28;
	p4 =	seq.s32 @!p0 s17, $0x0  }
.Ltmp0:
0x68: {  	[sflag:s29] =	ssyncset.done $0x0;
	s18 =	rddreg [dreg:$0x9];
	(pc) =	sbr.rel @p2 .LBB2_2-.Ltmp0, $4  }
0x69: {  	s5 =	sshra.s32 @!p0 s17, $0x2;
	[sflag:s29] =	ssyncadd.s32 $0xFFFFF600;
	p5 =	sge.u32 @!p3 s10, s18  }
0x6a: {  	[spmem:s3] =	stream.indirect.scatter.add.f32 [tilespmem:s1], [sflag:s30], $0x20, s25, s22, $0xb8;
	[tilespmem:$0x1DC90] =	vst v63  }
0x6b: {  	p1 =	por p4, p0;
	s1 =	sadd.s32 $0xB, s6;
	p5 =	por p5, p3  }
0x6c: {  	s18 =	smul.u32 @!p1 $0xAB, s1;
	s25 =	sshra.s32 @!p5 s8, $0x2;
	s26 =	simm.s32 @!p5 $0x50  }
0x6d: {  	_ = 	snop  }
0x6e: {  	s8 =	simm.s32 @!p5 $0x11440;
	s7 =	sshrl.u32 @!p1 s18, $0xB  }
0x6f: {  	[spmem:s2] =	stream.indirect.scatter.add.f32 @!p5 [tilespmem:s8], [sflag:$0x19], $0x10, s25, s26, $0xb8;
	[tilespmem:$0x1DC90] =	vst v63  }
0x70: {  	s25 =	smul.u32 $0xAB, s6;
	s7 =	sand.u32 @!p1 $0x1F, s7  }
0x71: {  	s7 =	smul.u32 @!p1 $0xC, s7;
	_ =	sdelay $0x1  }
0x72: {  	s8 =	sshrl.u32 s25, $0xB;
	s1 =	ssub.s32 @!p1 s1, s7  }
0x73: {  	p2 =	por !p4, p0;
	s8 =	sand.u32 $0x1F, s8;
	s1 =	sand.u32 @!p1 $0xFF, s1  }
0x74: {  	s8 =	smul.u32 $0xC, s8;
	s7 =	sadd.s32 @!p1 $0xD, s1;
	s1 =	simm.s32 @!p2 $0xB  }
0x75: {  	s10 =	smul.u32 @!p0 $0x2800, s1  }
0x76: {  	s5 =	sadd.s32 @!p0 $0x370, s5;
	s26 =	ssub.s32 s6, s8;
	_ =	swait.ge @!p1 [sflag:s7], $0xA00  }
0x77: {  	s1 =	sadd.s32 @!p0 $0x1, s1;
	[sflag:s7] =	ssyncset.done @!p1 $0x0;
	s10 =	sshrl.u32 @!p0 s10, $0x2  }
0x78: {  	[sflag:s7] =	ssyncadd.s32 @!p1 $0xFFFFF600;
	s7 =	simm.s32 @!p0 $0x50;
	s10 =	sadd.s32 @!p0 $0x9C40, s10  }
0x79: {  	[tilespmem:s10], [sflag:s1] =	stream.indirect.gather @!p0 [hbm4b:s14+s7], $0x20, s5, s7, $0xb8;
	[tilespmem:$0x1DC90] =	vst v63  }
0x7a: {  	s28 =	sshra.s32 s17, $0x2;
	s1 =	sand.u32 $0xFF, s26  }
0x7b: {  	s5 =	sadd.s32 $0x4E20, s28;
	s29 =	smul.u32 $0x2800, s1;
	s30 =	sadd.s32 $0x1, s1  }
0x7c: {  	p0 =	slt.u32 s6, s9;
	s1 =	sadd.s32 $0xD, s1;
	_ =	swait.ge [sflag:s30], $0xA00  }
0x7d: {  	s7 =	sshrl.u32 s29, $0x2;
	[sflag:s30] =	ssyncset.done $0x0;
	s8 =	rddreg [dreg:$0x9]  }
0x7e: {  	s7 =	sadd.s32 $0x9C40, s7;
	[sflag:s30] =	ssyncadd.s32 $0xFFFFF600;
	p1 =	sge.u32 @!p0 s6, s8  }
0x7f: {  	[spmem:s3] =	stream.indirect.scatter.add.f32 [tilespmem:s7], [sflag:s1], $0x20, s5, s22, $0xb8;
	[tilespmem:$0x1DC90] =	vst v63  }
0x80: {  	s10 =	simm.s32 $0xD;
	p0 =	por p1, p0  }
0x81: {  	s1 =	sshra.s32 @!p0 s17, $0x2;
	s5 =	simm.s32 @!p0 $0x50;
	s6 =	simm.s32 @!p0 $0x11440  }
0x82: {  	[spmem:s2] =	stream.indirect.scatter.add.f32 @!p0 [tilespmem:s6], [sflag:$0x19], $0x10, s1, s5, $0xb8;
	[tilespmem:$0x1DC90] =	vst v63  }
0x83: {  	_ =	swait.ge [sflag:s10], $0xA00  }
0x84: {  	[sflag:s10] =	ssyncset.done $0x0  }
0x85: {  	s17 =	simm.s32 $0xE;
	[sflag:s10] =	ssyncadd.s32 $0xFFFFF600  }
0x86: {  	_ =	swait.ge [sflag:s17], $0xA00  }
0x87: {  	[sflag:s17] =	ssyncset.done $0x0  }
0x88: {  	s18 =	simm.s32 $0xF;
	[sflag:s17] =	ssyncadd.s32 $0xFFFFF600  }
0x89: {  	_ =	swait.ge [sflag:s18], $0xA00  }
0x8a: {  	[sflag:s18] =	ssyncset.done $0x0  }
0x8b: {  	s25 =	simm.s32 $0x10;
	[sflag:s18] =	ssyncadd.s32 $0xFFFFF600  }
0x8c: {  	_ =	swait.ge [sflag:s25], $0xA00  }
0x8d: {  	[sflag:s25] =	ssyncset.done $0x0  }
0x8e: {  	s26 =	simm.s32 $0x11;
	[sflag:s25] =	ssyncadd.s32 $0xFFFFF600  }
0x8f: {  	_ =	swait.ge [sflag:s26], $0xA00  }
0x90: {  	[sflag:s26] =	ssyncset.done $0x0  }
0x91: {  	s28 =	simm.s32 $0x12;
	[sflag:s26] =	ssyncadd.s32 $0xFFFFF600  }
0x92: {  	_ =	swait.ge [sflag:s28], $0xA00  }
0x93: {  	[sflag:s28] =	ssyncset.done $0x0  }
0x94: {  	s29 =	simm.s32 $0x13;
	[sflag:s28] =	ssyncadd.s32 $0xFFFFF600  }
0x95: {  	_ =	swait.ge [sflag:s29], $0xA00  }
0x96: {  	[sflag:s29] =	ssyncset.done $0x0  }
0x97: {  	s30 =	simm.s32 $0x14;
	[sflag:s29] =	ssyncadd.s32 $0xFFFFF600  }
0x98: {  	_ =	swait.ge [sflag:s30], $0xA00  }
0x99: {  	[sflag:s30] =	ssyncset.done $0x0  }
0x9a: {  	[sflag:s30] =	ssyncadd.s32 $0xFFFFF600  }
0x9b: {  	_ =	swait.ge [sflag:s0], $0xA00  }
0x9c: {  	[sflag:s0] =	ssyncset.done $0x0  }
0x9d: {  	[sflag:s0] =	ssyncadd.s32 $0xFFFFF600  }
0x9e: {  	_ =	swait.ge [sflag:s19], $0xA00  }
0x9f: {  	[sflag:s19] =	ssyncset.done $0x0  }
0xa0: {  	[sflag:s19] =	ssyncadd.s32 $0xFFFFF600  }
0xa1: {  	_ =	swait.ge [sflag:s24], $0xA00  }
0xa2: {  	[sflag:s24] =	ssyncset.done $0x0  }
0xa3: {  	[sflag:s24] =	ssyncadd.s32 $0xFFFFF600  }
0xa4: {  	_ =	swait.ge [sflag:s21], $0xA00  }
0xa5: {  	[sflag:s21] =	ssyncset.done $0x0  }
0xa6: {  	[sflag:s21] =	ssyncadd.s32 $0xFFFFF600  }
0xa7: {  	_ =	swait.ge [sflag:s4], $0x500  }
0xa8: {  	s1 =	simm.s32 $0x7C;
	[sflag:s4] =	ssyncset.done $0x0  }
.LBB2_4:
0xa9: {  	p0 =	sne.s32 s1, $0x1;
	s1 =	sadd.s32 $0xFFFFFFFF, s1;
	[sflag:s4] =	ssyncadd.s32 $0xFFFFFB00  }
.Ltmp1:
0xaa: {  	(pc) =	sbr.rel @p0 .LBB2_4-.Ltmp1, $3  }
0xab: {  	_ =	sdelay $0x1  }
0xac: {  	_ =	swait.ge [sflag:s4], $0x500  }
0xad: {  	[sflag:s4] =	ssyncset.done $0x0  }
0xae: {  	[sflag:s4] =	ssyncadd.s32 $0xFFFFFB00  }
0xaf: {  	s5 =	simm.s32 $0x1;
	[bflag:$0x0] =	sbarrier.arrive $0xFFFF  }
0xb0: {  	s6 =	simm.s32 $0x8;
	s7 =	simm.s32 $0x4;
	s1 =	rddreg [dreg:$0x11]  }
0xb1: {  	[hbm:s1@s6], [sflag:s12] =	dma.strided [spmem:s15@s7], $0x1388, s5, $0x4   }
0xb2: {  	_ =	swait.ge [sflag:s20], $0x1388  }
0xb3: {  	[sflag:s20] =	ssyncset.done $0x0  }
0xb4: {  	[sflag:s20] =	ssyncadd.s32 $0xFFFFEC78  }
0xb5: {  	[spmem:s15], [sflag:s12] =	dma.local [hbm:s31], $0x9C4  }
0xb6: {  	s29 =	smov.u32 s31;
	s30 =	simm.s32 $0x9C40;
	_ =	swait.ge [sflag:s20], $0x9C4  }
0xb7: {  	s8 =	simm.s32 $0xA640;
	p0 =	por $0x0, $0x0;
	[sflag:s20] =	ssyncset.done $0x0  }
0xb8: {  	s10 =	simm.s32 $0xA0;
	p2 =	por @!p0 $0x1, $0x1;
	[sflag:s20] =	ssyncadd.s32 $0xFFFFF63C  }
0xb9: {  	[spmem:s23], [sflag:s12] =	dma.local [hbm:s31], $0x9C4  }
0xba: {  	p1 =	por p2, p0;
	s5 =	simm.s32 $0xB;
	_ =	swait.ge [sflag:s20], $0x9C4  }
0xbb: {  	s17 =	simm.s32 $0xB040;
	s5 =	smul.u32 @!p1 $0xAB, s5;
	[sflag:s20] =	ssyncset.done $0x0  }
0xbc: {  	s18 =	simm.s32 $0xF0;
	s25 =	simm.s32 $0x140;
	[sflag:s20] =	ssyncadd.s32 $0xFFFFF63C  }
0xbd: {  	s1 =	simm.s32 $0x0;
	s5 =	sshrl.u32 @!p1 s5, $0xB;
	[bflag:$0x0] =	sbarrier.arrive $0xFFFF  }
0xbe: {  	[tilespmem:s30], [sflag:$0x1] =	stream.indirect.gather [hbm4b:s16+s22], $0x20, s1, s22, $0xb8;
	[tilespmem:$0x1DC90] =	vst v63  }
0xbf: {  	s26 =	simm.s32 $0xC440;
	s28 =	simm.s32 $0x190;
	s5 =	sand.u32 @!p1 $0x1F, s5  }
0xc0: {  	[tilespmem:s8], [sflag:$0x2] =	stream.indirect.gather [hbm4b:s16+s22], $0x20, s22, s22, $0xb8;
	[tilespmem:$0x1DC90] =	vst v63  }
0xc1: {  	p2 =	por !p2, p0;
	s7 =	simm.s32 $0x1E0;
	s5 =	smul.u32 @!p1 $0xC, s5  }
0xc2: {  	[tilespmem:s17], [sflag:$0x3] =	stream.indirect.gather [hbm4b:s16+s22], $0x20, s10, s22, $0xb8;
	[tilespmem:$0x1DC90] =	vst v63  }
0xc3: {  	s6 =	simm.s32 $0x1;
	s23 =	simm.s32 $0xBA40;
	s1 =	smul.u32 $0xAB, s1  }
0xc4: {  	[tilespmem:s23], [sflag:$0x4] =	stream.indirect.gather [hbm4b:s16+s22], $0x20, s18, s22, $0xb8;
	[tilespmem:$0x1DC90] =	vst v63  }
0xc5: {  	s5 =	ssub.s32 @!p1 $0xB, s5;
	s31 =	simm.s32 $0xCE40;
	s1 =	sshrl.u32 s1, $0xB  }
0xc6: {  	[tilespmem:s26], [sflag:$0x5] =	stream.indirect.gather [hbm4b:s16+s22], $0x20, s25, s22, $0xb8;
	[tilespmem:$0x1DC90] =	vst v63  }
0xc7: {  	s5 =	sand.u32 @!p1 $0xFF, s5;
	s8 =	simm.s32 $0xD840;
	s1 =	sand.u32 $0x1F, s1  }
0xc8: {  	[tilespmem:s31], [sflag:$0x6] =	stream.indirect.gather [hbm4b:s16+s22], $0x20, s28, s22, $0xb8;
	[tilespmem:$0x1DC90] =	vst v63  }
0xc9: {  	s10 =	simm.s32 $0x230;
	s17 =	simm.s32 $0xE240;
	s1 =	smul.u32 $0xC, s1  }
0xca: {  	[tilespmem:s8], [sflag:$0x7] =	stream.indirect.gather [hbm4b:s16+s22], $0x20, s7, s22, $0xb8;
	[tilespmem:$0x1DC90] =	vst v63  }
0xcb: {  	s18 =	simm.s32 $0x280;
	s23 =	simm.s32 $0xEC40;
	s1 =	ssub.s32 $0x0, s1  }
0xcc: {  	[tilespmem:s17], [sflag:$0x8] =	stream.indirect.gather [hbm4b:s16+s22], $0x20, s10, s22, $0xb8;
	[tilespmem:$0x1DC90] =	vst v63  }
0xcd: {  	s25 =	simm.s32 $0x2D0;
	s26 =	simm.s32 $0xF640;
	s28 =	simm.s32 $0x320  }
0xce: {  	[tilespmem:s23], [sflag:$0x9] =	stream.indirect.gather [hbm4b:s16+s22], $0x20, s18, s22, $0xb8;
	[tilespmem:$0x1DC90] =	vst v63  }
0xcf: {  	s31 =	simm.s32 $0x10040;
	s10 =	sadd.s32 @!p1 $0xD, s5;
	s5 =	simm.s32 @!p2 $0xB  }
0xd0: {  	[tilespmem:s26], [sflag:$0xA] =	stream.indirect.gather [hbm4b:s16+s22], $0x20, s25, s22, $0xb8;
	[tilespmem:$0x1DC90] =	vst v63  }
0xd1: {  	s7 =	simm.s32 $0x370;
	s8 =	simm.s32 $0x2;
	s18 =	smul.u32 @!p0 $0x2800, s5  }
0xd2: {  	[tilespmem:s31], [sflag:$0xB] =	stream.indirect.gather [hbm4b:s16+s22], $0x20, s28, s22, $0xb8;
	[tilespmem:$0x1DC90] =	vst v63  }
0xd3: {  	s17 =	simm.s32 $0x3C0;
	s23 =	simm.s32 $0x4E20;
	_ =	swait.ge @!p1 [sflag:s10], $0xA00  }
0xd4: {  	s5 =	sadd.s32 @!p0 $0x1, s5;
	s18 =	sshrl.u32 @!p0 s18, $0x2;
	[sflag:s10] =	ssyncset.done @!p1 $0x0  }
0xd5: {  	s18 =	sadd.s32 @!p0 $0x9C40, s18;
	[sflag:s10] =	ssyncadd.s32 @!p1 $0xFFFFF600;
	s10 =	simm.s32 @!p0 $0x50  }
0xd6: {  	[tilespmem:s18], [sflag:s5] =	stream.indirect.gather @!p0 [hbm4b:s16+s10], $0x20, s7, s10, $0xb8;
	[tilespmem:$0x1DC90] =	vst v63  }
0xd7: {  	p0 =	por $0x0, $0x0;
	s5 =	sand.u32 $0xFF, s1;
	s7 =	simm.s32 $0x4E70  }
0xd8: {  	s1 =	simm.s32 $0xC;
	p2 =	por @!p0 $0x0, $0x0;
	s26 =	smul.u32 $0x2800, s5  }
0xd9: {  	s25 =	sadd.s32 $0x1, s5;
	p1 =	por p2, p0;
	p2 =	por !p2, p0  }
.LBB2_6:
0xda: {  	s10 =	smul.u32 @!p1 $0xAB, s1;
	s18 =	sshrl.u32 s26, $0x2;
	_ =	swait.ge [sflag:s25], $0xA00  }
0xdb: {  	s26 =	smov.u32 s6;
	s6 =	smov.u32 s8;
	s28 =	smov.u32 s17  }
0xdc: {  	s8 =	sadd.s32 $0x1, s8;
	s18 =	sadd.s32 $0x9C40, s18;
	[sflag:s25] =	ssyncset.done $0x0  }
0xdd: {  	p3 =	sne.s32 s8, $0xFA;
	s10 =	sshrl.u32 @!p1 s10, $0xB;
	[sflag:s25] =	ssyncadd.s32 $0xFFFFF600  }
0xde: {  	s5 =	sadd.s32 $0xD, s5;
	s25 =	smul.u32 $0xAB, s26;
	s10 =	sand.u32 @!p1 $0x1F, s10  }
0xdf: {  	s10 =	smul.u32 @!p1 $0xC, s10  }
0xe0: {  	[spmem:s3] =	stream.indirect.scatter.add.f32 [tilespmem:s18], [sflag:s5], $0x20, s23, s22, $0xb8;
	[tilespmem:$0x1DC90] =	vst v63  }
0xe1: {  	s23 =	smov.u32 s7;
	s5 =	sshrl.u32 s25, $0xB;
	s1 =	ssub.s32 @!p1 s1, s10  }
0xe2: {  	s5 =	sand.u32 $0x1F, s5;
	s1 =	sand.u32 @!p1 $0xFF, s1  }
0xe3: {  	s5 =	smul.u32 $0xC, s5;
	s10 =	sadd.s32 @!p1 $0xD, s1;
	s1 =	simm.s32 @!p2 $0xB  }
0xe4: {  	s18 =	smul.u32 @!p0 $0x2800, s1;
	s1 =	sadd.s32 @!p0 $0x1, s1  }
0xe5: {  	s17 =	sadd.s32 $0x50, s17;
	s25 =	simm.s32 @!p0 $0x50;
	_ =	swait.ge @!p1 [sflag:s10], $0xA00  }
0xe6: {  	s5 =	ssub.s32 s26, s5;
	[sflag:s10] =	ssyncset.done @!p1 $0x0;
	s18 =	sshrl.u32 @!p0 s18, $0x2  }
.Ltmp2:
0xe7: {  	[sflag:s10] =	ssyncadd.s32 @!p1 $0xFFFFF600;
	s10 =	sadd.s32 @!p0 $0x9C40, s18;
	(pc) =	sbr.rel @p3 .LBB2_6-.Ltmp2, $4  }
0xe8: {  	[tilespmem:s10], [sflag:s1] =	stream.indirect.gather @!p0 [hbm4b:s16+s25], $0x20, s28, s25, $0xb8;
	[tilespmem:$0x1DC90] =	vst v63  }
0xe9: {  	s7 =	sadd.s32 $0x50, s7;
	s5 =	sand.u32 $0xFF, s5;
	p0 =	sgt.u32 s6, $0xEE  }
0xea: {  	s26 =	smul.u32 $0x2800, s5;
	s1 =	sadd.s32 $0xB, s6;
	p2 =	seq.s32 @!p0 s6, $0x0  }
0xeb: {  	s25 =	sadd.s32 $0x1, s5;
	p1 =	por p2, p0;
	p2 =	por !p2, p0  }
0xec: {  	s8 =	smul.u32 @!p1 $0xAB, s1  }
0xed: {  	_ =	swait.ge [sflag:s25], $0xA00  }
0xee: {  	s10 =	sshrl.u32 s26, $0x2;
	s5 =	sadd.s32 $0xD, s5;
	s8 =	sshrl.u32 @!p1 s8, $0xB  }
0xef: {  	s18 =	smul.u32 $0xAB, s6;
	[sflag:s25] =	ssyncset.done $0x0;
	s8 =	sand.u32 @!p1 $0x1F, s8  }
0xf0: {  	s10 =	sadd.s32 $0x9C40, s10;
	[sflag:s25] =	ssyncadd.s32 $0xFFFFF600;
	s8 =	smul.u32 @!p1 $0xC, s8  }
0xf1: {  	[spmem:s3] =	stream.indirect.scatter.add.f32 [tilespmem:s10], [sflag:s5], $0x20, s23, s22, $0xb8;
	[tilespmem:$0x1DC90] =	vst v63  }
0xf2: {  	s5 =	sshrl.u32 s18, $0xB;
	s1 =	ssub.s32 @!p1 s1, s8  }
0xf3: {  	s5 =	sand.u32 $0x1F, s5;
	s1 =	sand.u32 @!p1 $0xFF, s1  }
0xf4: {  	s5 =	smul.u32 $0xC, s5;
	s8 =	sadd.s32 @!p1 $0xD, s1;
	s1 =	simm.s32 @!p2 $0xB  }
0xf5: {  	s10 =	smul.u32 @!p0 $0x2800, s1  }
0xf6: {  	s23 =	ssub.s32 s6, s5;
	_ =	swait.ge @!p1 [sflag:s8], $0xA00  }
0xf7: {  	s1 =	sadd.s32 @!p0 $0x1, s1;
	[sflag:s8] =	ssyncset.done @!p1 $0x0;
	s10 =	sshrl.u32 @!p0 s10, $0x2  }
0xf8: {  	[sflag:s8] =	ssyncadd.s32 @!p1 $0xFFFFF600;
	s8 =	simm.s32 @!p0 $0x50;
	s10 =	sadd.s32 @!p0 $0x9C40, s10  }
0xf9: {  	[tilespmem:s10], [sflag:s1] =	stream.indirect.gather @!p0 [hbm4b:s16+s8], $0x20, s17, s8, $0xb8;
	[tilespmem:$0x1DC90] =	vst v63  }
0xfa: {  	s1 =	sand.u32 $0xFF, s23  }
0xfb: {  	s25 =	smul.u32 $0x2800, s1;
	s26 =	sadd.s32 $0x1, s1  }
0xfc: {  	_ =	swait.ge [sflag:s26], $0xA00  }
0xfd: {  	s28 =	simm.s32 $0xD;
	s5 =	sshrl.u32 s25, $0x2;
	[sflag:s26] =	ssyncset.done $0x0  }
0xfe: {  	s1 =	sadd.s32 $0xD, s1;
	[sflag:s26] =	ssyncadd.s32 $0xFFFFF600;
	s5 =	sadd.s32 $0x9C40, s5  }
0xff: {  	[spmem:s3] =	stream.indirect.scatter.add.f32 [tilespmem:s5], [sflag:s1], $0x20, s7, s22, $0xb8;
	[tilespmem:$0x1DC90] =	vst v63  }
0x100: {  	_ =	swait.ge [sflag:s28], $0xA00  }
0x101: {  	[sflag:s28] =	ssyncset.done $0x0  }
0x102: {  	s31 =	simm.s32 $0xE;
	[sflag:s28] =	ssyncadd.s32 $0xFFFFF600  }
0x103: {  	_ =	swait.ge [sflag:s31], $0xA00  }
0x104: {  	[sflag:s31] =	ssyncset.done $0x0  }
0x105: {  	s5 =	simm.s32 $0xF;
	[sflag:s31] =	ssyncadd.s32 $0xFFFFF600  }
0x106: {  	_ =	swait.ge [sflag:s5], $0xA00  }
0x107: {  	[sflag:s5] =	ssyncset.done $0x0  }
0x108: {  	s6 =	simm.s32 $0x10;
	[sflag:s5] =	ssyncadd.s32 $0xFFFFF600  }
0x109: {  	_ =	swait.ge [sflag:s6], $0xA00  }
0x10a: {  	[sflag:s6] =	ssyncset.done $0x0  }
0x10b: {  	s7 =	simm.s32 $0x11;
	[sflag:s6] =	ssyncadd.s32 $0xFFFFF600  }
0x10c: {  	_ =	swait.ge [sflag:s7], $0xA00  }
0x10d: {  	[sflag:s7] =	ssyncset.done $0x0  }
0x10e: {  	s8 =	simm.s32 $0x12;
	[sflag:s7] =	ssyncadd.s32 $0xFFFFF600  }
0x10f: {  	_ =	swait.ge [sflag:s8], $0xA00  }
0x110: {  	[sflag:s8] =	ssyncset.done $0x0  }
0x111: {  	s10 =	simm.s32 $0x13;
	[sflag:s8] =	ssyncadd.s32 $0xFFFFF600  }
0x112: {  	_ =	swait.ge [sflag:s10], $0xA00  }
0x113: {  	[sflag:s10] =	ssyncset.done $0x0  }
0x114: {  	s17 =	simm.s32 $0x14;
	[sflag:s10] =	ssyncadd.s32 $0xFFFFF600  }
0x115: {  	_ =	swait.ge [sflag:s17], $0xA00  }
0x116: {  	[sflag:s17] =	ssyncset.done $0x0  }
0x117: {  	[sflag:s17] =	ssyncadd.s32 $0xFFFFF600  }
0x118: {  	_ =	swait.ge [sflag:s0], $0xA00  }
0x119: {  	[sflag:s0] =	ssyncset.done $0x0  }
0x11a: {  	[sflag:s0] =	ssyncadd.s32 $0xFFFFF600  }
0x11b: {  	_ =	swait.ge [sflag:s19], $0xA00  }
0x11c: {  	[sflag:s19] =	ssyncset.done $0x0  }
0x11d: {  	[sflag:s19] =	ssyncadd.s32 $0xFFFFF600  }
0x11e: {  	_ =	swait.ge [sflag:s24], $0xA00  }
0x11f: {  	[sflag:s24] =	ssyncset.done $0x0  }
0x120: {  	[sflag:s24] =	ssyncadd.s32 $0xFFFFF600  }
0x121: {  	_ =	swait.ge [sflag:s21], $0xA00  }
0x122: {  	[sflag:s21] =	ssyncset.done $0x0  }
0x123: {  	[sflag:s21] =	ssyncadd.s32 $0xFFFFF600  }
0x124: {  	s23 =	simm.s32 $0x1;
	[bflag:$0x0] =	sbarrier.arrive $0xFFFF  }
0x125: {  	s25 =	simm.s32 $0x8;
	s26 =	simm.s32 $0x4;
	s18 =	rddreg [dreg:$0x12]  }
0x126: {  	[hbm:s18@s25], [sflag:s12] =	dma.strided [spmem:s15@s26], $0x1388, s23, $0x4   }
0x127: {  	_ =	swait.ge [sflag:s20], $0x1388  }
0x128: {  	[sflag:s20] =	ssyncset.done $0x0  }
0x129: {  	s28 =	rddreg [dreg:$0x14];
	[sflag:s20] =	ssyncadd.s32 $0xFFFFEC78  }
0x12a: {  	[hbm:s28], [sflag:s12] =	dma.local [spmem:s13], $0x4E2  }
0x12b: {  	_ =	swait.ge [sflag:s20], $0x4E2  }
0x12c: {  	s11 =	sadd.s32 $0x1, s11;
	s31 =	rddreg [dreg:$0x13]  }
0x12d: {  	p0 =	sne.s32 s11, s31  }
.Ltmp3:
0x12e: {  	_ = 	snop;
	(pc) =	sbr.rel @p0 .LBB2_1-.Ltmp3, $3  }
0x12f: {  	_ =	sdelay $0x1  }
0x130: {  	[sflag:s20] =	ssyncset.done $0x0  }
0x131: {  	[sflag:s20] =	ssyncadd.s32 $0xFFFFFB1E  }
0x132: {  	_ =	sfence.sel $0x180000  }
0x133: {  	[bflag:$0x0] =	sbarrier.arrive $0xFFFF  }
0x134: {  	_ =	strace $0x90000047  }
0x135: {  	s0 =	stileid.u32;
	[bflag:$0x2] =	sbarrier.arrive $0xFFFF  }
0x136: {  	p0 =	sne.s32 s0, $0x0;
	s0 =	rddreg [dreg:$0x8]  }
0x137: {  	s0 =	sadd.s32 @!p0 $0x100000, s0  }
0x138: {  	[sflag:s0] =	ssyncadd.tile.s32 @!p0 $0x1;
	_ =	shalt  }
.Lfunc_end2:
_tile_overlayer_lowered:
.L_overlay_start_2:
0x139: {  	(tag) =	ssettag $0x2  }
0x13a: {  	s0 =	rddreg [dreg:$0x0];
	s2 =	stileid.u32  }
0x13b: {  	s1 =	rddreg [dreg:$0x1];
	p0 =	sne.s32 s2, $0x0  }
0x13c: {  	s3 =	rddreg [dreg:$0x2];
	[bflag:$0x3] =	sbarrier.arrive $0xFFFF;
	s2 =	simm.s32 @!p0 $0x1C1A  }
0x13d: {  	[timem:s3], [sflag:s2] =	dma.local @!p0 [hbm:s0], s1  }
0x13e: {  	s0 =	simm.s32 @!p0 $0x1A  }
0x13f: {  	_ =	swait.ge @!p0 [sflag:s0], s1  }
0x140: {  	s1 =	ssub.s32 @!p0 $0x0, s1;
	[sflag:s0] =	ssyncset.done @!p0 $0x0  }
0x141: {  	[sflag:s0] =	ssyncadd.s32 @!p0 s1  }
0x142: {  	[bflag:$0x3] =	sbarrier.arrive $0xFFFF  }
0x143: {  	_ =	shalt  }

// kernel: kernel.8.cloned.1.call-start
scs
__scs_entry_jumppad:
0x0: {  	(pc) =	sbr.rel $0x88, $3  }
0x1: {  	(tag) =	ssettag $0x0;
	lr =	simm.s32 $0x1  }
0x2: {  	[smem:$0x3F98] =	sst lr;
	_ =	strace $0xD0000000  }
0x3: {  	_ = 	snop  }
0x4: {  	_ = 	snop  }
0x5: {  	_ = 	snop  }
0x6: {  	_ = 	snop  }
0x7: {  	_ = 	snop  }
__scs_overlays_trampoline_lowered:
0x8: {  	[smem:$0x3FA7] =	sst s0  }
0x9: {  	[smem:$0x3FA8] =	sst s1  }
0xa: {  	[smem:$0x3FA9] =	sst s2  }
0xb: {  	[smem:$0x3FAA] =	sst s3  }
0xc: {  	[smem:$0x3FAB] =	sst s4  }
0xd: {  	[smem:$0x3FAC] =	sst s5  }
0xe: {  	[smem:$0x3FAD] =	sst s6  }
0xf: {  	[smem:$0x3FAE] =	sst s7  }
0x10: {  	[smem:$0x3FAF] =	sst s8  }
0x11: {  	[smem:$0x3FB0] =	sst s9;
	s0 =	simm.s32 @!p0 $0x0  }
0x12: {  	s1 =	sld [smem:$0x3F96];
	s0 =	simm.s32 @p0 $0x1  }
0x13: {  	[smem:$0x3FB1] =	sst s0;
	s0 =	simm.s32 @!p1 $0x0  }
0x14: {  	s2 =	sld [smem:$0x3F95];
	s0 =	simm.s32 @p1 $0x1  }
0x15: {  	[smem:$0x3FB2] =	sst s0;
	s0 =	simm.s32 @!p2 $0x0  }
0x16: {  	s3 =	sld [smem:$0x3FDB];
	s0 =	simm.s32 @p2 $0x1  }
0x17: {  	s4 =	simm.s32 $0x1BF5;
	[smem:$0x3FB4] =	sst s0  }
0x18: {  	s0 =	sld [smem:$0x3F97];
	_ =	swait.ge [sflag:s4], $0x0  }
0x19: {  	s7 =	sld [smem:$0x3F98]  }
0x1a: {  	s8 =	sadd.s32 $0xFFFFE003, lr  }
0x1b: {  	s9 =	sadd.s32 $0xFFFFFEF7, lr;
	s5 =	simm.s32 $0xFFFFFFFF;
	p2 =	slt.u32 s8, $0xFFFFF086  }
0x1c: {  	p1 =	slt.u32 s9, $0xF7A;
	s5 =	simm.s32 @!p2 $0x0  }
0x1d: {  	s5 =	simm.s32 @p1 $0x1;
	p0 =	seq.s32 s7, s2  }
0x1e: {  	s7 =	smul.u32 @!p0 $0xF7A, s2;
	p2 =	seq.s32 @!p0 s5, $0x0  }
0x1f: {  	s9 =	smul.u32 $0xF7A, s1;
	s8 =	simm.s32 @!p0 $0x1BF5;
	p2 =	por !p2, p0  }
0x20: {  	[sflag:s8] =	ssyncset.s32 @!p0 $0xFFFFF086;
	s6 =	sadd.s32 @!p0 s3, s7;
	s7 =	simm.s32 @!p0 $0x108  }
0x21: {  	s3 =	sadd.s32 s3, s9;
	s6 =	sadd.s32 @!p0 $0x88, s6;
	s7 =	simm.s32 @p2 $0x1082  }
0x22: {  	[simem:s7], [sflag:s8] =	dma.local @!p0 [hbm:s6], $0xF7A  }
0x23: {  	s9 =	sor.u32 $0xD0000000, s2;
	s6 =	simm.s32 $0x108;
	_ =	swait.ge @!p0 [sflag:s8], $0x0  }
0x24: {  	s3 =	sadd.s32 $0x88, s3;
	s6 =	simm.s32 @!p1 $0x1082;
	[sflag:s4] =	ssyncset.s32 $0xFFFFF086  }
0x25: {  	[simem:s6], [sflag:s4] =	dma.local [hbm:s3], $0xF7A  }
0x26: {  	[smem:$0x3F98] =	sst s1;
	(tag) =	ssettag s2;
	_ =	strace s9  }
0x27: {  	s1 =	sld [smem:$0x3FA8]  }
0x28: {  	s2 =	sld [smem:$0x3FA9]  }
0x29: {  	s4 =	sld [smem:$0x3FAB]  }
0x2a: {  	p0 =	seq.s32 s5, $0x0;
	s5 =	sld [smem:$0x3FAC]  }
0x2b: {  	s6 =	sld [smem:$0x3FAD]  }
0x2c: {  	s7 =	sld [smem:$0x3FAE]  }
0x2d: {  	s3 =	simm.s32 $0x108;
	s8 =	sld [smem:$0x3FAF]  }
0x2e: {  	s3 =	simm.s32 @!p0 $0x1082;
	s9 =	sld [smem:$0x3FB0]  }
0x2f: {  	lr =	sadd.s32 s0, s3;
	s0 =	sld [smem:$0x3FA7]  }
0x30: {  	s3 =	sld [smem:$0x3FAA]  }
0x31: {  	[smem:$0x3FB3] =	sst s10  }
0x32: {  	s10 =	sld [smem:$0x3FB1];
	_ =	sdelay $0x3  }
0x33: {  	p0 =	seq.s32 s10, $0x1;
	s10 =	sld [smem:$0x3FB3];
	_ =	sdelay $0x3  }
0x34: {  	[smem:$0x3FB3] =	sst s10  }
0x35: {  	s10 =	sld [smem:$0x3FB2];
	_ =	sdelay $0x3  }
0x36: {  	p1 =	seq.s32 s10, $0x1;
	s10 =	sld [smem:$0x3FB3];
	_ =	sdelay $0x3  }
0x37: {  	[smem:$0x3FB3] =	sst s10  }
0x38: {  	s10 =	sld [smem:$0x3FB4]  }
0x39: {  	_ = 	snop;
	(pc) =	sbr.ind lr, $3  }
0x3a: {  	_ = 	snop  }
0x3b: {  	_ = 	snop  }
0x3c: {  	p2 =	seq.s32 s10, $0x1;
	s10 =	sld [smem:$0x3FB3]  }
0x3d: {  	_ =	shalt  }
0x3e: {  	_ =	shalt  }
0x3f: {  	_ =	shalt  }
0x40: {  	_ =	shalt  }
0x41: {  	_ =	shalt  }
0x42: {  	_ =	shalt  }
0x43: {  	_ =	shalt  }
0x44: {  	_ =	shalt  }
0x45: {  	_ =	shalt  }
0x46: {  	_ =	shalt  }
0x47: {  	_ =	shalt  }
0x48: {  	_ =	shalt  }
0x49: {  	_ =	shalt  }
0x4a: {  	_ =	shalt  }
0x4b: {  	_ =	shalt  }
0x4c: {  	_ =	shalt  }
0x4d: {  	_ =	shalt  }
0x4e: {  	_ =	shalt  }
0x4f: {  	_ =	shalt  }
0x50: {  	_ =	shalt  }
0x51: {  	_ =	shalt  }
0x52: {  	_ =	shalt  }
0x53: {  	_ =	shalt  }
0x54: {  	_ =	shalt  }
0x55: {  	_ =	shalt  }
0x56: {  	_ =	shalt  }
0x57: {  	_ =	shalt  }
0x58: {  	_ =	shalt  }
0x59: {  	_ =	shalt  }
0x5a: {  	_ =	shalt  }
0x5b: {  	_ =	shalt  }
0x5c: {  	_ =	shalt  }
0x5d: {  	_ =	shalt  }
0x5e: {  	_ =	shalt  }
0x5f: {  	_ =	shalt  }
0x60: {  	_ =	shalt  }
0x61: {  	_ =	shalt  }
0x62: {  	_ =	shalt  }
0x63: {  	_ =	shalt  }
0x64: {  	_ =	shalt  }
0x65: {  	_ =	shalt  }
0x66: {  	_ =	shalt  }
0x67: {  	_ =	shalt  }
0x68: {  	_ =	shalt  }
0x69: {  	_ =	shalt  }
0x6a: {  	_ =	shalt  }
0x6b: {  	_ =	shalt  }
0x6c: {  	_ =	shalt  }
0x6d: {  	_ =	shalt  }
0x6e: {  	_ =	shalt  }
0x6f: {  	_ =	shalt  }
0x70: {  	_ =	shalt  }
0x71: {  	_ =	shalt  }
0x72: {  	_ =	shalt  }
0x73: {  	_ =	shalt  }
0x74: {  	_ =	shalt  }
0x75: {  	_ =	shalt  }
0x76: {  	_ =	shalt  }
0x77: {  	_ =	shalt  }
0x78: {  	_ =	shalt  }
0x79: {  	_ =	shalt  }
0x7a: {  	_ =	shalt  }
0x7b: {  	_ =	shalt  }
0x7c: {  	_ =	shalt  }
0x7d: {  	_ =	shalt  }
0x7e: {  	_ =	shalt  }
0x7f: {  	_ =	shalt  }
0x80: {  	_ =	shalt  }
0x81: {  	_ =	shalt  }
0x82: {  	_ =	shalt  }
0x83: {  	_ =	shalt  }
0x84: {  	_ =	shalt  }
0x85: {  	_ =	shalt  }
0x86: {  	_ =	shalt  }
0x87: {  	_ =	shalt  }
.Lfunc_end0:
.L_simem_size_0:
called_computation.1_lowered:
.L_overlay_start_0:
0x88: {  	s2 =	sld [smem:$0x3FD9]  }
0x89: {  	s3 =	sld [smem:$0x3FFE];
	_ =	sdelay $0x1  }
0x8a: {  	s1 =	srdreg.scid  }
0x8b: {  	s0 =	sand.u32 $0x1, s1  }
0x8c: {  	s14 =	sshll.u32 s0, $0xA;
	s2 =	sadd.s32 s3, s2  }
0x8d: {  	s2 =	sadd.s32 s2, s14  }
0x8e: {  	[smem:$0x3FBF] =	sst s2  }
0x8f: {  	_ = 	snop  }
0x90: {  	s2 =	sld [smem:$0x3FD0];
	_ =	sdelay $0x1  }
0x91: {  	s15 =	sld [smem:$0x3FC8]  }
0x92: {  	s5 =	simm.s32 $0xA;
	s6 =	simm.s32 $0x10;
	s4 =	sld [smem:$0x3FC7]  }
0x93: {  	[smem:s6], [sflag:s5] =	dma.local [hbm:s2], $0x1  }
0x94: {  	_ =	swait.eq [sflag:s5], $0x1  }
0x95: {  	[sflag:s5] =	ssyncset.done $0x0  }
0x96: {  	s16 =	sld [smem:$0x10];
	[sflag:s5] =	ssyncadd.s32 $0xFFFFFFFF  }
0x97: {  	s17 =	sld [smem:$0x12];
	(tm) =	ssettm $0x1  }
0x98: {  	s18 =	sld [smem:$0x3FFB];
	_ =	sdelay $0x3  }
0x99: {  	_ =	strace s18  }
0x9a: {  	s6 =	sld [smem:$0x3FFC];
	_ =	sdelay $0x3  }
0x9b: {  	_ =	strace s6  }
0x9c: {  	s6 =	sld [smem:$0x3FFD];
	_ =	sdelay $0x3  }
0x9d: {  	_ =	strace s6  }
0x9e: {  	_ =	strace $0x8FFFFFFF  }
0x9f: {  	s19 =	sld [smem:$0x3FDB];
	_ =	sdelay $0x1  }
0xa0: {  	s7 =	simm.s32 $_scs_section_size  }
0xa1: {  	s8 =	simm.s32 $_size__tile_overlayer_lowered;
	s9 =	simm.s32 $_tile_overlayer_lowered  }
0xa2: {  	s22 =	simm.s32 $0x1BFF;
	s21 =	sshll.u32 s9, $0x1;
	s6 =	sadd.s32 s7, s19  }
0xa3: {  	s10 =	simm.s32 $0x0;
	s20 =	sshll.u32 s8, $0x1;
	s8 =	sadd.s32 s21, s6  }
0xa4: {  	[timem:s10], [sflag:s22] =	dma.local [hbm:s8], s20  }
0xa5: {  	_ =	swait.ge [sflag:s22], s20  }
0xa6: {  	s7 =	ssub.s32 $0x0, s20;
	[sflag:s22] =	ssyncset.done $0x0  }
0xa7: {  	[sflag:s22] =	ssyncadd.s32 s7;
	_ =	sdelay $0x1  }
0xa8: {  	s23 =	simm.s32 $0x1B8B  }
0xa9: {  	_ =	swait.ge [sflag:s23], $0x1  }
0xaa: {  	[sflag:s23] =	ssyncset.done $0x0  }
0xab: {  	s25 =	simm.s32 $0x1B8E;
	s24 =	sld [smem:$0x3FFE];
	[sflag:s23] =	ssyncadd.s32 $0xFFFFFFFF  }
0xac: {  	s26 =	simm.s32 $execute0_lowered;
	[smem:$0x3FD2] =	sst s25  }
0xad: {  	s8 =	sshll.u32 s26, $0x1;
	_ =	strace $0x80000049;
	[dreg:$0x1] =	wrdreg $0xFFFFFFFF  }
0xae: {  	s28 =	simm.s32 $_size_execute0_lowered;
	s6 =	sadd.s32 s6, s8;
	[dreg:$0x0] =	wrdreg $0x0  }
0xaf: {  	s8 =	sshll.u32 s28, $0x1;
	[dreg:$0x2] =	wrdreg s6  }
0xb0: {  	[dreg:$0x3] =	wrdreg s8  }
0xb1: {  	[dreg:$0x4] =	wrdreg $0xC0  }
0xb2: {  	_ =	task [dreg:s10], $0x5FFFF  }
0xb3: {  	[dreg:$0x1] =	wrdreg $0xFFFFFFFF  }
0xb4: {  	[dreg:$0x0] =	wrdreg $0x60  }
0xb5: {  	[dreg:$0x2] =	wrdreg s24  }
0xb6: {  	[dreg:$0x3] =	wrdreg s15  }
0xb7: {  	[dreg:$0x4] =	wrdreg s4  }
0xb8: {  	[dreg:$0x5] =	wrdreg s16  }
0xb9: {  	[dreg:$0x6] =	wrdreg s17  }
0xba: {  	[dreg:$0x7] =	wrdreg $0x13C400  }
0xbb: {  	[dreg:$0x8] =	wrdreg $0x9  }
0xbc: {  	_ =	task.clear_ibuf [dreg:s10], $0x9FFFF;
	_ =	strace $0x90000049  }
0xbd: {  	s29 =	simm.s32 $0x9;
	_ =	strace $0x8000004B  }
0xbe: {  	_ =	swait.ge [sflag:s29], $0x1  }
0xbf: {  	[sflag:s29] =	ssyncadd.s32 $0xFFFFFFFF  }
0xc0: {  	_ =	strace $0x9000004B  }
0xc1: {  	_ =	sfence  }
0xc2: {  	s30 =	sld [smem:$0x0];
	_ =	sdelay $0x2  }
0xc3: {  	s31 =	sshll.u32 s1, $0xD;
	s1 =	sshrl.u32 s1, $0x2  }
0xc4: {  	s3 =	sand.u32 $0x4000, s31;
	s1 =	sadd.s32 s1, s30  }
0xc5: {  	s0 =	sor.u32 s3, s0;
	s1 =	sshll.u32 s1, $0x11  }
0xc6: {  	s0 =	sor.u32 s1, s0  }
0xc7: {  	s0 =	sadd.s32 $0x8F2B, s0  }
0xc8: {  	[sflag:s0] =	ssyncadd.remote.s32 $0x1  }
0xc9: {  	_ =	sfence.sel $0xFFFF  }
0xca: {  	[dreg:$0x0] =	wrdreg $0xFFFFFFFF;
	(pc) =	sbr.abs _section_cstart, $3  }
0xcb: {  	[dreg:$0x1] =	wrdreg $0xFFFFFFFF  }
0xcc: {  	_ =	task.clear_ibuf [dreg:s10], $0x2FFFF;
	_ =	strace $0x9FFFFFFF  }
0xcd: {  	(tm) =	ssettm $0x7FFFFFFF  }
tec
execute0_lowered:
.L_overlay_start_1:
0x0: {  	(tag) =	ssettag $0x1  }
0x1: {  	s0 =	rddreg [dreg:$0x0]  }
0x2: {  	s1 =	rddreg [dreg:$0x1]  }
0x3: {  	s4 =	rddreg [dreg:$0x2]  }
0x4: {  	s8 =	rddreg [dreg:$0x4]  }
0x5: {  	s2 =	rddreg [dreg:$0x5];
	s3 =	simm.s32 $0x0  }
0x6: {  	s5 =	srdreg.scid;
	s12 =	stileid.u32;
	s13 =	simm.s32 $0x9C40  }
0x7: {  	s30 =	simm.s32 $0x1;
	s31 =	simm.s32 $0x50;
	s14 =	simm.s32 $0xC  }
0x8: {  	s15 =	simm.s32 $0xD;
	s16 =	simm.s32 $0xE;
	s9 =	smul.u32 $0x27100, s12  }
0x9: {  	s17 =	simm.s32 $0xF;
	s18 =	simm.s32 $0x10;
	s10 =	smul.u32 $0x9C4, s12  }
0xa: {  	s19 =	simm.s32 $0x0;
	s5 =	sand.u32 $0x1, s5;
	s26 =	smul.u32 $0x1388, s12  }
0xb: {  	[smem:$0x7FF] =	sst s3;
	s29 =	sshll.u32 s12, $0x6;
	s6 =	smul.u32 $0x27100, s5  }
0xc: {  	_ =	strace $0x8000004A;
	s7 =	ssub.s32 $0x2, s5;
	s22 =	smul.u32 $0x13880, s5  }
0xd: {  	s20 =	sshrl.u32 s7, $0x1;
	s21 =	sshrl.u32 s9, $0x2;
	s1 =	sadd.s32 s1, s10  }
0xe: {  	s23 =	sadd.s32 s4, s10;
	s9 =	simm.s32 $0x11;
	s10 =	simm.s32 $0x4E20  }
0xf: {  	s4 =	simm.s32 $0xA;
	s0 =	sadd.s32 s6, s0;
	[dreg:$0x7] =	wrdreg s1  }
0x10: {  	s11 =	ssub.s32 s7, s20;
	[dreg:$0x8] =	wrdreg s23;
	s24 =	sadd.s32 s21, s2  }
0x11: {  	s25 =	sadd.s32 s8, s22;
	s1 =	simm.s32 $0xB;
	s7 =	sadd.s32 $0x2E00, s0  }
0x12: {  	s28 =	smax.u32 s11, $0x1;
	s11 =	sor.u32 $0x1C11, s29;
	s12 =	sshrl.u32 s24, $0x3  }
0x13: {  	s24 =	sadd.s32 s26, s25;
	s0 =	simm.s32 $0x9;
	[dreg:$0x9] =	wrdreg s28  }
.LBB2_1:
0x14: {  	s5 =	rddreg [dreg:$0x7]  }
0x15: {  	[tilespmem:s3], [sflag:$0x11] =	stream.linear.gather [hbm4b:s5+s3], $0x4E20, $0x38;
	[tilespmem:$0x1D880] =	vst v63  }
0x16: {  	_ =	swait.ge [sflag:s9], $0x4E20  }
0x17: {  	[sflag:s9] =	ssyncset.done $0x0  }
0x18: {  	s8 =	rddreg [dreg:$0x8];
	[sflag:s9] =	ssyncadd.s32 $0xFFFFB1E0  }
0x19: {  	[tilespmem:s10], [sflag:$0x11] =	stream.linear.gather [hbm4b:s8+s3], $0x4E20, $0x38;
	[tilespmem:$0x1D880] =	vst v63  }
0x1a: {  	_ =	swait.ge [sflag:s9], $0x4E20  }
0x1b: {  	[sflag:s9] =	ssyncset.done $0x0  }
0x1c: {  	[sflag:s9] =	ssyncadd.s32 $0xFFFFB1E0  }
0x1d: {  	s20 =	rddreg [dreg:$0x3]  }
0x1e: {  	[spmem:s12], [sflag:s11] =	dma.local [hbm:s20], $0x1388  }
0x1f: {  	_ =	swait.ge [sflag:s9], $0x1388  }
0x20: {  	[sflag:s9] =	ssyncset.done $0x0  }
0x21: {  	[sflag:s9] =	ssyncadd.s32 $0xFFFFEC78  }
0x22: {  	[bflag:$0x0] =	sbarrier.arrive $0xFFFF  }
0x23: {  	[tilespmem:s13], [sflag:$0x1] =	stream.indirect.gather [hbm4b:s7+s31], $0x40, s10, s31, $0xb8;
	[tilespmem:$0x1D880] =	vst v63  }
0x24: {  	s21 =	simm.s32 $0x4E70;
	s6 =	simm.s32 $0xB040  }
0x25: {  	[tilespmem:s6], [sflag:$0x2] =	stream.indirect.gather [hbm4b:s7+s31], $0x40, s21, s31, $0xb8;
	[tilespmem:$0x1D880] =	vst v63  }
0x26: {  	s22 =	simm.s32 $0x4EC0;
	s23 =	simm.s32 $0xC440  }
0x27: {  	[tilespmem:s23], [sflag:$0x3] =	stream.indirect.gather [hbm4b:s7+s31], $0x40, s22, s31, $0xb8;
	[tilespmem:$0x1D880] =	vst v63  }
0x28: {  	s25 =	simm.s32 $0x4F10;
	s26 =	simm.s32 $0xD840  }
0x29: {  	[tilespmem:s26], [sflag:$0x4] =	stream.indirect.gather [hbm4b:s7+s31], $0x40, s25, s31, $0xb8;
	[tilespmem:$0x1D880] =	vst v63  }
0x2a: {  	s28 =	simm.s32 $0x4F60;
	s29 =	simm.s32 $0xEC40  }
0x2b: {  	[tilespmem:s29], [sflag:$0x5] =	stream.indirect.gather [hbm4b:s7+s31], $0x40, s28, s31, $0xb8;
	[tilespmem:$0x1D880] =	vst v63  }
0x2c: {  	s8 =	simm.s32 $0x10040;
	s6 =	simm.s32 $0x4FB0  }
0x2d: {  	[tilespmem:s8], [sflag:$0x6] =	stream.indirect.gather [hbm4b:s7+s31], $0x40, s6, s31, $0xb8;
	[tilespmem:$0x1D880] =	vst v63  }
0x2e: {  	s20 =	simm.s32 $0x5000;
	s21 =	simm.s32 $0x11440  }
0x2f: {  	[tilespmem:s21], [sflag:$0x7] =	stream.indirect.gather [hbm4b:s7+s31], $0x40, s20, s31, $0xb8;
	[tilespmem:$0x1D880] =	vst v63  }
0x30: {  	s22 =	simm.s32 $0x5050;
	s23 =	simm.s32 $0x12840  }
0x31: {  	[tilespmem:s23], [sflag:$0x8] =	stream.indirect.gather [hbm4b:s7+s31], $0x40, s22, s31, $0xb8;
	[tilespmem:$0x1D880] =	vst v63  }
0x32: {  	p0 =	por $0x0, $0x0;
	s20 =	simm.s32 $0x8;
	_ =	swait.ge [sflag:s30], $0x1400  }
0x33: {  	s21 =	simm.s32 $0x1;
	s20 =	sand.u32 @!p0 $0x7, s20;
	[sflag:s30] =	ssyncset.done $0x0  }
0x34: {  	s22 =	sadd.s32 @!p0 $0x9, s20;
	s23 =	smul.u32 @!p0 $0x5000, s20;
	[sflag:s30] =	ssyncadd.s32 $0xFFFFEC00  }
0x35: {  	[spmem:s2] =	stream.indirect.scatter.add.f32 [tilespmem:s13], [sflag:$0x9], $0x40, s3, s31, $0xb8;
	[tilespmem:$0x1D880] =	vst v63  }
0x36: {  	s25 =	simm.s32 $0x50A0;
	s26 =	sand.u32 $0x7, s21;
	_ =	swait.ge @!p0 [sflag:s22], $0x1400  }
0x37: {  	s20 =	sadd.s32 @!p0 $0x1, s20;
	s21 =	sshrl.u32 @!p0 s23, $0x2;
	[sflag:s22] =	ssyncset.done @!p0 $0x0  }
0x38: {  	s23 =	simm.s32 @!p0 $0x50;
	s21 =	sadd.s32 @!p0 $0x9C40, s21;
	[sflag:s22] =	ssyncadd.s32 @!p0 $0xFFFFEC00  }
0x39: {  	[tilespmem:s21], [sflag:s20] =	stream.indirect.gather @!p0 [hbm4b:s7+s23], $0x40, s25, s23, $0xb8;
	[tilespmem:$0x1D880] =	vst v63  }
0x3a: {  	s28 =	sadd.s32 $0x1, s26;
	s22 =	simm.s32 $0x50F0;
	s25 =	smul.u32 $0x5000, s26  }
0x3b: {  	s20 =	simm.s32 $0x9;
	s21 =	simm.s32 $0xA0;
	_ =	swait.ge [sflag:s28], $0x1400  }
0x3c: {  	s26 =	sadd.s32 $0x9, s26;
	s29 =	sshrl.u32 s25, $0x2;
	[sflag:s28] =	ssyncset.done $0x0  }
0x3d: {  	s23 =	simm.s32 $0x50;
	s25 =	sadd.s32 $0x9C40, s29;
	[sflag:s28] =	ssyncadd.s32 $0xFFFFEC00  }
.LBB2_2:
0x3e: {  	[spmem:s2] =	stream.indirect.scatter.add.f32 [tilespmem:s25], [sflag:s26], $0x40, s23, s31, $0xb8;
	[tilespmem:$0x1D880] =	vst v63  }
0x3f: {  	s23 =	sadd.s32 $0xFFFFFFF9, s20;
	s25 =	smov.u32 s20;
	s20 =	sadd.s32 $0x1, s20  }
0x40: {  	p1 =	sgt.u32 s23, $0xF2;
	s26 =	sand.u32 $0x7, s23;
	p0 =	sne.s32 s20, $0x101  }
0x41: {  	s23 =	smov.u32 s21;
	s25 =	sand.u32 @!p1 $0x7, s25;
	s28 =	smul.u32 $0x5000, s26  }
0x42: {  	s29 =	sadd.s32 @!p1 $0x9, s25;
	s5 =	smul.u32 @!p1 $0x5000, s25;
	s25 =	sadd.s32 @!p1 $0x1, s25  }
0x43: {  	s6 =	sadd.s32 $0x1, s26;
	s28 =	sshrl.u32 s28, $0x2;
	_ =	swait.ge @!p1 [sflag:s29], $0x1400  }
0x44: {  	s8 =	simm.s32 @!p1 $0x50;
	s5 =	sshrl.u32 @!p1 s5, $0x2;
	[sflag:s29] =	ssyncset.done @!p1 $0x0  }
.Ltmp0:
0x45: {  	s5 =	sadd.s32 @!p1 $0x9C40, s5;
	[sflag:s29] =	ssyncadd.s32 @!p1 $0xFFFFEC00;
	(pc) =	sbr.rel @p0 .LBB2_2-.Ltmp0, $4  }
0x46: {  	[tilespmem:s5], [sflag:s25] =	stream.indirect.gather @!p1 [hbm4b:s7+s8], $0x40, s22, s8, $0xb8;
	[tilespmem:$0x1D880] =	vst v63  }
0x47: {  	_ =	swait.ge [sflag:s6], $0x1400  }
0x48: {  	s21 =	sadd.s32 $0x50, s21;
	s22 =	sadd.s32 $0x50, s22;
	[sflag:s6] =	ssyncset.done $0x0  }
0x49: {  	s26 =	sadd.s32 $0x9, s26;
	s25 =	sadd.s32 $0x9C40, s28;
	[sflag:s6] =	ssyncadd.s32 $0xFFFFEC00  }
0x4a: {  	[spmem:s2] =	stream.indirect.scatter.add.f32 [tilespmem:s25], [sflag:s26], $0x40, s23, s31, $0xb8;
	[tilespmem:$0x1D880] =	vst v63  }
0x4b: {  	_ =	swait.ge [sflag:s0], $0x1400  }
0x4c: {  	[sflag:s0] =	ssyncset.done $0x0  }
0x4d: {  	[sflag:s0] =	ssyncadd.s32 $0xFFFFEC00  }
0x4e: {  	_ =	swait.ge [sflag:s4], $0x1400  }
0x4f: {  	[sflag:s4] =	ssyncset.done $0x0  }
0x50: {  	[sflag:s4] =	ssyncadd.s32 $0xFFFFEC00  }
0x51: {  	_ =	swait.ge [sflag:s1], $0x1400  }
0x52: {  	[sflag:s1] =	ssyncset.done $0x0  }
0x53: {  	[sflag:s1] =	ssyncadd.s32 $0xFFFFEC00  }
0x54: {  	_ =	swait.ge [sflag:s14], $0x1400  }
0x55: {  	[sflag:s14] =	ssyncset.done $0x0  }
0x56: {  	[sflag:s14] =	ssyncadd.s32 $0xFFFFEC00  }
0x57: {  	_ =	swait.ge [sflag:s15], $0x1400  }
0x58: {  	[sflag:s15] =	ssyncset.done $0x0  }
0x59: {  	[sflag:s15] =	ssyncadd.s32 $0xFFFFEC00  }
0x5a: {  	_ =	swait.ge [sflag:s16], $0x1400  }
0x5b: {  	[sflag:s16] =	ssyncset.done $0x0  }
0x5c: {  	[sflag:s16] =	ssyncadd.s32 $0xFFFFEC00  }
0x5d: {  	_ =	swait.ge [sflag:s17], $0x1400  }
0x5e: {  	[sflag:s17] =	ssyncset.done $0x0  }
0x5f: {  	[sflag:s17] =	ssyncadd.s32 $0xFFFFEC00  }
0x60: {  	_ =	swait.ge [sflag:s18], $0x1400  }
0x61: {  	[sflag:s18] =	ssyncset.done $0x0  }
0x62: {  	[sflag:s18] =	ssyncadd.s32 $0xFFFFEC00  }
0x63: {  	[bflag:$0x0] =	sbarrier.arrive $0xFFFF  }
0x64: {  	[hbm:s24], [sflag:s11] =	dma.local [spmem:s12], $0x1388  }
0x65: {  	_ =	swait.ge [sflag:s9], $0x1388  }
0x66: {  	s19 =	sadd.s32 $0x1, s19;
	s5 =	rddreg [dreg:$0x9]  }
0x67: {  	p0 =	sne.s32 s19, s5  }
.Ltmp1:
0x68: {  	_ = 	snop;
	(pc) =	sbr.rel @p0 .LBB2_1-.Ltmp1, $3  }
0x69: {  	_ =	sdelay $0x1  }
0x6a: {  	[sflag:s9] =	ssyncset.done $0x0  }
0x6b: {  	[sflag:s9] =	ssyncadd.s32 $0xFFFFEC78  }
0x6c: {  	_ =	sfence.sel $0x180000  }
0x6d: {  	[bflag:$0x0] =	sbarrier.arrive $0xFFFF  }
0x6e: {  	_ =	strace $0x9000004A  }
0x6f: {  	s0 =	stileid.u32;
	[bflag:$0x2] =	sbarrier.arrive $0xFFFF  }
0x70: {  	p0 =	sne.s32 s0, $0x0;
	s0 =	rddreg [dreg:$0x6]  }
0x71: {  	s0 =	sadd.s32 @!p0 $0x100000, s0  }
0x72: {  	[sflag:s0] =	ssyncadd.tile.s32 @!p0 $0x1;
	_ =	shalt  }
.Lfunc_end2:
_tile_overlayer_lowered:
.L_overlay_start_2:
0x73: {  	(tag) =	ssettag $0x2  }
0x74: {  	s0 =	rddreg [dreg:$0x0];
	s2 =	stileid.u32  }
0x75: {  	s1 =	rddreg [dreg:$0x1];
	p0 =	sne.s32 s2, $0x0  }
0x76: {  	s3 =	rddreg [dreg:$0x2];
	[bflag:$0x3] =	sbarrier.arrive $0xFFFF;
	s2 =	simm.s32 @!p0 $0x1C11  }
0x77: {  	[timem:s3], [sflag:s2] =	dma.local @!p0 [hbm:s0], s1  }
0x78: {  	s0 =	simm.s32 @!p0 $0x11  }
0x79: {  	_ =	swait.ge @!p0 [sflag:s0], s1  }
0x7a: {  	s1 =	ssub.s32 @!p0 $0x0, s1;
	[sflag:s0] =	ssyncset.done @!p0 $0x0  }
0x7b: {  	[sflag:s0] =	ssyncadd.s32 @!p0 s1  }
0x7c: {  	[bflag:$0x3] =	sbarrier.arrive $0xFFFF  }
0x7d: {  	_ =	shalt  }

</sc_bundles>
